<compile_context>
chip_gen: v7x
topology: tpu7x:2x2x1
jax: 0.10.2.dev20260603
libtpu: 0.0.44.dev20260713+nightly
codegen_flags: <defaults>
</compile_context>

<pallas_src>
import functools

import jax
import jax.numpy as jnp
from jax import lax
from jax.experimental import pallas as pl
from jax.experimental.pallas import tpu as pltpu
from jax.experimental.pallas import tpu_sc as plsc

_DT = 0.001
_TAU_SYN_INV = 200.0
_TAU_MEM_INV = 100.0
_V_TH = 0.5

_B, _S = 16, 2048
_IN_F, _HID_F, _OUT_F = 1024, 4096, 256
_T = 31
_ZWORDS = _T * _IN_F


def _sc_scatter(x):
    mesh = plsc.VectorSubcoreMesh(core_axis_name="c", subcore_axis_name="s")

    @functools.partial(
        pl.kernel,
        mesh=mesh,
        compiler_params=pltpu.CompilerParams(needs_layout_passes=False),
        out_type=jax.ShapeDtypeStruct((_T, _B, _IN_F), jnp.float32),
        scratch_types=[
            pltpu.VMEM((_S * 4,), jnp.float32),
            pltpu.VMEM((_T, _IN_F), jnp.float32),
        ],
    )
    def k(x_hbm, out_hbm, xloc, zloc):
        cid = lax.axis_index("c")
        sid = lax.axis_index("s")
        wid = sid * 2 + cid

        @pl.when(wid < _B)
        def _():
            b = wid
            pltpu.sync_copy(x_hbm.at[b], xloc)

            zero16 = jnp.zeros((16,), jnp.float32)

            def zero_row(r, carry):
                for c in range(_IN_F // 16):
                    zloc[r, pl.ds(c * 16, 16)] = zero16
                return carry

            lax.fori_loop(0, _T, zero_row, 0)

            lanes = lax.iota(jnp.int32, 16)
            nxt_idx = jnp.minimum(lanes + 1, 15)
            gdn = lax.GatherDimensionNumbers(
                offset_dims=(), collapsed_slice_dims=(0,), start_index_map=(0,)
            )

            def chunk(ci, carry):
                base = (ci * 16 + lanes) * 4
                e0 = plsc.load_gather(xloc, [base])
                e1 = plsc.load_gather(xloc, [base + 1])
                ev = plsc.load_gather(xloc, [base + 2])
                et = plsc.load_gather(xloc, [base + 3])
                feat = (e0 * e1).astype(jnp.int32)
                ts = et.astype(jnp.int32)
                key = ts * _IN_F + feat
                sortk = key * 16 + lanes
                sk, sv = plsc.sort_key_val(sortk, ev)
                key_s = lax.shift_right_logical(sk, 4)
                nxt = lax.gather(
                    key_s,
                    nxt_idx[:, None],
                    gdn,
                    (1,),
                    mode=lax.GatherScatterMode.PROMISE_IN_BOUNDS,
                )
                keep = ((key_s != nxt) | (lanes == 15)) & (key_s < _ZWORDS)
                ts_s = lax.shift_right_logical(key_s, 10)
                ft_s = lax.bitwise_and(key_s, _IN_F - 1)
                plsc.store_scatter(zloc, [ts_s, ft_s], sv, mask=keep)
                return carry

            lax.fori_loop(0, _S // 16, chunk, 0)
            pltpu.sync_copy(zloc, out_hbm.at[:, b])

    return k(x.reshape(_B, _S * 4))


_NCHUNK = 32
_CROWS = _HID_F // _NCHUNK
_WICHUNK = 16
_WIROWS = _HID_F // _WICHUNK


def _rnn_kernel(
    zt_ref,
    w_in_hbm,
    w_rec_hbm,
    w_out_ref,
    out_ref,
    i_in_s,
    wrec16,
    zh_s,
    z_s,
    v_s,
    i_s,
    y_s,
    vo_s,
    io_s,
    wtmp0,
    wtmp1,
    witmp0,
    witmp1,
    wch16,
    zt16_s,
    sem0,
    sem1,
    wisem0,
    wisem1,
):
    bufs = (wtmp0, wtmp1)
    sems = (sem0, sem1)
    wibufs = (witmp0, witmp1)
    wisems = (wisem0, wisem1)
    pltpu.make_async_copy(w_in_hbm.at[pl.ds(0, _WIROWS), :], wibufs[0], wisems[0]).start()
    pltpu.make_async_copy(w_in_hbm.at[pl.ds(_WIROWS, _WIROWS), :], wibufs[1], wisems[1]).start()
    pltpu.make_async_copy(w_rec_hbm.at[pl.ds(0, _CROWS), :], bufs[0], sems[0]).start()
    pltpu.make_async_copy(w_rec_hbm.at[pl.ds(_CROWS, _CROWS), :], bufs[1], sems[1]).start()

    def wrec_chunk(k):
        pltpu.make_async_copy(
            w_rec_hbm.at[pl.ds(k * _CROWS, _CROWS), :], bufs[k % 2], sems[k % 2]
        ).wait()
        for p in range(4):
            blk = bufs[k % 2][:, pl.ds(p * (_HID_F // 4), _HID_F // 4)]
            wrec16[pl.ds(p * (_HID_F // 4), _HID_F // 4), pl.ds(k * _CROWS, _CROWS)] = (
                jnp.swapaxes(blk.astype(jnp.bfloat16), 0, 1)
            )
        if k + 2 < _NCHUNK:
            pltpu.make_async_copy(
                w_rec_hbm.at[pl.ds((k + 2) * _CROWS, _CROWS), :],
                bufs[k % 2],
                sems[k % 2],
            ).start()

    zt16_s[...] = zt_ref[...].astype(jnp.bfloat16)
    for k in range(_WICHUNK):
        pltpu.make_async_copy(
            w_in_hbm.at[pl.ds(k * _WIROWS, _WIROWS), :], wibufs[k % 2], wisems[k % 2]
        ).wait()
        for p in range(2):
            blk = wibufs[k % 2][:, pl.ds(p * (_IN_F // 2), _IN_F // 2)]
            wch16[pl.ds(p * (_IN_F // 2), _IN_F // 2), :] = jnp.swapaxes(
                blk.astype(jnp.bfloat16), 0, 1
            )
        if k + 2 < _WICHUNK:
            pltpu.make_async_copy(
                w_in_hbm.at[pl.ds((k + 2) * _WIROWS, _WIROWS), :],
                wibufs[k % 2],
                wisems[k % 2],
            ).start()
        i_in_s[:, pl.ds(k * _WIROWS, _WIROWS)] = lax.dot_general(
            zt16_s[...],
            wch16[...],
            (((1,), (0,)), ((), ())),
            preferred_element_type=jnp.float32,
        )
        wrec_chunk(k)

    z_s[...] = jnp.zeros_like(z_s)
    v_s[...] = jnp.zeros_like(v_s)
    i_s[...] = jnp.zeros_like(i_s)

    def warm_step(t):
        v = v_s[...]
        i = i_s[...]
        v_dec = v + _DT * _TAU_MEM_INV * ((0.0 - v) + i)
        i_dec = i - _DT * _TAU_SYN_INV * i
        z_new = ((v_dec - _V_TH) > 0.0).astype(jnp.float32)
        v_s[...] = (1.0 - z_new) * v_dec
        i_s[...] = i_dec + i_in_s[pl.ds(t * _B, _B), :]
        z16 = z_new.astype(jnp.bfloat16)
        z_s[...] = z16
        zh_s[pl.ds(t * _B, _B), :] = z16

    warm_step(0)
    warm_step(1)

    for k in range(_WICHUNK, _NCHUNK):
        wrec_chunk(k)

    def step(t, carry):
        v = v_s[...]
        i = i_s[...]
        v_dec = v + _DT * _TAU_MEM_INV * ((0.0 - v) + i)
        i_dec = i - _DT * _TAU_SYN_INV * i
        z_new = ((v_dec - _V_TH) > 0.0).astype(jnp.float32)
        v_s[...] = (1.0 - z_new) * v_dec
        rec = lax.dot_general(
            z_s[...],
            wrec16[...],
            (((1,), (0,)), ((), ())),
            preferred_element_type=jnp.float32,
        )
        i_s[...] = (i_dec + i_in_s[pl.ds(t * _B, _B), :]) + rec
        z16 = z_new.astype(jnp.bfloat16)
        z_s[...] = z16
        zh_s[pl.ds(t * _B, _B), :] = z16
        return carry

    lax.fori_loop(2, _T, step, 0)

    y_s[...] = lax.dot_general(
        zh_s[...],
        w_out_ref[...],
        (((1,), (1,)), ((), ())),
        preferred_element_type=jnp.float32,
    )

    vo_s[...] = jnp.zeros_like(vo_s)
    io_s[...] = jnp.zeros_like(io_s)

    def li_step(t, carry):
        vo = vo_s[...]
        io = io_s[...]
        y = y_s[pl.ds(t * _B, _B), :]
        vo_new = vo + _DT * _TAU_MEM_INV * ((0.0 - vo) + io)
        io_s[...] = io - _DT * _TAU_SYN_INV * io + y
        vo_s[...] = vo_new
        out_ref[pl.ds(t * _B, _B), :] = vo_new
        return carry

    lax.fori_loop(0, _T, li_step, 0)


def kernel(x, W_in, W_rec, W_out):
    z = _sc_scatter(x)
    zt = z.reshape(_T * _B, _IN_F)
    v_out = pl.pallas_call(
        _rnn_kernel,
        out_shape=jax.ShapeDtypeStruct((_T * _B, _OUT_F), jnp.float32),
        in_specs=[
            pl.BlockSpec(memory_space=pltpu.MemorySpace.VMEM),
            pl.BlockSpec(memory_space=pltpu.MemorySpace.HBM),
            pl.BlockSpec(memory_space=pltpu.MemorySpace.HBM),
            pl.BlockSpec(memory_space=pltpu.MemorySpace.VMEM),
        ],
        scratch_shapes=[
            pltpu.VMEM((_T * _B, _HID_F), jnp.float32),
            pltpu.VMEM((_HID_F, _HID_F), jnp.bfloat16),
            pltpu.VMEM((_T * _B, _HID_F), jnp.bfloat16),
            pltpu.VMEM((_B, _HID_F), jnp.bfloat16),
            pltpu.VMEM((_B, _HID_F), jnp.float32),
            pltpu.VMEM((_B, _HID_F), jnp.float32),
            pltpu.VMEM((_T * _B, _OUT_F), jnp.float32),
            pltpu.VMEM((_B, _OUT_F), jnp.float32),
            pltpu.VMEM((_B, _OUT_F), jnp.float32),
            pltpu.VMEM((_CROWS, _HID_F), jnp.float32),
            pltpu.VMEM((_CROWS, _HID_F), jnp.float32),
            pltpu.VMEM((_WIROWS, _IN_F), jnp.float32),
            pltpu.VMEM((_WIROWS, _IN_F), jnp.float32),
            pltpu.VMEM((_IN_F, _WIROWS), jnp.bfloat16),
            pltpu.VMEM((_T * _B, _IN_F), jnp.bfloat16),
            pltpu.SemaphoreType.DMA,
            pltpu.SemaphoreType.DMA,
            pltpu.SemaphoreType.DMA,
            pltpu.SemaphoreType.DMA,
        ],
        compiler_params=pltpu.CompilerParams(vmem_limit_bytes=58 * 1024 * 1024),
    )(zt, W_in, W_rec, W_out.astype(jnp.bfloat16))
    return v_out.reshape(_T, _B, _OUT_F)

# --- scband reference (transcript-rebuilt; emitter-appended) ---
"""Pipeline reference for scband-simple-snn-26319559590633 (READ-ONLY COPY).

The authoritative reference and input builder live on the scoring server;
editing this copy changes nothing except your own understanding.
"""

import jax, jax.numpy as jnp
import numpy as np

DT = 0.001
TAU_SYN_INV = 200.0
TAU_MEM_INV = 100.0
V_TH = 0.5
V_LEAK = 0.0
V_RESET = 0.0
ALPHA = 100.0

@jax.custom_vjp
def heaviside(x):
    # norse: torch.gt(x, 0) forward, SuperSpike surrogate backward
    return (x > 0).astype(x.dtype)

def _heaviside_fwd(x):
    return heaviside(x), x

def _heaviside_bwd(x, g):
    return (g / (ALPHA * jnp.abs(x) + 1.0) ** 2,)

heaviside.defvjp(_heaviside_fwd, _heaviside_bwd)

B, S = 16, 2048
IN_F, HID_F, OUT_F = 1024, 4096, 256

def setup_inputs(seed: int = 0):
    key = jax.random.key(seed)
    k1, k2, k3, k4, k5, k6, k7 = jax.random.split(key, 7)
    e0 = jax.random.randint(k1, (B, S), 0, 32)
    e1 = jax.random.randint(k2, (B, S), 0, 32)
    ev = jax.random.randint(k3, (B, S), 0, 32)
    et = jax.random.randint(k4, (B, S), 0, 32)
    et = et.at[0, 0].set(31)  # pin T = 31 deterministically
    x = jnp.stack([e0, e1, ev, et], axis=-1).astype(jnp.float32)
    # LIFRecurrentCell weights (norse init: randn * sqrt(2/hidden))
    W_in = jax.random.normal(k5, (HID_F, IN_F), dtype=jnp.float32) * np.sqrt(2.0 / HID_F)
    W_rec = jax.random.normal(k6, (HID_F, HID_F), dtype=jnp.float32) * np.sqrt(2.0 / HID_F)
    # fc_out: Linear(hidden, output, bias=False), kaiming-uniform-ish scale
    W_out = jax.random.normal(k7, (OUT_F, HID_F), dtype=jnp.float32) * np.sqrt(1.0 / HID_F)
    return {"x": x, "W_in": W_in, "W_rec": W_rec, "W_out": W_out}

def _build_spike_grid(x, n_in):
    # Faithful translation of the per-timestep event scatter:
    #   z[i][event[0]*event[1]] = event[2] for events with event[3]==ts
    # Events at ts == T are dropped in the original (loop is range(T));
    # we scatter into T+1 slots and slice off the last one.
    b, s, _ = x.shape
    T = 31
    b_idx = jnp.broadcast_to(jnp.arange(b)[:, None], (b, s)).reshape(-1)
    feat = (x[:, :, 0] * x[:, :, 1]).astype(jnp.int32).reshape(-1)
    ts = x[:, :, 3].astype(jnp.int32).reshape(-1)
    val = x[:, :, 2].reshape(-1).astype(jnp.float32)
    Z = jnp.zeros((T + 1, b, n_in), dtype=jnp.float32).at[ts, b_idx, feat].set(val)
    return Z[:T], T

def _snn_forward(Z, W_in, W_rec, W_out):
    T, b, _ = Z.shape
    H = W_in.shape[0]
    O = W_out.shape[0]

    def step(carry, z_in):
        z_prev, v, i, vo, io = carry
        # LIFRecurrentCell (norse lif_step)
        v_dec = v + DT * TAU_MEM_INV * ((V_LEAK - v) + i)
        i_dec = i - DT * TAU_SYN_INV * i
        z_new = heaviside(v_dec - V_TH)
        v_new = (1.0 - z_new) * v_dec + z_new * V_RESET
        i_new = i_dec + z_in @ W_in.T + z_prev @ W_rec.T
        # fc_out
        y = z_new @ W_out.T
        # LICell (norse li_feed_forward_step): voltage uses PREVIOUS input current
        vo_new = vo + DT * TAU_MEM_INV * ((V_LEAK - vo) + io)
        io_new = io - DT * TAU_SYN_INV * io + y
        return (z_new, v_new, i_new, vo_new, io_new), vo_new

    init = (
        jnp.zeros((b, H), jnp.float32),
        jnp.zeros((b, H), jnp.float32),
        jnp.zeros((b, H), jnp.float32),
        jnp.zeros((b, O), jnp.float32),
        jnp.zeros((b, O), jnp.float32),
    )
    _, voltages = jax.lax.scan(step, init, Z)
    return voltages  # [T, batch, output_features]

def reference(x, W_in, W_rec, W_out):
    Z, _ = _build_spike_grid(x, W_in.shape[1])
    return _snn_forward(Z, W_in, W_rec, W_out)

if __name__ == "__main__":
    import jax
    _d = setup_inputs()
    print(jax.jit(kernel)(*tuple(_d.values())))

</pallas_src>

<mosaic_0001>
#map = affine_map<(d0, d1) -> (0, 0)>
#map1 = affine_map<(d0, d1) -> (0, 0, 0)>
module attributes {stable_mosaic.version = 14 : i64} {
  func.func @k(%arg0: i32, %arg1: i32, %arg2: memref<16x8192xf32, #tpu.memory_space<hbm>>, %arg3: memref<31x16x1024xf32, #tpu.memory_space<hbm>>, %arg4: memref<8192xf32, #tpu.memory_space<vmem>>, %arg5: memref<31x1024xf32, #tpu.memory_space<vmem>>) attributes {dimension_semantics = [#tpu.dimension_semantics<core_parallel>, #tpu.dimension_semantics<subcore_parallel>], iteration_bounds = array<i64: 2, 16>, scalar_prefetch = 0 : i64, scratch_operands = 2 : i64, tpu.core_type = #tpu.core_type<sc_vector_subcore>, window_params = [{transform_indices = #map}, {transform_indices = #map1}]} {
    %mul3A = arith.constant 2 : i32
    %mul3A_0 = arith.muli %arg1, %mul3A : i32
    %add3A = arith.addi %mul3A_0, %arg0 : i32
    %lt3A = arith.constant 16 : i32
    %lt3A_1 = arith.cmpi slt, %add3A, %lt3A : i32
    %convert_element_type3A = arith.extui %lt3A_1 : i1 to i32
    %cond3A = arith.constant 0 : i32
    %cond3A_2 = arith.cmpi ne, %convert_element_type3A, %cond3A : i32
    scf.if %cond3A_2 {
      "tpu.region"() ({
        %run_scoped3A = tpu.sem_alloc : memref<!tpu.dma_semaphore, #tpu.memory_space<semaphore_mem>>
        %dma_start3A = arith.constant 0 : i32
        %dma_start3A_20 = tpu.memref_slice %arg2[%add3A, %dma_start3A] : memref<16x8192xf32, #tpu.memory_space<hbm>> -> memref<1x8192xf32, #tpu.memory_space<hbm>>
        %dma_start3A_21 = tpu.memref_squeeze %dma_start3A_20 : memref<1x8192xf32, #tpu.memory_space<hbm>> -> memref<8192xf32, #tpu.memory_space<hbm>>
        %dma_start3A_22 = arith.constant 0 : i32
        %dma_start3A_23 = tpu.memref_slice %arg2[%add3A, %dma_start3A_22] : memref<16x8192xf32, #tpu.memory_space<hbm>> -> memref<1x8192xf32, #tpu.memory_space<hbm>>
        %dma_start3A_24 = tpu.memref_squeeze %dma_start3A_23 : memref<1x8192xf32, #tpu.memory_space<hbm>> -> memref<8192xf32, #tpu.memory_space<hbm>>
        tpu.enqueue_dma source(%dma_start3A_24 : memref<8192xf32, #tpu.memory_space<hbm>>) target(%arg4 : memref<8192xf32, #tpu.memory_space<vmem>>) target_semaphore(%run_scoped3A : memref<!tpu.dma_semaphore, #tpu.memory_space<semaphore_mem>>)
        %dma_wait3A = arith.constant 0 : i32
        %dma_wait3A_25 = tpu.memref_slice %arg2[%add3A, %dma_wait3A] : memref<16x8192xf32, #tpu.memory_space<hbm>> -> memref<1x8192xf32, #tpu.memory_space<hbm>>
        %dma_wait3A_26 = tpu.memref_squeeze %dma_wait3A_25 : memref<1x8192xf32, #tpu.memory_space<hbm>> -> memref<8192xf32, #tpu.memory_space<hbm>>
        %dma_wait3A_27 = arith.constant 0 : i32
        %dma_wait3A_28 = tpu.memref_slice %arg2[%add3A, %dma_wait3A_27] : memref<16x8192xf32, #tpu.memory_space<hbm>> -> memref<1x8192xf32, #tpu.memory_space<hbm>>
        %dma_wait3A_29 = tpu.memref_squeeze %dma_wait3A_28 : memref<1x8192xf32, #tpu.memory_space<hbm>> -> memref<8192xf32, #tpu.memory_space<hbm>>
        tpu.wait_dma2 semaphore(%run_scoped3A : memref<!tpu.dma_semaphore, #tpu.memory_space<semaphore_mem>>) src(%dma_wait3A_29 : memref<8192xf32, #tpu.memory_space<hbm>>) dst(%arg4 : memref<8192xf32, #tpu.memory_space<vmem>>)
        tpu.yield
      }) : () -> ()
      %broadcast_in_dim3A = arith.constant 0.000000e+00 : f32
      %broadcast_in_dim3A_3 = vector.broadcast %broadcast_in_dim3A : f32 to vector<16xf32>
      %scan3A = arith.constant 0 : i32
      %scan3A_4 = arith.constant 0 : i32
      %scan3A_5 = arith.constant 31 : i32
      %scan3A_6 = arith.addi %scan3A_4, %scan3A_5 : i32
      %scan3A_7 = arith.constant 1 : i32
      scf.for %scan3A_20 = %scan3A_4 to %scan3A_6 step %scan3A_7  : i32 {
        %swap3A = arith.index_cast %scan3A_20 : i32 to index
        %swap3A_21 = arith.constant 0 : index
        %swap3A_22 = tpu.vector_load %arg5[%swap3A, %swap3A_21] {strides = array<i32>} : memref<31x1024xf32, #tpu.memory_space<vmem>>, vector<16xf32>,
        tpu.vector_store %arg5[%swap3A, %swap3A_21], %broadcast_in_dim3A_3 {strides = array<i32>} : memref<31x1024xf32, #tpu.memory_space<vmem>>, vector<16xf32>,
        %swap3A_23 = arith.index_cast %scan3A_20 : i32 to index
        %swap3A_24 = arith.constant 16 : index
        %swap3A_25 = tpu.vector_load %arg5[%swap3A_23, %swap3A_24] {strides = array<i32>} : memref<31x1024xf32, #tpu.memory_space<vmem>>, vector<16xf32>,
        tpu.vector_store %arg5[%swap3A_23, %swap3A_24], %broadcast_in_dim3A_3 {strides = array<i32>} : memref<31x1024xf32, #tpu.memory_space<vmem>>, vector<16xf32>,
        %swap3A_26 = arith.index_cast %scan3A_20 : i32 to index
        %swap3A_27 = arith.constant 32 : index
        %swap3A_28 = tpu.vector_load %arg5[%swap3A_26, %swap3A_27] {strides = array<i32>} : memref<31x1024xf32, #tpu.memory_space<vmem>>, vector<16xf32>,
        tpu.vector_store %arg5[%swap3A_26, %swap3A_27], %broadcast_in_dim3A_3 {strides = array<i32>} : memref<31x1024xf32, #tpu.memory_space<vmem>>, vector<16xf32>,
        %swap3A_29 = arith.index_cast %scan3A_20 : i32 to index
        %swap3A_30 = arith.constant 48 : index
        %swap3A_31 = tpu.vector_load %arg5[%swap3A_29, %swap3A_30] {strides = array<i32>} : memref<31x1024xf32, #tpu.memory_space<vmem>>, vector<16xf32>,
        tpu.vector_store %arg5[%swap3A_29, %swap3A_30], %broadcast_in_dim3A_3 {strides = array<i32>} : memref<31x1024xf32, #tpu.memory_space<vmem>>, vector<16xf32>,
        %swap3A_32 = arith.index_cast %scan3A_20 : i32 to index
        %swap3A_33 = arith.constant 64 : index
        %swap3A_34 = tpu.vector_load %arg5[%swap3A_32, %swap3A_33] {strides = array<i32>} : memref<31x1024xf32, #tpu.memory_space<vmem>>, vector<16xf32>,
        tpu.vector_store %arg5[%swap3A_32, %swap3A_33], %broadcast_in_dim3A_3 {strides = array<i32>} : memref<31x1024xf32, #tpu.memory_space<vmem>>, vector<16xf32>,
        %swap3A_35 = arith.index_cast %scan3A_20 : i32 to index
        %swap3A_36 = arith.constant 80 : index
        %swap3A_37 = tpu.vector_load %arg5[%swap3A_35, %swap3A_36] {strides = array<i32>} : memref<31x1024xf32, #tpu.memory_space<vmem>>, vector<16xf32>,
        tpu.vector_store %arg5[%swap3A_35, %swap3A_36], %broadcast_in_dim3A_3 {strides = array<i32>} : memref<31x1024xf32, #tpu.memory_space<vmem>>, vector<16xf32>,
        %swap3A_38 = arith.index_cast %scan3A_20 : i32 to index
        %swap3A_39 = arith.constant 96 : index
        %swap3A_40 = tpu.vector_load %arg5[%swap3A_38, %swap3A_39] {strides = array<i32>} : memref<31x1024xf32, #tpu.memory_space<vmem>>, vector<16xf32>,
        tpu.vector_store %arg5[%swap3A_38, %swap3A_39], %broadcast_in_dim3A_3 {strides = array<i32>} : memref<31x1024xf32, #tpu.memory_space<vmem>>, vector<16xf32>,
        %swap3A_41 = arith.index_cast %scan3A_20 : i32 to index
        %swap3A_42 = arith.constant 112 : index
        %swap3A_43 = tpu.vector_load %arg5[%swap3A_41, %swap3A_42] {strides = array<i32>} : memref<31x1024xf32, #tpu.memory_space<vmem>>, vector<16xf32>,
        tpu.vector_store %arg5[%swap3A_41, %swap3A_42], %broadcast_in_dim3A_3 {strides = array<i32>} : memref<31x1024xf32, #tpu.memory_space<vmem>>, vector<16xf32>,
        %swap3A_44 = arith.index_cast %scan3A_20 : i32 to index
        %swap3A_45 = arith.constant 128 : index
        %swap3A_46 = tpu.vector_load %arg5[%swap3A_44, %swap3A_45] {strides = array<i32>} : memref<31x1024xf32, #tpu.memory_space<vmem>>, vector<16xf32>,
        tpu.vector_store %arg5[%swap3A_44, %swap3A_45], %broadcast_in_dim3A_3 {strides = array<i32>} : memref<31x1024xf32, #tpu.memory_space<vmem>>, vector<16xf32>,
        %swap3A_47 = arith.index_cast %scan3A_20 : i32 to index
        %swap3A_48 = arith.constant 144 : index
        %swap3A_49 = tpu.vector_load %arg5[%swap3A_47, %swap3A_48] {strides = array<i32>} : memref<31x1024xf32, #tpu.memory_space<vmem>>, vector<16xf32>,
        tpu.vector_store %arg5[%swap3A_47, %swap3A_48], %broadcast_in_dim3A_3 {strides = array<i32>} : memref<31x1024xf32, #tpu.memory_space<vmem>>, vector<16xf32>,
        %swap3A_50 = arith.index_cast %scan3A_20 : i32 to index
        %swap3A_51 = arith.constant 160 : index
        %swap3A_52 = tpu.vector_load %arg5[%swap3A_50, %swap3A_51] {strides = array<i32>} : memref<31x1024xf32, #tpu.memory_space<vmem>>, vector<16xf32>,
        tpu.vector_store %arg5[%swap3A_50, %swap3A_51], %broadcast_in_dim3A_3 {strides = array<i32>} : memref<31x1024xf32, #tpu.memory_space<vmem>>, vector<16xf32>,
        %swap3A_53 = arith.index_cast %scan3A_20 : i32 to index
        %swap3A_54 = arith.constant 176 : index
        %swap3A_55 = tpu.vector_load %arg5[%swap3A_53, %swap3A_54] {strides = array<i32>} : memref<31x1024xf32, #tpu.memory_space<vmem>>, vector<16xf32>,
        tpu.vector_store %arg5[%swap3A_53, %swap3A_54], %broadcast_in_dim3A_3 {strides = array<i32>} : memref<31x1024xf32, #tpu.memory_space<vmem>>, vector<16xf32>,
        %swap3A_56 = arith.index_cast %scan3A_20 : i32 to index
        %swap3A_57 = arith.constant 192 : index
        %swap3A_58 = tpu.vector_load %arg5[%swap3A_56, %swap3A_57] {strides = array<i32>} : memref<31x1024xf32, #tpu.memory_space<vmem>>, vector<16xf32>,
        tpu.vector_store %arg5[%swap3A_56, %swap3A_57], %broadcast_in_dim3A_3 {strides = array<i32>} : memref<31x1024xf32, #tpu.memory_space<vmem>>, vector<16xf32>,
        %swap3A_59 = arith.index_cast %scan3A_20 : i32 to index
        %swap3A_60 = arith.constant 208 : index
        %swap3A_61 = tpu.vector_load %arg5[%swap3A_59, %swap3A_60] {strides = array<i32>} : memref<31x1024xf32, #tpu.memory_space<vmem>>, vector<16xf32>,
        tpu.vector_store %arg5[%swap3A_59, %swap3A_60], %broadcast_in_dim3A_3 {strides = array<i32>} : memref<31x1024xf32, #tpu.memory_space<vmem>>, vector<16xf32>,
        %swap3A_62 = arith.index_cast %scan3A_20 : i32 to index
        %swap3A_63 = arith.constant 224 : index
        %swap3A_64 = tpu.vector_load %arg5[%swap3A_62, %swap3A_63] {strides = array<i32>} : memref<31x1024xf32, #tpu.memory_space<vmem>>, vector<16xf32>,
        tpu.vector_store %arg5[%swap3A_62, %swap3A_63], %broadcast_in_dim3A_3 {strides = array<i32>} : memref<31x1024xf32, #tpu.memory_space<vmem>>, vector<16xf32>,
        %swap3A_65 = arith.index_cast %scan3A_20 : i32 to index
        %swap3A_66 = arith.constant 240 : index
        %swap3A_67 = tpu.vector_load %arg5[%swap3A_65, %swap3A_66] {strides = array<i32>} : memref<31x1024xf32, #tpu.memory_space<vmem>>, vector<16xf32>,
        tpu.vector_store %arg5[%swap3A_65, %swap3A_66], %broadcast_in_dim3A_3 {strides = array<i32>} : memref<31x1024xf32, #tpu.memory_space<vmem>>, vector<16xf32>,
        %swap3A_68 = arith.index_cast %scan3A_20 : i32 to index
        %swap3A_69 = arith.constant 256 : index
        %swap3A_70 = tpu.vector_load %arg5[%swap3A_68, %swap3A_69] {strides = array<i32>} : memref<31x1024xf32, #tpu.memory_space<vmem>>, vector<16xf32>,
        tpu.vector_store %arg5[%swap3A_68, %swap3A_69], %broadcast_in_dim3A_3 {strides = array<i32>} : memref<31x1024xf32, #tpu.memory_space<vmem>>, vector<16xf32>,
        %swap3A_71 = arith.index_cast %scan3A_20 : i32 to index
        %swap3A_72 = arith.constant 272 : index
        %swap3A_73 = tpu.vector_load %arg5[%swap3A_71, %swap3A_72] {strides = array<i32>} : memref<31x1024xf32, #tpu.memory_space<vmem>>, vector<16xf32>,
        tpu.vector_store %arg5[%swap3A_71, %swap3A_72], %broadcast_in_dim3A_3 {strides = array<i32>} : memref<31x1024xf32, #tpu.memory_space<vmem>>, vector<16xf32>,
        %swap3A_74 = arith.index_cast %scan3A_20 : i32 to index
        %swap3A_75 = arith.constant 288 : index
        %swap3A_76 = tpu.vector_load %arg5[%swap3A_74, %swap3A_75] {strides = array<i32>} : memref<31x1024xf32, #tpu.memory_space<vmem>>, vector<16xf32>,
        tpu.vector_store %arg5[%swap3A_74, %swap3A_75], %broadcast_in_dim3A_3 {strides = array<i32>} : memref<31x1024xf32, #tpu.memory_space<vmem>>, vector<16xf32>,
        %swap3A_77 = arith.index_cast %scan3A_20 : i32 to index
        %swap3A_78 = arith.constant 304 : index
        %swap3A_79 = tpu.vector_load %arg5[%swap3A_77, %swap3A_78] {strides = array<i32>} : memref<31x1024xf32, #tpu.memory_space<vmem>>, vector<16xf32>,
        tpu.vector_store %arg5[%swap3A_77, %swap3A_78], %broadcast_in_dim3A_3 {strides = array<i32>} : memref<31x1024xf32, #tpu.memory_space<vmem>>, vector<16xf32>,
        %swap3A_80 = arith.index_cast %scan3A_20 : i32 to index
        %swap3A_81 = arith.constant 320 : index
        %swap3A_82 = tpu.vector_load %arg5[%swap3A_80, %swap3A_81] {strides = array<i32>} : memref<31x1024xf32, #tpu.memory_space<vmem>>, vector<16xf32>,
        tpu.vector_store %arg5[%swap3A_80, %swap3A_81], %broadcast_in_dim3A_3 {strides = array<i32>} : memref<31x1024xf32, #tpu.memory_space<vmem>>, vector<16xf32>,
        %swap3A_83 = arith.index_cast %scan3A_20 : i32 to index
        %swap3A_84 = arith.constant 336 : index
        %swap3A_85 = tpu.vector_load %arg5[%swap3A_83, %swap3A_84] {strides = array<i32>} : memref<31x1024xf32, #tpu.memory_space<vmem>>, vector<16xf32>,
        tpu.vector_store %arg5[%swap3A_83, %swap3A_84], %broadcast_in_dim3A_3 {strides = array<i32>} : memref<31x1024xf32, #tpu.memory_space<vmem>>, vector<16xf32>,
        %swap3A_86 = arith.index_cast %scan3A_20 : i32 to index
        %swap3A_87 = arith.constant 352 : index
        %swap3A_88 = tpu.vector_load %arg5[%swap3A_86, %swap3A_87] {strides = array<i32>} : memref<31x1024xf32, #tpu.memory_space<vmem>>, vector<16xf32>,
        tpu.vector_store %arg5[%swap3A_86, %swap3A_87], %broadcast_in_dim3A_3 {strides = array<i32>} : memref<31x1024xf32, #tpu.memory_space<vmem>>, vector<16xf32>,
        %swap3A_89 = arith.index_cast %scan3A_20 : i32 to index
        %swap3A_90 = arith.constant 368 : index
        %swap3A_91 = tpu.vector_load %arg5[%swap3A_89, %swap3A_90] {strides = array<i32>} : memref<31x1024xf32, #tpu.memory_space<vmem>>, vector<16xf32>,
        tpu.vector_store %arg5[%swap3A_89, %swap3A_90], %broadcast_in_dim3A_3 {strides = array<i32>} : memref<31x1024xf32, #tpu.memory_space<vmem>>, vector<16xf32>,
        %swap3A_92 = arith.index_cast %scan3A_20 : i32 to index
        %swap3A_93 = arith.constant 384 : index
        %swap3A_94 = tpu.vector_load %arg5[%swap3A_92, %swap3A_93] {strides = array<i32>} : memref<31x1024xf32, #tpu.memory_space<vmem>>, vector<16xf32>,
        tpu.vector_store %arg5[%swap3A_92, %swap3A_93], %broadcast_in_dim3A_3 {strides = array<i32>} : memref<31x1024xf32, #tpu.memory_space<vmem>>, vector<16xf32>,
        %swap3A_95 = arith.index_cast %scan3A_20 : i32 to index
        %swap3A_96 = arith.constant 400 : index
        %swap3A_97 = tpu.vector_load %arg5[%swap3A_95, %swap3A_96] {strides = array<i32>} : memref<31x1024xf32, #tpu.memory_space<vmem>>, vector<16xf32>,
        tpu.vector_store %arg5[%swap3A_95, %swap3A_96], %broadcast_in_dim3A_3 {strides = array<i32>} : memref<31x1024xf32, #tpu.memory_space<vmem>>, vector<16xf32>,
        %swap3A_98 = arith.index_cast %scan3A_20 : i32 to index
        %swap3A_99 = arith.constant 416 : index
        %swap3A_100 = tpu.vector_load %arg5[%swap3A_98, %swap3A_99] {strides = array<i32>} : memref<31x1024xf32, #tpu.memory_space<vmem>>, vector<16xf32>,
        tpu.vector_store %arg5[%swap3A_98, %swap3A_99], %broadcast_in_dim3A_3 {strides = array<i32>} : memref<31x1024xf32, #tpu.memory_space<vmem>>, vector<16xf32>,
        %swap3A_101 = arith.index_cast %scan3A_20 : i32 to index
        %swap3A_102 = arith.constant 432 : index
        %swap3A_103 = tpu.vector_load %arg5[%swap3A_101, %swap3A_102] {strides = array<i32>} : memref<31x1024xf32, #tpu.memory_space<vmem>>, vector<16xf32>,
        tpu.vector_store %arg5[%swap3A_101, %swap3A_102], %broadcast_in_dim3A_3 {strides = array<i32>} : memref<31x1024xf32, #tpu.memory_space<vmem>>, vector<16xf32>,
        %swap3A_104 = arith.index_cast %scan3A_20 : i32 to index
        %swap3A_105 = arith.constant 448 : index
        %swap3A_106 = tpu.vector_load %arg5[%swap3A_104, %swap3A_105] {strides = array<i32>} : memref<31x1024xf32, #tpu.memory_space<vmem>>, vector<16xf32>,
        tpu.vector_store %arg5[%swap3A_104, %swap3A_105], %broadcast_in_dim3A_3 {strides = array<i32>} : memref<31x1024xf32, #tpu.memory_space<vmem>>, vector<16xf32>,
        %swap3A_107 = arith.index_cast %scan3A_20 : i32 to index
        %swap3A_108 = arith.constant 464 : index
        %swap3A_109 = tpu.vector_load %arg5[%swap3A_107, %swap3A_108] {strides = array<i32>} : memref<31x1024xf32, #tpu.memory_space<vmem>>, vector<16xf32>,
        tpu.vector_store %arg5[%swap3A_107, %swap3A_108], %broadcast_in_dim3A_3 {strides = array<i32>} : memref<31x1024xf32, #tpu.memory_space<vmem>>, vector<16xf32>,
        %swap3A_110 = arith.index_cast %scan3A_20 : i32 to index
        %swap3A_111 = arith.constant 480 : index
        %swap3A_112 = tpu.vector_load %arg5[%swap3A_110, %swap3A_111] {strides = array<i32>} : memref<31x1024xf32, #tpu.memory_space<vmem>>, vector<16xf32>,
        tpu.vector_store %arg5[%swap3A_110, %swap3A_111], %broadcast_in_dim3A_3 {strides = array<i32>} : memref<31x1024xf32, #tpu.memory_space<vmem>>, vector<16xf32>,
        %swap3A_113 = arith.index_cast %scan3A_20 : i32 to index
        %swap3A_114 = arith.constant 496 : index
        %swap3A_115 = tpu.vector_load %arg5[%swap3A_113, %swap3A_114] {strides = array<i32>} : memref<31x1024xf32, #tpu.memory_space<vmem>>, vector<16xf32>,
        tpu.vector_store %arg5[%swap3A_113, %swap3A_114], %broadcast_in_dim3A_3 {strides = array<i32>} : memref<31x1024xf32, #tpu.memory_space<vmem>>, vector<16xf32>,
        %swap3A_116 = arith.index_cast %scan3A_20 : i32 to index
        %swap3A_117 = arith.constant 512 : index
        %swap3A_118 = tpu.vector_load %arg5[%swap3A_116, %swap3A_117] {strides = array<i32>} : memref<31x1024xf32, #tpu.memory_space<vmem>>, vector<16xf32>,
        tpu.vector_store %arg5[%swap3A_116, %swap3A_117], %broadcast_in_dim3A_3 {strides = array<i32>} : memref<31x1024xf32, #tpu.memory_space<vmem>>, vector<16xf32>,
        %swap3A_119 = arith.index_cast %scan3A_20 : i32 to index
        %swap3A_120 = arith.constant 528 : index
        %swap3A_121 = tpu.vector_load %arg5[%swap3A_119, %swap3A_120] {strides = array<i32>} : memref<31x1024xf32, #tpu.memory_space<vmem>>, vector<16xf32>,
        tpu.vector_store %arg5[%swap3A_119, %swap3A_120], %broadcast_in_dim3A_3 {strides = array<i32>} : memref<31x1024xf32, #tpu.memory_space<vmem>>, vector<16xf32>,
        %swap3A_122 = arith.index_cast %scan3A_20 : i32 to index
        %swap3A_123 = arith.constant 544 : index
        %swap3A_124 = tpu.vector_load %arg5[%swap3A_122, %swap3A_123] {strides = array<i32>} : memref<31x1024xf32, #tpu.memory_space<vmem>>, vector<16xf32>,
        tpu.vector_store %arg5[%swap3A_122, %swap3A_123], %broadcast_in_dim3A_3 {strides = array<i32>} : memref<31x1024xf32, #tpu.memory_space<vmem>>, vector<16xf32>,
        %swap3A_125 = arith.index_cast %scan3A_20 : i32 to index
        %swap3A_126 = arith.constant 560 : index
        %swap3A_127 = tpu.vector_load %arg5[%swap3A_125, %swap3A_126] {strides = array<i32>} : memref<31x1024xf32, #tpu.memory_space<vmem>>, vector<16xf32>,
        tpu.vector_store %arg5[%swap3A_125, %swap3A_126], %broadcast_in_dim3A_3 {strides = array<i32>} : memref<31x1024xf32, #tpu.memory_space<vmem>>, vector<16xf32>,
        %swap3A_128 = arith.index_cast %scan3A_20 : i32 to index
        %swap3A_129 = arith.constant 576 : index
        %swap3A_130 = tpu.vector_load %arg5[%swap3A_128, %swap3A_129] {strides = array<i32>} : memref<31x1024xf32, #tpu.memory_space<vmem>>, vector<16xf32>,
        tpu.vector_store %arg5[%swap3A_128, %swap3A_129], %broadcast_in_dim3A_3 {strides = array<i32>} : memref<31x1024xf32, #tpu.memory_space<vmem>>, vector<16xf32>,
        %swap3A_131 = arith.index_cast %scan3A_20 : i32 to index
        %swap3A_132 = arith.constant 592 : index
        %swap3A_133 = tpu.vector_load %arg5[%swap3A_131, %swap3A_132] {strides = array<i32>} : memref<31x1024xf32, #tpu.memory_space<vmem>>, vector<16xf32>,
        tpu.vector_store %arg5[%swap3A_131, %swap3A_132], %broadcast_in_dim3A_3 {strides = array<i32>} : memref<31x1024xf32, #tpu.memory_space<vmem>>, vector<16xf32>,
        %swap3A_134 = arith.index_cast %scan3A_20 : i32 to index
        %swap3A_135 = arith.constant 608 : index
        %swap3A_136 = tpu.vector_load %arg5[%swap3A_134, %swap3A_135] {strides = array<i32>} : memref<31x1024xf32, #tpu.memory_space<vmem>>, vector<16xf32>,
        tpu.vector_store %arg5[%swap3A_134, %swap3A_135], %broadcast_in_dim3A_3 {strides = array<i32>} : memref<31x1024xf32, #tpu.memory_space<vmem>>, vector<16xf32>,
        %swap3A_137 = arith.index_cast %scan3A_20 : i32 to index
        %swap3A_138 = arith.constant 624 : index
        %swap3A_139 = tpu.vector_load %arg5[%swap3A_137, %swap3A_138] {strides = array<i32>} : memref<31x1024xf32, #tpu.memory_space<vmem>>, vector<16xf32>,
        tpu.vector_store %arg5[%swap3A_137, %swap3A_138], %broadcast_in_dim3A_3 {strides = array<i32>} : memref<31x1024xf32, #tpu.memory_space<vmem>>, vector<16xf32>,
        %swap3A_140 = arith.index_cast %scan3A_20 : i32 to index
        %swap3A_141 = arith.constant 640 : index
        %swap3A_142 = tpu.vector_load %arg5[%swap3A_140, %swap3A_141] {strides = array<i32>} : memref<31x1024xf32, #tpu.memory_space<vmem>>, vector<16xf32>,
        tpu.vector_store %arg5[%swap3A_140, %swap3A_141], %broadcast_in_dim3A_3 {strides = array<i32>} : memref<31x1024xf32, #tpu.memory_space<vmem>>, vector<16xf32>,
        %swap3A_143 = arith.index_cast %scan3A_20 : i32 to index
        %swap3A_144 = arith.constant 656 : index
        %swap3A_145 = tpu.vector_load %arg5[%swap3A_143, %swap3A_144] {strides = array<i32>} : memref<31x1024xf32, #tpu.memory_space<vmem>>, vector<16xf32>,
        tpu.vector_store %arg5[%swap3A_143, %swap3A_144], %broadcast_in_dim3A_3 {strides = array<i32>} : memref<31x1024xf32, #tpu.memory_space<vmem>>, vector<16xf32>,
        %swap3A_146 = arith.index_cast %scan3A_20 : i32 to index
        %swap3A_147 = arith.constant 672 : index
        %swap3A_148 = tpu.vector_load %arg5[%swap3A_146, %swap3A_147] {strides = array<i32>} : memref<31x1024xf32, #tpu.memory_space<vmem>>, vector<16xf32>,
        tpu.vector_store %arg5[%swap3A_146, %swap3A_147], %broadcast_in_dim3A_3 {strides = array<i32>} : memref<31x1024xf32, #tpu.memory_space<vmem>>, vector<16xf32>,
        %swap3A_149 = arith.index_cast %scan3A_20 : i32 to index
        %swap3A_150 = arith.constant 688 : index
        %swap3A_151 = tpu.vector_load %arg5[%swap3A_149, %swap3A_150] {strides = array<i32>} : memref<31x1024xf32, #tpu.memory_space<vmem>>, vector<16xf32>,
        tpu.vector_store %arg5[%swap3A_149, %swap3A_150], %broadcast_in_dim3A_3 {strides = array<i32>} : memref<31x1024xf32, #tpu.memory_space<vmem>>, vector<16xf32>,
        %swap3A_152 = arith.index_cast %scan3A_20 : i32 to index
        %swap3A_153 = arith.constant 704 : index
        %swap3A_154 = tpu.vector_load %arg5[%swap3A_152, %swap3A_153] {strides = array<i32>} : memref<31x1024xf32, #tpu.memory_space<vmem>>, vector<16xf32>,
        tpu.vector_store %arg5[%swap3A_152, %swap3A_153], %broadcast_in_dim3A_3 {strides = array<i32>} : memref<31x1024xf32, #tpu.memory_space<vmem>>, vector<16xf32>,
        %swap3A_155 = arith.index_cast %scan3A_20 : i32 to index
        %swap3A_156 = arith.constant 720 : index
        %swap3A_157 = tpu.vector_load %arg5[%swap3A_155, %swap3A_156] {strides = array<i32>} : memref<31x1024xf32, #tpu.memory_space<vmem>>, vector<16xf32>,
        tpu.vector_store %arg5[%swap3A_155, %swap3A_156], %broadcast_in_dim3A_3 {strides = array<i32>} : memref<31x1024xf32, #tpu.memory_space<vmem>>, vector<16xf32>,
        %swap3A_158 = arith.index_cast %scan3A_20 : i32 to index
        %swap3A_159 = arith.constant 736 : index
        %swap3A_160 = tpu.vector_load %arg5[%swap3A_158, %swap3A_159] {strides = array<i32>} : memref<31x1024xf32, #tpu.memory_space<vmem>>, vector<16xf32>,
        tpu.vector_store %arg5[%swap3A_158, %swap3A_159], %broadcast_in_dim3A_3 {strides = array<i32>} : memref<31x1024xf32, #tpu.memory_space<vmem>>, vector<16xf32>,
        %swap3A_161 = arith.index_cast %scan3A_20 : i32 to index
        %swap3A_162 = arith.constant 752 : index
        %swap3A_163 = tpu.vector_load %arg5[%swap3A_161, %swap3A_162] {strides = array<i32>} : memref<31x1024xf32, #tpu.memory_space<vmem>>, vector<16xf32>,
        tpu.vector_store %arg5[%swap3A_161, %swap3A_162], %broadcast_in_dim3A_3 {strides = array<i32>} : memref<31x1024xf32, #tpu.memory_space<vmem>>, vector<16xf32>,
        %swap3A_164 = arith.index_cast %scan3A_20 : i32 to index
        %swap3A_165 = arith.constant 768 : index
        %swap3A_166 = tpu.vector_load %arg5[%swap3A_164, %swap3A_165] {strides = array<i32>} : memref<31x1024xf32, #tpu.memory_space<vmem>>, vector<16xf32>,
        tpu.vector_store %arg5[%swap3A_164, %swap3A_165], %broadcast_in_dim3A_3 {strides = array<i32>} : memref<31x1024xf32, #tpu.memory_space<vmem>>, vector<16xf32>,
        %swap3A_167 = arith.index_cast %scan3A_20 : i32 to index
        %swap3A_168 = arith.constant 784 : index
        %swap3A_169 = tpu.vector_load %arg5[%swap3A_167, %swap3A_168] {strides = array<i32>} : memref<31x1024xf32, #tpu.memory_space<vmem>>, vector<16xf32>,
        tpu.vector_store %arg5[%swap3A_167, %swap3A_168], %broadcast_in_dim3A_3 {strides = array<i32>} : memref<31x1024xf32, #tpu.memory_space<vmem>>, vector<16xf32>,
        %swap3A_170 = arith.index_cast %scan3A_20 : i32 to index
        %swap3A_171 = arith.constant 800 : index
        %swap3A_172 = tpu.vector_load %arg5[%swap3A_170, %swap3A_171] {strides = array<i32>} : memref<31x1024xf32, #tpu.memory_space<vmem>>, vector<16xf32>,
        tpu.vector_store %arg5[%swap3A_170, %swap3A_171], %broadcast_in_dim3A_3 {strides = array<i32>} : memref<31x1024xf32, #tpu.memory_space<vmem>>, vector<16xf32>,
        %swap3A_173 = arith.index_cast %scan3A_20 : i32 to index
        %swap3A_174 = arith.constant 816 : index
        %swap3A_175 = tpu.vector_load %arg5[%swap3A_173, %swap3A_174] {strides = array<i32>} : memref<31x1024xf32, #tpu.memory_space<vmem>>, vector<16xf32>,
        tpu.vector_store %arg5[%swap3A_173, %swap3A_174], %broadcast_in_dim3A_3 {strides = array<i32>} : memref<31x1024xf32, #tpu.memory_space<vmem>>, vector<16xf32>,
        %swap3A_176 = arith.index_cast %scan3A_20 : i32 to index
        %swap3A_177 = arith.constant 832 : index
        %swap3A_178 = tpu.vector_load %arg5[%swap3A_176, %swap3A_177] {strides = array<i32>} : memref<31x1024xf32, #tpu.memory_space<vmem>>, vector<16xf32>,
        tpu.vector_store %arg5[%swap3A_176, %swap3A_177], %broadcast_in_dim3A_3 {strides = array<i32>} : memref<31x1024xf32, #tpu.memory_space<vmem>>, vector<16xf32>,
        %swap3A_179 = arith.index_cast %scan3A_20 : i32 to index
        %swap3A_180 = arith.constant 848 : index
        %swap3A_181 = tpu.vector_load %arg5[%swap3A_179, %swap3A_180] {strides = array<i32>} : memref<31x1024xf32, #tpu.memory_space<vmem>>, vector<16xf32>,
        tpu.vector_store %arg5[%swap3A_179, %swap3A_180], %broadcast_in_dim3A_3 {strides = array<i32>} : memref<31x1024xf32, #tpu.memory_space<vmem>>, vector<16xf32>,
        %swap3A_182 = arith.index_cast %scan3A_20 : i32 to index
        %swap3A_183 = arith.constant 864 : index
        %swap3A_184 = tpu.vector_load %arg5[%swap3A_182, %swap3A_183] {strides = array<i32>} : memref<31x1024xf32, #tpu.memory_space<vmem>>, vector<16xf32>,
        tpu.vector_store %arg5[%swap3A_182, %swap3A_183], %broadcast_in_dim3A_3 {strides = array<i32>} : memref<31x1024xf32, #tpu.memory_space<vmem>>, vector<16xf32>,
        %swap3A_185 = arith.index_cast %scan3A_20 : i32 to index
        %swap3A_186 = arith.constant 880 : index
        %swap3A_187 = tpu.vector_load %arg5[%swap3A_185, %swap3A_186] {strides = array<i32>} : memref<31x1024xf32, #tpu.memory_space<vmem>>, vector<16xf32>,
        tpu.vector_store %arg5[%swap3A_185, %swap3A_186], %broadcast_in_dim3A_3 {strides = array<i32>} : memref<31x1024xf32, #tpu.memory_space<vmem>>, vector<16xf32>,
        %swap3A_188 = arith.index_cast %scan3A_20 : i32 to index
        %swap3A_189 = arith.constant 896 : index
        %swap3A_190 = tpu.vector_load %arg5[%swap3A_188, %swap3A_189] {strides = array<i32>} : memref<31x1024xf32, #tpu.memory_space<vmem>>, vector<16xf32>,
        tpu.vector_store %arg5[%swap3A_188, %swap3A_189], %broadcast_in_dim3A_3 {strides = array<i32>} : memref<31x1024xf32, #tpu.memory_space<vmem>>, vector<16xf32>,
        %swap3A_191 = arith.index_cast %scan3A_20 : i32 to index
        %swap3A_192 = arith.constant 912 : index
        %swap3A_193 = tpu.vector_load %arg5[%swap3A_191, %swap3A_192] {strides = array<i32>} : memref<31x1024xf32, #tpu.memory_space<vmem>>, vector<16xf32>,
        tpu.vector_store %arg5[%swap3A_191, %swap3A_192], %broadcast_in_dim3A_3 {strides = array<i32>} : memref<31x1024xf32, #tpu.memory_space<vmem>>, vector<16xf32>,
        %swap3A_194 = arith.index_cast %scan3A_20 : i32 to index
        %swap3A_195 = arith.constant 928 : index
        %swap3A_196 = tpu.vector_load %arg5[%swap3A_194, %swap3A_195] {strides = array<i32>} : memref<31x1024xf32, #tpu.memory_space<vmem>>, vector<16xf32>,
        tpu.vector_store %arg5[%swap3A_194, %swap3A_195], %broadcast_in_dim3A_3 {strides = array<i32>} : memref<31x1024xf32, #tpu.memory_space<vmem>>, vector<16xf32>,
        %swap3A_197 = arith.index_cast %scan3A_20 : i32 to index
        %swap3A_198 = arith.constant 944 : index
        %swap3A_199 = tpu.vector_load %arg5[%swap3A_197, %swap3A_198] {strides = array<i32>} : memref<31x1024xf32, #tpu.memory_space<vmem>>, vector<16xf32>,
        tpu.vector_store %arg5[%swap3A_197, %swap3A_198], %broadcast_in_dim3A_3 {strides = array<i32>} : memref<31x1024xf32, #tpu.memory_space<vmem>>, vector<16xf32>,
        %swap3A_200 = arith.index_cast %scan3A_20 : i32 to index
        %swap3A_201 = arith.constant 960 : index
        %swap3A_202 = tpu.vector_load %arg5[%swap3A_200, %swap3A_201] {strides = array<i32>} : memref<31x1024xf32, #tpu.memory_space<vmem>>, vector<16xf32>,
        tpu.vector_store %arg5[%swap3A_200, %swap3A_201], %broadcast_in_dim3A_3 {strides = array<i32>} : memref<31x1024xf32, #tpu.memory_space<vmem>>, vector<16xf32>,
        %swap3A_203 = arith.index_cast %scan3A_20 : i32 to index
        %swap3A_204 = arith.constant 976 : index
        %swap3A_205 = tpu.vector_load %arg5[%swap3A_203, %swap3A_204] {strides = array<i32>} : memref<31x1024xf32, #tpu.memory_space<vmem>>, vector<16xf32>,
        tpu.vector_store %arg5[%swap3A_203, %swap3A_204], %broadcast_in_dim3A_3 {strides = array<i32>} : memref<31x1024xf32, #tpu.memory_space<vmem>>, vector<16xf32>,
        %swap3A_206 = arith.index_cast %scan3A_20 : i32 to index
        %swap3A_207 = arith.constant 992 : index
        %swap3A_208 = tpu.vector_load %arg5[%swap3A_206, %swap3A_207] {strides = array<i32>} : memref<31x1024xf32, #tpu.memory_space<vmem>>, vector<16xf32>,
        tpu.vector_store %arg5[%swap3A_206, %swap3A_207], %broadcast_in_dim3A_3 {strides = array<i32>} : memref<31x1024xf32, #tpu.memory_space<vmem>>, vector<16xf32>,
        %swap3A_209 = arith.index_cast %scan3A_20 : i32 to index
        %swap3A_210 = arith.constant 1008 : index
        %swap3A_211 = tpu.vector_load %arg5[%swap3A_209, %swap3A_210] {strides = array<i32>} : memref<31x1024xf32, #tpu.memory_space<vmem>>, vector<16xf32>,
        tpu.vector_store %arg5[%swap3A_209, %swap3A_210], %broadcast_in_dim3A_3 {strides = array<i32>} : memref<31x1024xf32, #tpu.memory_space<vmem>>, vector<16xf32>,
      }
      %scan3A_8 = arith.constant 31 : i32
      %iota3A = tpu.iota {dimensions = array<i32: 0>} : vector<16xi32>
      %add3A_9 = arith.constant 1 : i32
      %add3A_10 = vector.broadcast %add3A_9 : i32 to vector<16xi32>
      %add3A_11 = arith.addi %iota3A, %add3A_10 : vector<16xi32>
      %min3A = arith.constant 15 : i32
      %min3A_12 = vector.broadcast %min3A : i32 to vector<16xi32>
      %min3A_13 = arith.minsi %add3A_11, %min3A_12 : vector<16xi32>
      %scan3A_14 = arith.constant 0 : i32
      %scan3A_15 = arith.constant 0 : i32
      %scan3A_16 = arith.constant 128 : i32
      %scan3A_17 = arith.addi %scan3A_15, %scan3A_16 : i32
      %scan3A_18 = arith.constant 1 : i32
      scf.for %scan3A_20 = %scan3A_15 to %scan3A_17 step %scan3A_18  : i32 {
        %mul3A_21 = arith.constant 16 : i32
        %mul3A_22 = arith.muli %scan3A_20, %mul3A_21 : i32
        %add3A_23 = vector.broadcast %mul3A_22 : i32 to vector<16xi32>
        %add3A_24 = arith.addi %add3A_23, %iota3A : vector<16xi32>
        %mul3A_25 = arith.constant 4 : i32
        %mul3A_26 = vector.broadcast %mul3A_25 : i32 to vector<16xi32>
        %mul3A_27 = arith.muli %add3A_24, %mul3A_26 : vector<16xi32>
        %gather3A = tpu.vector_load_idx %arg4[%mul3A_27] : memref<8192xf32, #tpu.memory_space<vmem>>[vector<16xi32>], vector<16xf32>,
        %add3A_28 = arith.constant 1 : i32
        %add3A_29 = vector.broadcast %add3A_28 : i32 to vector<16xi32>
        %add3A_30 = arith.addi %mul3A_27, %add3A_29 : vector<16xi32>
        %gather3A_31 = tpu.vector_load_idx %arg4[%add3A_30] : memref<8192xf32, #tpu.memory_space<vmem>>[vector<16xi32>], vector<16xf32>,
        %add3A_32 = arith.constant 2 : i32
        %add3A_33 = vector.broadcast %add3A_32 : i32 to vector<16xi32>
        %add3A_34 = arith.addi %mul3A_27, %add3A_33 : vector<16xi32>
        %gather3A_35 = tpu.vector_load_idx %arg4[%add3A_34] : memref<8192xf32, #tpu.memory_space<vmem>>[vector<16xi32>], vector<16xf32>,
        %add3A_36 = arith.constant 3 : i32
        %add3A_37 = vector.broadcast %add3A_36 : i32 to vector<16xi32>
        %add3A_38 = arith.addi %mul3A_27, %add3A_37 : vector<16xi32>
        %gather3A_39 = tpu.vector_load_idx %arg4[%add3A_38] : memref<8192xf32, #tpu.memory_space<vmem>>[vector<16xi32>], vector<16xf32>,
        %mul3A_40 = arith.mulf %gather3A, %gather3A_31 : vector<16xf32>
        %convert_element_type3A_41 = arith.fptosi %mul3A_40 : vector<16xf32> to vector<16xi32>
        %convert_element_type3A_42 = arith.fptosi %gather3A_39 : vector<16xf32> to vector<16xi32>
        %mul3A_43 = arith.constant 1024 : i32
        %mul3A_44 = vector.broadcast %mul3A_43 : i32 to vector<16xi32>
        %mul3A_45 = arith.muli %convert_element_type3A_42, %mul3A_44 : vector<16xi32>
        %add3A_46 = arith.addi %mul3A_45, %convert_element_type3A_41 : vector<16xi32>
        %mul3A_47 = arith.constant 16 : i32
        %mul3A_48 = vector.broadcast %mul3A_47 : i32 to vector<16xi32>
        %mul3A_49 = arith.muli %add3A_46, %mul3A_48 : vector<16xi32>
        %add3A_50 = arith.addi %mul3A_49, %iota3A : vector<16xi32>
        %masked_sort3A = arith.constant dense<true> : vector<16xi1>
        %masked_sort3A_51 = arith.constant -2147483648 : i32
        %masked_sort3A_52 = vector.broadcast %masked_sort3A_51 : i32 to vector<16xi32>
        %masked_sort3A_53 = arith.xori %add3A_50, %masked_sort3A_52 : vector<16xi32>
        %masked_sort3A_54, %masked_sort3A_55, %masked_sort3A_56 = tpu.sort %masked_sort3A_53, %gather3A_35 masked %masked_sort3A : (vector<16xi32>, vector<16xf32>, vector<16xi1>) -> (vector<16xi1>, vector<16xi32>, vector<16xf32>)
        %masked_sort3A_57 = arith.xori %masked_sort3A_55, %masked_sort3A_52 : vector<16xi32>
        %shift_right_logical3A = arith.constant 4 : i32
        %shift_right_logical3A_58 = vector.broadcast %shift_right_logical3A : i32 to vector<16xi32>
        %shift_right_logical3A_59 = arith.shrui %masked_sort3A_57, %shift_right_logical3A_58 : vector<16xi32>
        %broadcast_in_dim3A_60 = vector.shape_cast %min3A_13 : vector<16xi32> to vector<16x1xi32>
        %gather3A_61 = vector.shape_cast %broadcast_in_dim3A_60 : vector<16x1xi32> to vector<16xi32>
        %gather3A_62 = tpu.dynamic_gather %shift_right_logical3A_59[%gather3A_61] in [0] : vector<16xi32>, vector<16xi32> -> vector<16xi32>
        %ne3A = arith.cmpi ne, %shift_right_logical3A_59, %gather3A_62 : vector<16xi32>
        %eq3A = arith.constant 15 : i32
        %eq3A_63 = vector.broadcast %eq3A : i32 to vector<16xi32>
        %eq3A_64 = arith.cmpi eq, %iota3A, %eq3A_63 : vector<16xi32>
        %or3A = arith.ori %ne3A, %eq3A_64 : vector<16xi1>
        %lt3A_65 = arith.constant 31744 : i32
        %lt3A_66 = vector.broadcast %lt3A_65 : i32 to vector<16xi32>
        %lt3A_67 = arith.cmpi slt, %shift_right_logical3A_59, %lt3A_66 : vector<16xi32>
        %and3A = arith.andi %or3A, %lt3A_67 : vector<16xi1>
        %shift_right_logical3A_68 = arith.constant 10 : i32
        %shift_right_logical3A_69 = vector.broadcast %shift_right_logical3A_68 : i32 to vector<16xi32>
        %shift_right_logical3A_70 = arith.shrui %shift_right_logical3A_59, %shift_right_logical3A_69 : vector<16xi32>
        %and3A_71 = arith.constant 1023 : i32
        %and3A_72 = vector.broadcast %and3A_71 : i32 to vector<16xi32>
        %and3A_73 = arith.andi %shift_right_logical3A_59, %and3A_72 : vector<16xi32>
        tpu.vector_store_idx %arg5[%shift_right_logical3A_70, %and3A_73], %masked_sort3A_56 masked %and3A : memref<31x1024xf32, #tpu.memory_space<vmem>>[vector<16xi32>, vector<16xi32>], vector<16xf32>, vector<16xi1>
      }
      %scan3A_19 = arith.constant 128 : i32
      "tpu.region"() ({
        %run_scoped3A = tpu.sem_alloc : memref<!tpu.dma_semaphore, #tpu.memory_space<semaphore_mem>>
        %dma_start3A = arith.constant 0 : i32
        %dma_start3A_20 = arith.constant 0 : i32
        %dma_start3A_21 = tpu.memref_slice %arg3[%dma_start3A, %add3A, %dma_start3A_20] : memref<31x16x1024xf32, #tpu.memory_space<hbm>> -> memref<31x1x1024xf32, #tpu.memory_space<hbm>>
        %dma_start3A_22 = tpu.memref_squeeze %dma_start3A_21 : memref<31x1x1024xf32, #tpu.memory_space<hbm>> -> memref<31x1024xf32, #tpu.memory_space<hbm>>
        %dma_start3A_23 = arith.constant 0 : i32
        %dma_start3A_24 = arith.constant 0 : i32
        %dma_start3A_25 = tpu.memref_slice %arg3[%dma_start3A_23, %add3A, %dma_start3A_24] : memref<31x16x1024xf32, #tpu.memory_space<hbm>> -> memref<31x1x1024xf32, #tpu.memory_space<hbm>>
        %dma_start3A_26 = tpu.memref_squeeze %dma_start3A_25 : memref<31x1x1024xf32, #tpu.memory_space<hbm>> -> memref<31x1024xf32, #tpu.memory_space<hbm>>
        tpu.enqueue_dma source(%arg5 : memref<31x1024xf32, #tpu.memory_space<vmem>>) target(%dma_start3A_26 : memref<31x1024xf32, #tpu.memory_space<hbm>>) target_semaphore(%run_scoped3A : memref<!tpu.dma_semaphore, #tpu.memory_space<semaphore_mem>>)
        %dma_wait3A = arith.constant 0 : i32
        %dma_wait3A_27 = arith.constant 0 : i32
        %dma_wait3A_28 = tpu.memref_slice %arg3[%dma_wait3A, %add3A, %dma_wait3A_27] : memref<31x16x1024xf32, #tpu.memory_space<hbm>> -> memref<31x1x1024xf32, #tpu.memory_space<hbm>>
        %dma_wait3A_29 = tpu.memref_squeeze %dma_wait3A_28 : memref<31x1x1024xf32, #tpu.memory_space<hbm>> -> memref<31x1024xf32, #tpu.memory_space<hbm>>
        %dma_wait3A_30 = arith.constant 0 : i32
        %dma_wait3A_31 = arith.constant 0 : i32
        %dma_wait3A_32 = tpu.memref_slice %arg3[%dma_wait3A_30, %add3A, %dma_wait3A_31] : memref<31x16x1024xf32, #tpu.memory_space<hbm>> -> memref<31x1x1024xf32, #tpu.memory_space<hbm>>
        %dma_wait3A_33 = tpu.memref_squeeze %dma_wait3A_32 : memref<31x1x1024xf32, #tpu.memory_space<hbm>> -> memref<31x1024xf32, #tpu.memory_space<hbm>>
        tpu.wait_dma2 semaphore(%run_scoped3A : memref<!tpu.dma_semaphore, #tpu.memory_space<semaphore_mem>>) src(%arg5 : memref<31x1024xf32, #tpu.memory_space<vmem>>) dst(%dma_wait3A_33 : memref<31x1024xf32, #tpu.memory_space<hbm>>)
        tpu.yield
      }) : () -> ()
    } else {
    }
    return
  }
}

module attributes {stable_mosaic.version = 14 : i64} {
  func.func @_rnn_kernel(%arg0: memref<496x1024xf32, #tpu.memory_space<vmem>>, %arg1: memref<4096x1024xf32, #tpu.memory_space<hbm>>, %arg2: memref<4096x4096xf32, #tpu.memory_space<hbm>>, %arg3: memref<256x4096xbf16, #tpu.memory_space<vmem>>, %arg4: memref<496x256xf32, #tpu.memory_space<vmem>>, %arg5: memref<496x4096xf32, #tpu.memory_space<vmem>>, %arg6: memref<4096x4096xbf16, #tpu.memory_space<vmem>>, %arg7: memref<496x4096xbf16, #tpu.memory_space<vmem>>, %arg8: memref<16x4096xbf16, #tpu.memory_space<vmem>>, %arg9: memref<16x4096xf32, #tpu.memory_space<vmem>>, %arg10: memref<16x4096xf32, #tpu.memory_space<vmem>>, %arg11: memref<496x256xf32, #tpu.memory_space<vmem>>, %arg12: memref<16x256xf32, #tpu.memory_space<vmem>>, %arg13: memref<16x256xf32, #tpu.memory_space<vmem>>, %arg14: memref<128x4096xf32, #tpu.memory_space<vmem>>, %arg15: memref<128x4096xf32, #tpu.memory_space<vmem>>, %arg16: memref<256x1024xf32, #tpu.memory_space<vmem>>, %arg17: memref<256x1024xf32, #tpu.memory_space<vmem>>, %arg18: memref<1024x256xbf16, #tpu.memory_space<vmem>>, %arg19: memref<496x1024xbf16, #tpu.memory_space<vmem>>, %arg20: memref<!tpu.dma_semaphore, #tpu.memory_space<semaphore_mem>>, %arg21: memref<!tpu.dma_semaphore, #tpu.memory_space<semaphore_mem>>, %arg22: memref<!tpu.dma_semaphore, #tpu.memory_space<semaphore_mem>>, %arg23: memref<!tpu.dma_semaphore, #tpu.memory_space<semaphore_mem>>) attributes {dimension_semantics = [], scalar_prefetch = 0 : i64, scratch_operands = 19 : i64, tpu.core_type = #tpu.core_type<tc>} {
    %dma_start3A = arith.constant 0 : i32
    %dma_start3A_0 = arith.constant 0 : i32
    %dma_start3A_1 = tpu.memref_slice %arg1[%dma_start3A, %dma_start3A_0] : memref<4096x1024xf32, #tpu.memory_space<hbm>> -> memref<256x1024xf32, #tpu.memory_space<hbm>>
    tpu.enqueue_dma source(%dma_start3A_1 : memref<256x1024xf32, #tpu.memory_space<hbm>>) target(%arg16 : memref<256x1024xf32, #tpu.memory_space<vmem>>) target_semaphore(%arg22 : memref<!tpu.dma_semaphore, #tpu.memory_space<semaphore_mem>>)
    %dma_start3A_2 = arith.constant 256 : i32
    %dma_start3A_3 = arith.constant 0 : i32
    %dma_start3A_4 = tpu.memref_slice %arg1[%dma_start3A_2, %dma_start3A_3] : memref<4096x1024xf32, #tpu.memory_space<hbm>> -> memref<256x1024xf32, #tpu.memory_space<hbm>>
    tpu.enqueue_dma source(%dma_start3A_4 : memref<256x1024xf32, #tpu.memory_space<hbm>>) target(%arg17 : memref<256x1024xf32, #tpu.memory_space<vmem>>) target_semaphore(%arg23 : memref<!tpu.dma_semaphore, #tpu.memory_space<semaphore_mem>>)
    %dma_start3A_5 = arith.constant 0 : i32
    %dma_start3A_6 = arith.constant 0 : i32
    %dma_start3A_7 = tpu.memref_slice %arg2[%dma_start3A_5, %dma_start3A_6] : memref<4096x4096xf32, #tpu.memory_space<hbm>> -> memref<128x4096xf32, #tpu.memory_space<hbm>>
    tpu.enqueue_dma source(%dma_start3A_7 : memref<128x4096xf32, #tpu.memory_space<hbm>>) target(%arg14 : memref<128x4096xf32, #tpu.memory_space<vmem>>) target_semaphore(%arg20 : memref<!tpu.dma_semaphore, #tpu.memory_space<semaphore_mem>>)
    %dma_start3A_8 = arith.constant 128 : i32
    %dma_start3A_9 = arith.constant 0 : i32
    %dma_start3A_10 = tpu.memref_slice %arg2[%dma_start3A_8, %dma_start3A_9] : memref<4096x4096xf32, #tpu.memory_space<hbm>> -> memref<128x4096xf32, #tpu.memory_space<hbm>>
    tpu.enqueue_dma source(%dma_start3A_10 : memref<128x4096xf32, #tpu.memory_space<hbm>>) target(%arg15 : memref<128x4096xf32, #tpu.memory_space<vmem>>) target_semaphore(%arg21 : memref<!tpu.dma_semaphore, #tpu.memory_space<semaphore_mem>>)
    %get3A = arith.constant 0 : index
    %get3A_11 = arith.constant 0 : index
    %get3A_12 = vector.load %arg0[%get3A, %get3A_11] : memref<496x1024xf32, #tpu.memory_space<vmem>>, vector<496x1024xf32>
    %convert_element_type3A = arith.truncf %get3A_12 : vector<496x1024xf32> to vector<496x1024xbf16>
    %swap3A = arith.constant 0 : index
    %swap3A_13 = arith.constant 0 : index
    %swap3A_14 = vector.load %arg19[%swap3A, %swap3A_13] : memref<496x1024xbf16, #tpu.memory_space<vmem>>, vector<496x1024xbf16>
    tpu.vector_store %arg19[%swap3A, %swap3A_13], %convert_element_type3A {strides = array<i32>} : memref<496x1024xbf16, #tpu.memory_space<vmem>>, vector<496x1024xbf16>,
    %dma_wait3A = arith.constant 0 : i32
    %dma_wait3A_15 = arith.constant 0 : i32
    %dma_wait3A_16 = tpu.memref_slice %arg1[%dma_wait3A, %dma_wait3A_15] : memref<4096x1024xf32, #tpu.memory_space<hbm>> -> memref<256x1024xf32, #tpu.memory_space<hbm>>
    tpu.wait_dma2 semaphore(%arg22 : memref<!tpu.dma_semaphore, #tpu.memory_space<semaphore_mem>>) src(%dma_wait3A_16 : memref<256x1024xf32, #tpu.memory_space<hbm>>) dst(%arg16 : memref<256x1024xf32, #tpu.memory_space<vmem>>)
    %get3A_17 = arith.constant 0 : index
    %get3A_18 = arith.constant 0 : index
    %get3A_19 = vector.load %arg16[%get3A_17, %get3A_18] : memref<256x1024xf32, #tpu.memory_space<vmem>>, vector<256x512xf32>
    %convert_element_type3A_20 = arith.truncf %get3A_19 : vector<256x512xf32> to vector<256x512xbf16>
    %transpose3A = tpu.transpose %convert_element_type3A_20, [1, 0] : vector<256x512xbf16> -> vector<512x256xbf16>
    %swap3A_21 = arith.constant 0 : index
    %swap3A_22 = arith.constant 0 : index
    %swap3A_23 = vector.load %arg18[%swap3A_21, %swap3A_22] : memref<1024x256xbf16, #tpu.memory_space<vmem>>, vector<512x256xbf16>
    tpu.vector_store %arg18[%swap3A_21, %swap3A_22], %transpose3A {strides = array<i32>} : memref<1024x256xbf16, #tpu.memory_space<vmem>>, vector<512x256xbf16>,
    %get3A_24 = arith.constant 0 : index
    %get3A_25 = arith.constant 512 : index
    %get3A_26 = vector.load %arg16[%get3A_24, %get3A_25] : memref<256x1024xf32, #tpu.memory_space<vmem>>, vector<256x512xf32>
    %convert_element_type3A_27 = arith.truncf %get3A_26 : vector<256x512xf32> to vector<256x512xbf16>
    %transpose3A_28 = tpu.transpose %convert_element_type3A_27, [1, 0] : vector<256x512xbf16> -> vector<512x256xbf16>
    %swap3A_29 = arith.constant 512 : index
    %swap3A_30 = arith.constant 0 : index
    %swap3A_31 = vector.load %arg18[%swap3A_29, %swap3A_30] : memref<1024x256xbf16, #tpu.memory_space<vmem>>, vector<512x256xbf16>
    tpu.vector_store %arg18[%swap3A_29, %swap3A_30], %transpose3A_28 {strides = array<i32>} : memref<1024x256xbf16, #tpu.memory_space<vmem>>, vector<512x256xbf16>,
    %dma_start3A_32 = arith.constant 512 : i32
    %dma_start3A_33 = arith.constant 0 : i32
    %dma_start3A_34 = tpu.memref_slice %arg1[%dma_start3A_32, %dma_start3A_33] : memref<4096x1024xf32, #tpu.memory_space<hbm>> -> memref<256x1024xf32, #tpu.memory_space<hbm>>
    tpu.enqueue_dma source(%dma_start3A_34 : memref<256x1024xf32, #tpu.memory_space<hbm>>) target(%arg16 : memref<256x1024xf32, #tpu.memory_space<vmem>>) target_semaphore(%arg22 : memref<!tpu.dma_semaphore, #tpu.memory_space<semaphore_mem>>)
    %get3A_35 = arith.constant 0 : index
    %get3A_36 = arith.constant 0 : index
    %get3A_37 = vector.load %arg19[%get3A_35, %get3A_36] : memref<496x1024xbf16, #tpu.memory_space<vmem>>, vector<496x1024xbf16>
    %get3A_38 = arith.constant 0 : index
    %get3A_39 = arith.constant 0 : index
    %get3A_40 = vector.load %arg18[%get3A_38, %get3A_39] : memref<1024x256xbf16, #tpu.memory_space<vmem>>, vector<1024x256xbf16>
    %dot_general3A = arith.constant dense<0.000000e+00> : vector<496x256xf32>
    %dot_general3A_41 = tpu.matmul %get3A_37, %get3A_40, %dot_general3A {dimension_numbers = #tpu.dot_dimension_numbers<[1], [0], [0], [1], [0, 0, 1, 1], [], []>, transpose_lhs_hint = false} : vector<496x1024xbf16>, vector<1024x256xbf16>, vector<496x256xf32> -> vector<496x256xf32>
    %swap3A_42 = arith.constant 0 : index
    %swap3A_43 = arith.constant 0 : index
    %swap3A_44 = vector.load %arg5[%swap3A_42, %swap3A_43] : memref<496x4096xf32, #tpu.memory_space<vmem>>, vector<496x256xf32>
    tpu.vector_store %arg5[%swap3A_42, %swap3A_43], %dot_general3A_41 {strides = array<i32>} : memref<496x4096xf32, #tpu.memory_space<vmem>>, vector<496x256xf32>,
    %dma_wait3A_45 = arith.constant 0 : i32
    %dma_wait3A_46 = arith.constant 0 : i32
    %dma_wait3A_47 = tpu.memref_slice %arg2[%dma_wait3A_45, %dma_wait3A_46] : memref<4096x4096xf32, #tpu.memory_space<hbm>> -> memref<128x4096xf32, #tpu.memory_space<hbm>>
    tpu.wait_dma2 semaphore(%arg20 : memref<!tpu.dma_semaphore, #tpu.memory_space<semaphore_mem>>) src(%dma_wait3A_47 : memref<128x4096xf32, #tpu.memory_space<hbm>>) dst(%arg14 : memref<128x4096xf32, #tpu.memory_space<vmem>>)
    %get3A_48 = arith.constant 0 : index
    %get3A_49 = arith.constant 0 : index
    %get3A_50 = vector.load %arg14[%get3A_48, %get3A_49] : memref<128x4096xf32, #tpu.memory_space<vmem>>, vector<128x1024xf32>
    %convert_element_type3A_51 = arith.truncf %get3A_50 : vector<128x1024xf32> to vector<128x1024xbf16>
    %transpose3A_52 = tpu.transpose %convert_element_type3A_51, [1, 0] : vector<128x1024xbf16> -> vector<1024x128xbf16>
    %swap3A_53 = arith.constant 0 : index
    %swap3A_54 = arith.constant 0 : index
    %swap3A_55 = vector.load %arg6[%swap3A_53, %swap3A_54] : memref<4096x4096xbf16, #tpu.memory_space<vmem>>, vector<1024x128xbf16>
    tpu.vector_store %arg6[%swap3A_53, %swap3A_54], %transpose3A_52 {strides = array<i32>} : memref<4096x4096xbf16, #tpu.memory_space<vmem>>, vector<1024x128xbf16>,
    %get3A_56 = arith.constant 0 : index
    %get3A_57 = arith.constant 1024 : index
    %get3A_58 = vector.load %arg14[%get3A_56, %get3A_57] : memref<128x4096xf32, #tpu.memory_space<vmem>>, vector<128x1024xf32>
    %convert_element_type3A_59 = arith.truncf %get3A_58 : vector<128x1024xf32> to vector<128x1024xbf16>
    %transpose3A_60 = tpu.transpose %convert_element_type3A_59, [1, 0] : vector<128x1024xbf16> -> vector<1024x128xbf16>
    %swap3A_61 = arith.constant 1024 : index
    %swap3A_62 = arith.constant 0 : index
    %swap3A_63 = vector.load %arg6[%swap3A_61, %swap3A_62] : memref<4096x4096xbf16, #tpu.memory_space<vmem>>, vector<1024x128xbf16>
    tpu.vector_store %arg6[%swap3A_61, %swap3A_62], %transpose3A_60 {strides = array<i32>} : memref<4096x4096xbf16, #tpu.memory_space<vmem>>, vector<1024x128xbf16>,
    %get3A_64 = arith.constant 0 : index
    %get3A_65 = arith.constant 2048 : index
    %get3A_66 = vector.load %arg14[%get3A_64, %get3A_65] : memref<128x4096xf32, #tpu.memory_space<vmem>>, vector<128x1024xf32>
    %convert_element_type3A_67 = arith.truncf %get3A_66 : vector<128x1024xf32> to vector<128x1024xbf16>
    %transpose3A_68 = tpu.transpose %convert_element_type3A_67, [1, 0] : vector<128x1024xbf16> -> vector<1024x128xbf16>
    %swap3A_69 = arith.constant 2048 : index
    %swap3A_70 = arith.constant 0 : index
    %swap3A_71 = vector.load %arg6[%swap3A_69, %swap3A_70] : memref<4096x4096xbf16, #tpu.memory_space<vmem>>, vector<1024x128xbf16>
    tpu.vector_store %arg6[%swap3A_69, %swap3A_70], %transpose3A_68 {strides = array<i32>} : memref<4096x4096xbf16, #tpu.memory_space<vmem>>, vector<1024x128xbf16>,
    %get3A_72 = arith.constant 0 : index
    %get3A_73 = arith.constant 3072 : index
    %get3A_74 = vector.load %arg14[%get3A_72, %get3A_73] : memref<128x4096xf32, #tpu.memory_space<vmem>>, vector<128x1024xf32>
    %convert_element_type3A_75 = arith.truncf %get3A_74 : vector<128x1024xf32> to vector<128x1024xbf16>
    %transpose3A_76 = tpu.transpose %convert_element_type3A_75, [1, 0] : vector<128x1024xbf16> -> vector<1024x128xbf16>
    %swap3A_77 = arith.constant 3072 : index
    %swap3A_78 = arith.constant 0 : index
    %swap3A_79 = vector.load %arg6[%swap3A_77, %swap3A_78] : memref<4096x4096xbf16, #tpu.memory_space<vmem>>, vector<1024x128xbf16>
    tpu.vector_store %arg6[%swap3A_77, %swap3A_78], %transpose3A_76 {strides = array<i32>} : memref<4096x4096xbf16, #tpu.memory_space<vmem>>, vector<1024x128xbf16>,
    %dma_start3A_80 = arith.constant 256 : i32
    %dma_start3A_81 = arith.constant 0 : i32
    %dma_start3A_82 = tpu.memref_slice %arg2[%dma_start3A_80, %dma_start3A_81] : memref<4096x4096xf32, #tpu.memory_space<hbm>> -> memref<128x4096xf32, #tpu.memory_space<hbm>>
    tpu.enqueue_dma source(%dma_start3A_82 : memref<128x4096xf32, #tpu.memory_space<hbm>>) target(%arg14 : memref<128x4096xf32, #tpu.memory_space<vmem>>) target_semaphore(%arg20 : memref<!tpu.dma_semaphore, #tpu.memory_space<semaphore_mem>>)
    %dma_wait3A_83 = arith.constant 256 : i32
    %dma_wait3A_84 = arith.constant 0 : i32
    %dma_wait3A_85 = tpu.memref_slice %arg1[%dma_wait3A_83, %dma_wait3A_84] : memref<4096x1024xf32, #tpu.memory_space<hbm>> -> memref<256x1024xf32, #tpu.memory_space<hbm>>
    tpu.wait_dma2 semaphore(%arg23 : memref<!tpu.dma_semaphore, #tpu.memory_space<semaphore_mem>>) src(%dma_wait3A_85 : memref<256x1024xf32, #tpu.memory_space<hbm>>) dst(%arg17 : memref<256x1024xf32, #tpu.memory_space<vmem>>)
    %get3A_86 = arith.constant 0 : index
    %get3A_87 = arith.constant 0 : index
    %get3A_88 = vector.load %arg17[%get3A_86, %get3A_87] : memref<256x1024xf32, #tpu.memory_space<vmem>>, vector<256x512xf32>
    %convert_element_type3A_89 = arith.truncf %get3A_88 : vector<256x512xf32> to vector<256x512xbf16>
    %transpose3A_90 = tpu.transpose %convert_element_type3A_89, [1, 0] : vector<256x512xbf16> -> vector<512x256xbf16>
    %swap3A_91 = arith.constant 0 : index
    %swap3A_92 = arith.constant 0 : index
    %swap3A_93 = vector.load %arg18[%swap3A_91, %swap3A_92] : memref<1024x256xbf16, #tpu.memory_space<vmem>>, vector<512x256xbf16>
    tpu.vector_store %arg18[%swap3A_91, %swap3A_92], %transpose3A_90 {strides = array<i32>} : memref<1024x256xbf16, #tpu.memory_space<vmem>>, vector<512x256xbf16>,
    %get3A_94 = arith.constant 0 : index
    %get3A_95 = arith.constant 512 : index
    %get3A_96 = vector.load %arg17[%get3A_94, %get3A_95] : memref<256x1024xf32, #tpu.memory_space<vmem>>, vector<256x512xf32>
    %convert_element_type3A_97 = arith.truncf %get3A_96 : vector<256x512xf32> to vector<256x512xbf16>
    %transpose3A_98 = tpu.transpose %convert_element_type3A_97, [1, 0] : vector<256x512xbf16> -> vector<512x256xbf16>
    %swap3A_99 = arith.constant 512 : index
    %swap3A_100 = arith.constant 0 : index
    %swap3A_101 = vector.load %arg18[%swap3A_99, %swap3A_100] : memref<1024x256xbf16, #tpu.memory_space<vmem>>, vector<512x256xbf16>
    tpu.vector_store %arg18[%swap3A_99, %swap3A_100], %transpose3A_98 {strides = array<i32>} : memref<1024x256xbf16, #tpu.memory_space<vmem>>, vector<512x256xbf16>,
    %dma_start3A_102 = arith.constant 768 : i32
    %dma_start3A_103 = arith.constant 0 : i32
    %dma_start3A_104 = tpu.memref_slice %arg1[%dma_start3A_102, %dma_start3A_103] : memref<4096x1024xf32, #tpu.memory_space<hbm>> -> memref<256x1024xf32, #tpu.memory_space<hbm>>
    tpu.enqueue_dma source(%dma_start3A_104 : memref<256x1024xf32, #tpu.memory_space<hbm>>) target(%arg17 : memref<256x1024xf32, #tpu.memory_space<vmem>>) target_semaphore(%arg23 : memref<!tpu.dma_semaphore, #tpu.memory_space<semaphore_mem>>)
    %get3A_105 = arith.constant 0 : index
    %get3A_106 = arith.constant 0 : index
    %get3A_107 = vector.load %arg19[%get3A_105, %get3A_106] : memref<496x1024xbf16, #tpu.memory_space<vmem>>, vector<496x1024xbf16>
    %get3A_108 = arith.constant 0 : index
    %get3A_109 = arith.constant 0 : index
    %get3A_110 = vector.load %arg18[%get3A_108, %get3A_109] : memref<1024x256xbf16, #tpu.memory_space<vmem>>, vector<1024x256xbf16>
    %dot_general3A_111 = arith.constant dense<0.000000e+00> : vector<496x256xf32>
    %dot_general3A_112 = tpu.matmul %get3A_107, %get3A_110, %dot_general3A_111 {dimension_numbers = #tpu.dot_dimension_numbers<[1], [0], [0], [1], [0, 0, 1, 1], [], []>, transpose_lhs_hint = false} : vector<496x1024xbf16>, vector<1024x256xbf16>, vector<496x256xf32> -> vector<496x256xf32>
    %swap3A_113 = arith.constant 0 : index
    %swap3A_114 = arith.constant 256 : index
    %swap3A_115 = vector.load %arg5[%swap3A_113, %swap3A_114] : memref<496x4096xf32, #tpu.memory_space<vmem>>, vector<496x256xf32>
    tpu.vector_store %arg5[%swap3A_113, %swap3A_114], %dot_general3A_112 {strides = array<i32>} : memref<496x4096xf32, #tpu.memory_space<vmem>>, vector<496x256xf32>,
    %dma_wait3A_116 = arith.constant 128 : i32
    %dma_wait3A_117 = arith.constant 0 : i32
    %dma_wait3A_118 = tpu.memref_slice %arg2[%dma_wait3A_116, %dma_wait3A_117] : memref<4096x4096xf32, #tpu.memory_space<hbm>> -> memref<128x4096xf32, #tpu.memory_space<hbm>>
    tpu.wait_dma2 semaphore(%arg21 : memref<!tpu.dma_semaphore, #tpu.memory_space<semaphore_mem>>) src(%dma_wait3A_118 : memref<128x4096xf32, #tpu.memory_space<hbm>>) dst(%arg15 : memref<128x4096xf32, #tpu.memory_space<vmem>>)
    %get3A_119 = arith.constant 0 : index
    %get3A_120 = arith.constant 0 : index
    %get3A_121 = vector.load %arg15[%get3A_119, %get3A_120] : memref<128x4096xf32, #tpu.memory_space<vmem>>, vector<128x1024xf32>
    %convert_element_type3A_122 = arith.truncf %get3A_121 : vector<128x1024xf32> to vector<128x1024xbf16>
    %transpose3A_123 = tpu.transpose %convert_element_type3A_122, [1, 0] : vector<128x1024xbf16> -> vector<1024x128xbf16>
    %swap3A_124 = arith.constant 0 : index
    %swap3A_125 = arith.constant 128 : index
    %swap3A_126 = vector.load %arg6[%swap3A_124, %swap3A_125] : memref<4096x4096xbf16, #tpu.memory_space<vmem>>, vector<1024x128xbf16>
    tpu.vector_store %arg6[%swap3A_124, %swap3A_125], %transpose3A_123 {strides = array<i32>} : memref<4096x4096xbf16, #tpu.memory_space<vmem>>, vector<1024x128xbf16>,
    %get3A_127 = arith.constant 0 : index
    %get3A_128 = arith.constant 1024 : index
    %get3A_129 = vector.load %arg15[%get3A_127, %get3A_128] : memref<128x4096xf32, #tpu.memory_space<vmem>>, vector<128x1024xf32>
    %convert_element_type3A_130 = arith.truncf %get3A_129 : vector<128x1024xf32> to vector<128x1024xbf16>
    %transpose3A_131 = tpu.transpose %convert_element_type3A_130, [1, 0] : vector<128x1024xbf16> -> vector<1024x128xbf16>
    %swap3A_132 = arith.constant 1024 : index
    %swap3A_133 = arith.constant 128 : index
    %swap3A_134 = vector.load %arg6[%swap3A_132, %swap3A_133] : memref<4096x4096xbf16, #tpu.memory_space<vmem>>, vector<1024x128xbf16>
    tpu.vector_store %arg6[%swap3A_132, %swap3A_133], %transpose3A_131 {strides = array<i32>} : memref<4096x4096xbf16, #tpu.memory_space<vmem>>, vector<1024x128xbf16>,
    %get3A_135 = arith.constant 0 : index
    %get3A_136 = arith.constant 2048 : index
    %get3A_137 = vector.load %arg15[%get3A_135, %get3A_136] : memref<128x4096xf32, #tpu.memory_space<vmem>>, vector<128x1024xf32>
    %convert_element_type3A_138 = arith.truncf %get3A_137 : vector<128x1024xf32> to vector<128x1024xbf16>
    %transpose3A_139 = tpu.transpose %convert_element_type3A_138, [1, 0] : vector<128x1024xbf16> -> vector<1024x128xbf16>
    %swap3A_140 = arith.constant 2048 : index
    %swap3A_141 = arith.constant 128 : index
    %swap3A_142 = vector.load %arg6[%swap3A_140, %swap3A_141] : memref<4096x4096xbf16, #tpu.memory_space<vmem>>, vector<1024x128xbf16>
    tpu.vector_store %arg6[%swap3A_140, %swap3A_141], %transpose3A_139 {strides = array<i32>} : memref<4096x4096xbf16, #tpu.memory_space<vmem>>, vector<1024x128xbf16>,
    %get3A_143 = arith.constant 0 : index
    %get3A_144 = arith.constant 3072 : index
    %get3A_145 = vector.load %arg15[%get3A_143, %get3A_144] : memref<128x4096xf32, #tpu.memory_space<vmem>>, vector<128x1024xf32>
    %convert_element_type3A_146 = arith.truncf %get3A_145 : vector<128x1024xf32> to vector<128x1024xbf16>
    %transpose3A_147 = tpu.transpose %convert_element_type3A_146, [1, 0] : vector<128x1024xbf16> -> vector<1024x128xbf16>
    %swap3A_148 = arith.constant 3072 : index
    %swap3A_149 = arith.constant 128 : index
    %swap3A_150 = vector.load %arg6[%swap3A_148, %swap3A_149] : memref<4096x4096xbf16, #tpu.memory_space<vmem>>, vector<1024x128xbf16>
    tpu.vector_store %arg6[%swap3A_148, %swap3A_149], %transpose3A_147 {strides = array<i32>} : memref<4096x4096xbf16, #tpu.memory_space<vmem>>, vector<1024x128xbf16>,
    %dma_start3A_151 = arith.constant 384 : i32
    %dma_start3A_152 = arith.constant 0 : i32
    %dma_start3A_153 = tpu.memref_slice %arg2[%dma_start3A_151, %dma_start3A_152] : memref<4096x4096xf32, #tpu.memory_space<hbm>> -> memref<128x4096xf32, #tpu.memory_space<hbm>>
    tpu.enqueue_dma source(%dma_start3A_153 : memref<128x4096xf32, #tpu.memory_space<hbm>>) target(%arg15 : memref<128x4096xf32, #tpu.memory_space<vmem>>) target_semaphore(%arg21 : memref<!tpu.dma_semaphore, #tpu.memory_space<semaphore_mem>>)
    %dma_wait3A_154 = arith.constant 512 : i32
    %dma_wait3A_155 = arith.constant 0 : i32
    %dma_wait3A_156 = tpu.memref_slice %arg1[%dma_wait3A_154, %dma_wait3A_155] : memref<4096x1024xf32, #tpu.memory_space<hbm>> -> memref<256x1024xf32, #tpu.memory_space<hbm>>
    tpu.wait_dma2 semaphore(%arg22 : memref<!tpu.dma_semaphore, #tpu.memory_space<semaphore_mem>>) src(%dma_wait3A_156 : memref<256x1024xf32, #tpu.memory_space<hbm>>) dst(%arg16 : memref<256x1024xf32, #tpu.memory_space<vmem>>)
    %get3A_157 = arith.constant 0 : index
    %get3A_158 = arith.constant 0 : index
    %get3A_159 = vector.load %arg16[%get3A_157, %get3A_158] : memref<256x1024xf32, #tpu.memory_space<vmem>>, vector<256x512xf32>
    %convert_element_type3A_160 = arith.truncf %get3A_159 : vector<256x512xf32> to vector<256x512xbf16>
    %transpose3A_161 = tpu.transpose %convert_element_type3A_160, [1, 0] : vector<256x512xbf16> -> vector<512x256xbf16>
    %swap3A_162 = arith.constant 0 : index
    %swap3A_163 = arith.constant 0 : index
    %swap3A_164 = vector.load %arg18[%swap3A_162, %swap3A_163] : memref<1024x256xbf16, #tpu.memory_space<vmem>>, vector<512x256xbf16>
    tpu.vector_store %arg18[%swap3A_162, %swap3A_163], %transpose3A_161 {strides = array<i32>} : memref<1024x256xbf16, #tpu.memory_space<vmem>>, vector<512x256xbf16>,
    %get3A_165 = arith.constant 0 : index
    %get3A_166 = arith.constant 512 : index
    %get3A_167 = vector.load %arg16[%get3A_165, %get3A_166] : memref<256x1024xf32, #tpu.memory_space<vmem>>, vector<256x512xf32>
    %convert_element_type3A_168 = arith.truncf %get3A_167 : vector<256x512xf32> to vector<256x512xbf16>
    %transpose3A_169 = tpu.transpose %convert_element_type3A_168, [1, 0] : vector<256x512xbf16> -> vector<512x256xbf16>
    %swap3A_170 = arith.constant 512 : index
    %swap3A_171 = arith.constant 0 : index
    %swap3A_172 = vector.load %arg18[%swap3A_170, %swap3A_171] : memref<1024x256xbf16, #tpu.memory_space<vmem>>, vector<512x256xbf16>
    tpu.vector_store %arg18[%swap3A_170, %swap3A_171], %transpose3A_169 {strides = array<i32>} : memref<1024x256xbf16, #tpu.memory_space<vmem>>, vector<512x256xbf16>,
    %dma_start3A_173 = arith.constant 1024 : i32
    %dma_start3A_174 = arith.constant 0 : i32
    %dma_start3A_175 = tpu.memref_slice %arg1[%dma_start3A_173, %dma_start3A_174] : memref<4096x1024xf32, #tpu.memory_space<hbm>> -> memref<256x1024xf32, #tpu.memory_space<hbm>>
    tpu.enqueue_dma source(%dma_start3A_175 : memref<256x1024xf32, #tpu.memory_space<hbm>>) target(%arg16 : memref<256x1024xf32, #tpu.memory_space<vmem>>) target_semaphore(%arg22 : memref<!tpu.dma_semaphore, #tpu.memory_space<semaphore_mem>>)
    %get3A_176 = arith.constant 0 : index
    %get3A_177 = arith.constant 0 : index
    %get3A_178 = vector.load %arg19[%get3A_176, %get3A_177] : memref<496x1024xbf16, #tpu.memory_space<vmem>>, vector<496x1024xbf16>
    %get3A_179 = arith.constant 0 : index
    %get3A_180 = arith.constant 0 : index
    %get3A_181 = vector.load %arg18[%get3A_179, %get3A_180] : memref<1024x256xbf16, #tpu.memory_space<vmem>>, vector<1024x256xbf16>
    %dot_general3A_182 = arith.constant dense<0.000000e+00> : vector<496x256xf32>
    %dot_general3A_183 = tpu.matmul %get3A_178, %get3A_181, %dot_general3A_182 {dimension_numbers = #tpu.dot_dimension_numbers<[1], [0], [0], [1], [0, 0, 1, 1], [], []>, transpose_lhs_hint = false} : vector<496x1024xbf16>, vector<1024x256xbf16>, vector<496x256xf32> -> vector<496x256xf32>
    %swap3A_184 = arith.constant 0 : index
    %swap3A_185 = arith.constant 512 : index
    %swap3A_186 = vector.load %arg5[%swap3A_184, %swap3A_185] : memref<496x4096xf32, #tpu.memory_space<vmem>>, vector<496x256xf32>
    tpu.vector_store %arg5[%swap3A_184, %swap3A_185], %dot_general3A_183 {strides = array<i32>} : memref<496x4096xf32, #tpu.memory_space<vmem>>, vector<496x256xf32>,
    %dma_wait3A_187 = arith.constant 256 : i32
    %dma_wait3A_188 = arith.constant 0 : i32
    %dma_wait3A_189 = tpu.memref_slice %arg2[%dma_wait3A_187, %dma_wait3A_188] : memref<4096x4096xf32, #tpu.memory_space<hbm>> -> memref<128x4096xf32, #tpu.memory_space<hbm>>
    tpu.wait_dma2 semaphore(%arg20 : memref<!tpu.dma_semaphore, #tpu.memory_space<semaphore_mem>>) src(%dma_wait3A_189 : memref<128x4096xf32, #tpu.memory_space<hbm>>) dst(%arg14 : memref<128x4096xf32, #tpu.memory_space<vmem>>)
    %get3A_190 = arith.constant 0 : index
    %get3A_191 = arith.constant 0 : index
    %get3A_192 = vector.load %arg14[%get3A_190, %get3A_191] : memref<128x4096xf32, #tpu.memory_space<vmem>>, vector<128x1024xf32>
    %convert_element_type3A_193 = arith.truncf %get3A_192 : vector<128x1024xf32> to vector<128x1024xbf16>
    %transpose3A_194 = tpu.transpose %convert_element_type3A_193, [1, 0] : vector<128x1024xbf16> -> vector<1024x128xbf16>
    %swap3A_195 = arith.constant 0 : index
    %swap3A_196 = arith.constant 256 : index
    %swap3A_197 = vector.load %arg6[%swap3A_195, %swap3A_196] : memref<4096x4096xbf16, #tpu.memory_space<vmem>>, vector<1024x128xbf16>
    tpu.vector_store %arg6[%swap3A_195, %swap3A_196], %transpose3A_194 {strides = array<i32>} : memref<4096x4096xbf16, #tpu.memory_space<vmem>>, vector<1024x128xbf16>,
    %get3A_198 = arith.constant 0 : index
    %get3A_199 = arith.constant 1024 : index
    %get3A_200 = vector.load %arg14[%get3A_198, %get3A_199] : memref<128x4096xf32, #tpu.memory_space<vmem>>, vector<128x1024xf32>
    %convert_element_type3A_201 = arith.truncf %get3A_200 : vector<128x1024xf32> to vector<128x1024xbf16>
    %transpose3A_202 = tpu.transpose %convert_element_type3A_201, [1, 0] : vector<128x1024xbf16> -> vector<1024x128xbf16>
    %swap3A_203 = arith.constant 1024 : index
    %swap3A_204 = arith.constant 256 : index
    %swap3A_205 = vector.load %arg6[%swap3A_203, %swap3A_204] : memref<4096x4096xbf16, #tpu.memory_space<vmem>>, vector<1024x128xbf16>
    tpu.vector_store %arg6[%swap3A_203, %swap3A_204], %transpose3A_202 {strides = array<i32>} : memref<4096x4096xbf16, #tpu.memory_space<vmem>>, vector<1024x128xbf16>,
    %get3A_206 = arith.constant 0 : index
    %get3A_207 = arith.constant 2048 : index
    %get3A_208 = vector.load %arg14[%get3A_206, %get3A_207] : memref<128x4096xf32, #tpu.memory_space<vmem>>, vector<128x1024xf32>
    %convert_element_type3A_209 = arith.truncf %get3A_208 : vector<128x1024xf32> to vector<128x1024xbf16>
    %transpose3A_210 = tpu.transpose %convert_element_type3A_209, [1, 0] : vector<128x1024xbf16> -> vector<1024x128xbf16>
    %swap3A_211 = arith.constant 2048 : index
    %swap3A_212 = arith.constant 256 : index
    %swap3A_213 = vector.load %arg6[%swap3A_211, %swap3A_212] : memref<4096x4096xbf16, #tpu.memory_space<vmem>>, vector<1024x128xbf16>
    tpu.vector_store %arg6[%swap3A_211, %swap3A_212], %transpose3A_210 {strides = array<i32>} : memref<4096x4096xbf16, #tpu.memory_space<vmem>>, vector<1024x128xbf16>,
    %get3A_214 = arith.constant 0 : index
    %get3A_215 = arith.constant 3072 : index
    %get3A_216 = vector.load %arg14[%get3A_214, %get3A_215] : memref<128x4096xf32, #tpu.memory_space<vmem>>, vector<128x1024xf32>
    %convert_element_type3A_217 = arith.truncf %get3A_216 : vector<128x1024xf32> to vector<128x1024xbf16>
    %transpose3A_218 = tpu.transpose %convert_element_type3A_217, [1, 0] : vector<128x1024xbf16> -> vector<1024x128xbf16>
    %swap3A_219 = arith.constant 3072 : index
    %swap3A_220 = arith.constant 256 : index
    %swap3A_221 = vector.load %arg6[%swap3A_219, %swap3A_220] : memref<4096x4096xbf16, #tpu.memory_space<vmem>>, vector<1024x128xbf16>
    tpu.vector_store %arg6[%swap3A_219, %swap3A_220], %transpose3A_218 {strides = array<i32>} : memref<4096x4096xbf16, #tpu.memory_space<vmem>>, vector<1024x128xbf16>,
    %dma_start3A_222 = arith.constant 512 : i32
    %dma_start3A_223 = arith.constant 0 : i32
    %dma_start3A_224 = tpu.memref_slice %arg2[%dma_start3A_222, %dma_start3A_223] : memref<4096x4096xf32, #tpu.memory_space<hbm>> -> memref<128x4096xf32, #tpu.memory_space<hbm>>
    tpu.enqueue_dma source(%dma_start3A_224 : memref<128x4096xf32, #tpu.memory_space<hbm>>) target(%arg14 : memref<128x4096xf32, #tpu.memory_space<vmem>>) target_semaphore(%arg20 : memref<!tpu.dma_semaphore, #tpu.memory_space<semaphore_mem>>)
    %dma_wait3A_225 = arith.constant 768 : i32
    %dma_wait3A_226 = arith.constant 0 : i32
    %dma_wait3A_227 = tpu.memref_slice %arg1[%dma_wait3A_225, %dma_wait3A_226] : memref<4096x1024xf32, #tpu.memory_space<hbm>> -> memref<256x1024xf32, #tpu.memory_space<hbm>>
    tpu.wait_dma2 semaphore(%arg23 : memref<!tpu.dma_semaphore, #tpu.memory_space<semaphore_mem>>) src(%dma_wait3A_227 : memref<256x1024xf32, #tpu.memory_space<hbm>>) dst(%arg17 : memref<256x1024xf32, #tpu.memory_space<vmem>>)
    %get3A_228 = arith.constant 0 : index
    %get3A_229 = arith.constant 0 : index
    %get3A_230 = vector.load %arg17[%get3A_228, %get3A_229] : memref<256x1024xf32, #tpu.memory_space<vmem>>, vector<256x512xf32>
    %convert_element_type3A_231 = arith.truncf %get3A_230 : vector<256x512xf32> to vector<256x512xbf16>
    %transpose3A_232 = tpu.transpose %convert_element_type3A_231, [1, 0] : vector<256x512xbf16> -> vector<512x256xbf16>
    %swap3A_233 = arith.constant 0 : index
    %swap3A_234 = arith.constant 0 : index
    %swap3A_235 = vector.load %arg18[%swap3A_233, %swap3A_234] : memref<1024x256xbf16, #tpu.memory_space<vmem>>, vector<512x256xbf16>
    tpu.vector_store %arg18[%swap3A_233, %swap3A_234], %transpose3A_232 {strides = array<i32>} : memref<1024x256xbf16, #tpu.memory_space<vmem>>, vector<512x256xbf16>,
    %get3A_236 = arith.constant 0 : index
    %get3A_237 = arith.constant 512 : index
    %get3A_238 = vector.load %arg17[%get3A_236, %get3A_237] : memref<256x1024xf32, #tpu.memory_space<vmem>>, vector<256x512xf32>
    %convert_element_type3A_239 = arith.truncf %get3A_238 : vector<256x512xf32> to vector<256x512xbf16>
    %transpose3A_240 = tpu.transpose %convert_element_type3A_239, [1, 0] : vector<256x512xbf16> -> vector<512x256xbf16>
    %swap3A_241 = arith.constant 512 : index
    %swap3A_242 = arith.constant 0 : index
    %swap3A_243 = vector.load %arg18[%swap3A_241, %swap3A_242] : memref<1024x256xbf16, #tpu.memory_space<vmem>>, vector<512x256xbf16>
    tpu.vector_store %arg18[%swap3A_241, %swap3A_242], %transpose3A_240 {strides = array<i32>} : memref<1024x256xbf16, #tpu.memory_space<vmem>>, vector<512x256xbf16>,
    %dma_start3A_244 = arith.constant 1280 : i32
    %dma_start3A_245 = arith.constant 0 : i32
    %dma_start3A_246 = tpu.memref_slice %arg1[%dma_start3A_244, %dma_start3A_245] : memref<4096x1024xf32, #tpu.memory_space<hbm>> -> memref<256x1024xf32, #tpu.memory_space<hbm>>
    tpu.enqueue_dma source(%dma_start3A_246 : memref<256x1024xf32, #tpu.memory_space<hbm>>) target(%arg17 : memref<256x1024xf32, #tpu.memory_space<vmem>>) target_semaphore(%arg23 : memref<!tpu.dma_semaphore, #tpu.memory_space<semaphore_mem>>)
    %get3A_247 = arith.constant 0 : index
    %get3A_248 = arith.constant 0 : index
    %get3A_249 = vector.load %arg19[%get3A_247, %get3A_248] : memref<496x1024xbf16, #tpu.memory_space<vmem>>, vector<496x1024xbf16>
    %get3A_250 = arith.constant 0 : index
    %get3A_251 = arith.constant 0 : index
    %get3A_252 = vector.load %arg18[%get3A_250, %get3A_251] : memref<1024x256xbf16, #tpu.memory_space<vmem>>, vector<1024x256xbf16>
    %dot_general3A_253 = arith.constant dense<0.000000e+00> : vector<496x256xf32>
    %dot_general3A_254 = tpu.matmul %get3A_249, %get3A_252, %dot_general3A_253 {dimension_numbers = #tpu.dot_dimension_numbers<[1], [0], [0], [1], [0, 0, 1, 1], [], []>, transpose_lhs_hint = false} : vector<496x1024xbf16>, vector<1024x256xbf16>, vector<496x256xf32> -> vector<496x256xf32>
    %swap3A_255 = arith.constant 0 : index
    %swap3A_256 = arith.constant 768 : index
    %swap3A_257 = vector.load %arg5[%swap3A_255, %swap3A_256] : memref<496x4096xf32, #tpu.memory_space<vmem>>, vector<496x256xf32>
    tpu.vector_store %arg5[%swap3A_255, %swap3A_256], %dot_general3A_254 {strides = array<i32>} : memref<496x4096xf32, #tpu.memory_space<vmem>>, vector<496x256xf32>,
    %dma_wait3A_258 = arith.constant 384 : i32
    %dma_wait3A_259 = arith.constant 0 : i32
    %dma_wait3A_260 = tpu.memref_slice %arg2[%dma_wait3A_258, %dma_wait3A_259] : memref<4096x4096xf32, #tpu.memory_space<hbm>> -> memref<128x4096xf32, #tpu.memory_space<hbm>>
    tpu.wait_dma2 semaphore(%arg21 : memref<!tpu.dma_semaphore, #tpu.memory_space<semaphore_mem>>) src(%dma_wait3A_260 : memref<128x4096xf32, #tpu.memory_space<hbm>>) dst(%arg15 : memref<128x4096xf32, #tpu.memory_space<vmem>>)
    %get3A_261 = arith.constant 0 : index
    %get3A_262 = arith.constant 0 : index
    %get3A_263 = vector.load %arg15[%get3A_261, %get3A_262] : memref<128x4096xf32, #tpu.memory_space<vmem>>, vector<128x1024xf32>
    %convert_element_type3A_264 = arith.truncf %get3A_263 : vector<128x1024xf32> to vector<128x1024xbf16>
    %transpose3A_265 = tpu.transpose %convert_element_type3A_264, [1, 0] : vector<128x1024xbf16> -> vector<1024x128xbf16>
    %swap3A_266 = arith.constant 0 : index
    %swap3A_267 = arith.constant 384 : index
    %swap3A_268 = vector.load %arg6[%swap3A_266, %swap3A_267] : memref<4096x4096xbf16, #tpu.memory_space<vmem>>, vector<1024x128xbf16>
    tpu.vector_store %arg6[%swap3A_266, %swap3A_267], %transpose3A_265 {strides = array<i32>} : memref<4096x4096xbf16, #tpu.memory_space<vmem>>, vector<1024x128xbf16>,
    %get3A_269 = arith.constant 0 : index
    %get3A_270 = arith.constant 1024 : index
    %get3A_271 = vector.load %arg15[%get3A_269, %get3A_270] : memref<128x4096xf32, #tpu.memory_space<vmem>>, vector<128x1024xf32>
    %convert_element_type3A_272 = arith.truncf %get3A_271 : vector<128x1024xf32> to vector<128x1024xbf16>
    %transpose3A_273 = tpu.transpose %convert_element_type3A_272, [1, 0] : vector<128x1024xbf16> -> vector<1024x128xbf16>
    %swap3A_274 = arith.constant 1024 : index
    %swap3A_275 = arith.constant 384 : index
    %swap3A_276 = vector.load %arg6[%swap3A_274, %swap3A_275] : memref<4096x4096xbf16, #tpu.memory_space<vmem>>, vector<1024x128xbf16>
    tpu.vector_store %arg6[%swap3A_274, %swap3A_275], %transpose3A_273 {strides = array<i32>} : memref<4096x4096xbf16, #tpu.memory_space<vmem>>, vector<1024x128xbf16>,
    %get3A_277 = arith.constant 0 : index
    %get3A_278 = arith.constant 2048 : index
    %get3A_279 = vector.load %arg15[%get3A_277, %get3A_278] : memref<128x4096xf32, #tpu.memory_space<vmem>>, vector<128x1024xf32>
    %convert_element_type3A_280 = arith.truncf %get3A_279 : vector<128x1024xf32> to vector<128x1024xbf16>
    %transpose3A_281 = tpu.transpose %convert_element_type3A_280, [1, 0] : vector<128x1024xbf16> -> vector<1024x128xbf16>
    %swap3A_282 = arith.constant 2048 : index
    %swap3A_283 = arith.constant 384 : index
    %swap3A_284 = vector.load %arg6[%swap3A_282, %swap3A_283] : memref<4096x4096xbf16, #tpu.memory_space<vmem>>, vector<1024x128xbf16>
    tpu.vector_store %arg6[%swap3A_282, %swap3A_283], %transpose3A_281 {strides = array<i32>} : memref<4096x4096xbf16, #tpu.memory_space<vmem>>, vector<1024x128xbf16>,
    %get3A_285 = arith.constant 0 : index
    %get3A_286 = arith.constant 3072 : index
    %get3A_287 = vector.load %arg15[%get3A_285, %get3A_286] : memref<128x4096xf32, #tpu.memory_space<vmem>>, vector<128x1024xf32>
    %convert_element_type3A_288 = arith.truncf %get3A_287 : vector<128x1024xf32> to vector<128x1024xbf16>
    %transpose3A_289 = tpu.transpose %convert_element_type3A_288, [1, 0] : vector<128x1024xbf16> -> vector<1024x128xbf16>
    %swap3A_290 = arith.constant 3072 : index
    %swap3A_291 = arith.constant 384 : index
    %swap3A_292 = vector.load %arg6[%swap3A_290, %swap3A_291] : memref<4096x4096xbf16, #tpu.memory_space<vmem>>, vector<1024x128xbf16>
    tpu.vector_store %arg6[%swap3A_290, %swap3A_291], %transpose3A_289 {strides = array<i32>} : memref<4096x4096xbf16, #tpu.memory_space<vmem>>, vector<1024x128xbf16>,
    %dma_start3A_293 = arith.constant 640 : i32
    %dma_start3A_294 = arith.constant 0 : i32
    %dma_start3A_295 = tpu.memref_slice %arg2[%dma_start3A_293, %dma_start3A_294] : memref<4096x4096xf32, #tpu.memory_space<hbm>> -> memref<128x4096xf32, #tpu.memory_space<hbm>>
    tpu.enqueue_dma source(%dma_start3A_295 : memref<128x4096xf32, #tpu.memory_space<hbm>>) target(%arg15 : memref<128x4096xf32, #tpu.memory_space<vmem>>) target_semaphore(%arg21 : memref<!tpu.dma_semaphore, #tpu.memory_space<semaphore_mem>>)
    %dma_wait3A_296 = arith.constant 1024 : i32
    %dma_wait3A_297 = arith.constant 0 : i32
    %dma_wait3A_298 = tpu.memref_slice %arg1[%dma_wait3A_296, %dma_wait3A_297] : memref<4096x1024xf32, #tpu.memory_space<hbm>> -> memref<256x1024xf32, #tpu.memory_space<hbm>>
    tpu.wait_dma2 semaphore(%arg22 : memref<!tpu.dma_semaphore, #tpu.memory_space<semaphore_mem>>) src(%dma_wait3A_298 : memref<256x1024xf32, #tpu.memory_space<hbm>>) dst(%arg16 : memref<256x1024xf32, #tpu.memory_space<vmem>>)
    %get3A_299 = arith.constant 0 : index
    %get3A_300 = arith.constant 0 : index
    %get3A_301 = vector.load %arg16[%get3A_299, %get3A_300] : memref<256x1024xf32, #tpu.memory_space<vmem>>, vector<256x512xf32>
    %convert_element_type3A_302 = arith.truncf %get3A_301 : vector<256x512xf32> to vector<256x512xbf16>
    %transpose3A_303 = tpu.transpose %convert_element_type3A_302, [1, 0] : vector<256x512xbf16> -> vector<512x256xbf16>
    %swap3A_304 = arith.constant 0 : index
    %swap3A_305 = arith.constant 0 : index
    %swap3A_306 = vector.load %arg18[%swap3A_304, %swap3A_305] : memref<1024x256xbf16, #tpu.memory_space<vmem>>, vector<512x256xbf16>
    tpu.vector_store %arg18[%swap3A_304, %swap3A_305], %transpose3A_303 {strides = array<i32>} : memref<1024x256xbf16, #tpu.memory_space<vmem>>, vector<512x256xbf16>,
    %get3A_307 = arith.constant 0 : index
    %get3A_308 = arith.constant 512 : index
    %get3A_309 = vector.load %arg16[%get3A_307, %get3A_308] : memref<256x1024xf32, #tpu.memory_space<vmem>>, vector<256x512xf32>
    %convert_element_type3A_310 = arith.truncf %get3A_309 : vector<256x512xf32> to vector<256x512xbf16>
    %transpose3A_311 = tpu.transpose %convert_element_type3A_310, [1, 0] : vector<256x512xbf16> -> vector<512x256xbf16>
    %swap3A_312 = arith.constant 512 : index
    %swap3A_313 = arith.constant 0 : index
    %swap3A_314 = vector.load %arg18[%swap3A_312, %swap3A_313] : memref<1024x256xbf16, #tpu.memory_space<vmem>>, vector<512x256xbf16>
    tpu.vector_store %arg18[%swap3A_312, %swap3A_313], %transpose3A_311 {strides = array<i32>} : memref<1024x256xbf16, #tpu.memory_space<vmem>>, vector<512x256xbf16>,
    %dma_start3A_315 = arith.constant 1536 : i32
    %dma_start3A_316 = arith.constant 0 : i32
    %dma_start3A_317 = tpu.memref_slice %arg1[%dma_start3A_315, %dma_start3A_316] : memref<4096x1024xf32, #tpu.memory_space<hbm>> -> memref<256x1024xf32, #tpu.memory_space<hbm>>
    tpu.enqueue_dma source(%dma_start3A_317 : memref<256x1024xf32, #tpu.memory_space<hbm>>) target(%arg16 : memref<256x1024xf32, #tpu.memory_space<vmem>>) target_semaphore(%arg22 : memref<!tpu.dma_semaphore, #tpu.memory_space<semaphore_mem>>)
    %get3A_318 = arith.constant 0 : index
    %get3A_319 = arith.constant 0 : index
    %get3A_320 = vector.load %arg19[%get3A_318, %get3A_319] : memref<496x1024xbf16, #tpu.memory_space<vmem>>, vector<496x1024xbf16>
    %get3A_321 = arith.constant 0 : index
    %get3A_322 = arith.constant 0 : index
    %get3A_323 = vector.load %arg18[%get3A_321, %get3A_322] : memref<1024x256xbf16, #tpu.memory_space<vmem>>, vector<1024x256xbf16>
    %dot_general3A_324 = arith.constant dense<0.000000e+00> : vector<496x256xf32>
    %dot_general3A_325 = tpu.matmul %get3A_320, %get3A_323, %dot_general3A_324 {dimension_numbers = #tpu.dot_dimension_numbers<[1], [0], [0], [1], [0, 0, 1, 1], [], []>, transpose_lhs_hint = false} : vector<496x1024xbf16>, vector<1024x256xbf16>, vector<496x256xf32> -> vector<496x256xf32>
    %swap3A_326 = arith.constant 0 : index
    %swap3A_327 = arith.constant 1024 : index
    %swap3A_328 = vector.load %arg5[%swap3A_326, %swap3A_327] : memref<496x4096xf32, #tpu.memory_space<vmem>>, vector<496x256xf32>
    tpu.vector_store %arg5[%swap3A_326, %swap3A_327], %dot_general3A_325 {strides = array<i32>} : memref<496x4096xf32, #tpu.memory_space<vmem>>, vector<496x256xf32>,
    %dma_wait3A_329 = arith.constant 512 : i32
    %dma_wait3A_330 = arith.constant 0 : i32
    %dma_wait3A_331 = tpu.memref_slice %arg2[%dma_wait3A_329, %dma_wait3A_330] : memref<4096x4096xf32, #tpu.memory_space<hbm>> -> memref<128x4096xf32, #tpu.memory_space<hbm>>
    tpu.wait_dma2 semaphore(%arg20 : memref<!tpu.dma_semaphore, #tpu.memory_space<semaphore_mem>>) src(%dma_wait3A_331 : memref<128x4096xf32, #tpu.memory_space<hbm>>) dst(%arg14 : memref<128x4096xf32, #tpu.memory_space<vmem>>)
    %get3A_332 = arith.constant 0 : index
    %get3A_333 = arith.constant 0 : index
    %get3A_334 = vector.load %arg14[%get3A_332, %get3A_333] : memref<128x4096xf32, #tpu.memory_space<vmem>>, vector<128x1024xf32>
    %convert_element_type3A_335 = arith.truncf %get3A_334 : vector<128x1024xf32> to vector<128x1024xbf16>
    %transpose3A_336 = tpu.transpose %convert_element_type3A_335, [1, 0] : vector<128x1024xbf16> -> vector<1024x128xbf16>
    %swap3A_337 = arith.constant 0 : index
    %swap3A_338 = arith.constant 512 : index
    %swap3A_339 = vector.load %arg6[%swap3A_337, %swap3A_338] : memref<4096x4096xbf16, #tpu.memory_space<vmem>>, vector<1024x128xbf16>
    tpu.vector_store %arg6[%swap3A_337, %swap3A_338], %transpose3A_336 {strides = array<i32>} : memref<4096x4096xbf16, #tpu.memory_space<vmem>>, vector<1024x128xbf16>,
    %get3A_340 = arith.constant 0 : index
    %get3A_341 = arith.constant 1024 : index
    %get3A_342 = vector.load %arg14[%get3A_340, %get3A_341] : memref<128x4096xf32, #tpu.memory_space<vmem>>, vector<128x1024xf32>
    %convert_element_type3A_343 = arith.truncf %get3A_342 : vector<128x1024xf32> to vector<128x1024xbf16>
    %transpose3A_344 = tpu.transpose %convert_element_type3A_343, [1, 0] : vector<128x1024xbf16> -> vector<1024x128xbf16>
    %swap3A_345 = arith.constant 1024 : index
    %swap3A_346 = arith.constant 512 : index
    %swap3A_347 = vector.load %arg6[%swap3A_345, %swap3A_346] : memref<4096x4096xbf16, #tpu.memory_space<vmem>>, vector<1024x128xbf16>
    tpu.vector_store %arg6[%swap3A_345, %swap3A_346], %transpose3A_344 {strides = array<i32>} : memref<4096x4096xbf16, #tpu.memory_space<vmem>>, vector<1024x128xbf16>,
    %get3A_348 = arith.constant 0 : index
    %get3A_349 = arith.constant 2048 : index
    %get3A_350 = vector.load %arg14[%get3A_348, %get3A_349] : memref<128x4096xf32, #tpu.memory_space<vmem>>, vector<128x1024xf32>
    %convert_element_type3A_351 = arith.truncf %get3A_350 : vector<128x1024xf32> to vector<128x1024xbf16>
    %transpose3A_352 = tpu.transpose %convert_element_type3A_351, [1, 0] : vector<128x1024xbf16> -> vector<1024x128xbf16>
    %swap3A_353 = arith.constant 2048 : index
    %swap3A_354 = arith.constant 512 : index
    %swap3A_355 = vector.load %arg6[%swap3A_353, %swap3A_354] : memref<4096x4096xbf16, #tpu.memory_space<vmem>>, vector<1024x128xbf16>
    tpu.vector_store %arg6[%swap3A_353, %swap3A_354], %transpose3A_352 {strides = array<i32>} : memref<4096x4096xbf16, #tpu.memory_space<vmem>>, vector<1024x128xbf16>,
    %get3A_356 = arith.constant 0 : index
    %get3A_357 = arith.constant 3072 : index
    %get3A_358 = vector.load %arg14[%get3A_356, %get3A_357] : memref<128x4096xf32, #tpu.memory_space<vmem>>, vector<128x1024xf32>
    %convert_element_type3A_359 = arith.truncf %get3A_358 : vector<128x1024xf32> to vector<128x1024xbf16>
    %transpose3A_360 = tpu.transpose %convert_element_type3A_359, [1, 0] : vector<128x1024xbf16> -> vector<1024x128xbf16>
    %swap3A_361 = arith.constant 3072 : index
    %swap3A_362 = arith.constant 512 : index
    %swap3A_363 = vector.load %arg6[%swap3A_361, %swap3A_362] : memref<4096x4096xbf16, #tpu.memory_space<vmem>>, vector<1024x128xbf16>
    tpu.vector_store %arg6[%swap3A_361, %swap3A_362], %transpose3A_360 {strides = array<i32>} : memref<4096x4096xbf16, #tpu.memory_space<vmem>>, vector<1024x128xbf16>,
    %dma_start3A_364 = arith.constant 768 : i32
    %dma_start3A_365 = arith.constant 0 : i32
    %dma_start3A_366 = tpu.memref_slice %arg2[%dma_start3A_364, %dma_start3A_365] : memref<4096x4096xf32, #tpu.memory_space<hbm>> -> memref<128x4096xf32, #tpu.memory_space<hbm>>
    tpu.enqueue_dma source(%dma_start3A_366 : memref<128x4096xf32, #tpu.memory_space<hbm>>) target(%arg14 : memref<128x4096xf32, #tpu.memory_space<vmem>>) target_semaphore(%arg20 : memref<!tpu.dma_semaphore, #tpu.memory_space<semaphore_mem>>)
    %dma_wait3A_367 = arith.constant 1280 : i32
    %dma_wait3A_368 = arith.constant 0 : i32
    %dma_wait3A_369 = tpu.memref_slice %arg1[%dma_wait3A_367, %dma_wait3A_368] : memref<4096x1024xf32, #tpu.memory_space<hbm>> -> memref<256x1024xf32, #tpu.memory_space<hbm>>
    tpu.wait_dma2 semaphore(%arg23 : memref<!tpu.dma_semaphore, #tpu.memory_space<semaphore_mem>>) src(%dma_wait3A_369 : memref<256x1024xf32, #tpu.memory_space<hbm>>) dst(%arg17 : memref<256x1024xf32, #tpu.memory_space<vmem>>)
    %get3A_370 = arith.constant 0 : index
    %get3A_371 = arith.constant 0 : index
    %get3A_372 = vector.load %arg17[%get3A_370, %get3A_371] : memref<256x1024xf32, #tpu.memory_space<vmem>>, vector<256x512xf32>
    %convert_element_type3A_373 = arith.truncf %get3A_372 : vector<256x512xf32> to vector<256x512xbf16>
    %transpose3A_374 = tpu.transpose %convert_element_type3A_373, [1, 0] : vector<256x512xbf16> -> vector<512x256xbf16>
    %swap3A_375 = arith.constant 0 : index
    %swap3A_376 = arith.constant 0 : index
    %swap3A_377 = vector.load %arg18[%swap3A_375, %swap3A_376] : memref<1024x256xbf16, #tpu.memory_space<vmem>>, vector<512x256xbf16>
    tpu.vector_store %arg18[%swap3A_375, %swap3A_376], %transpose3A_374 {strides = array<i32>} : memref<1024x256xbf16, #tpu.memory_space<vmem>>, vector<512x256xbf16>,
    %get3A_378 = arith.constant 0 : index
    %get3A_379 = arith.constant 512 : index
    %get3A_380 = vector.load %arg17[%get3A_378, %get3A_379] : memref<256x1024xf32, #tpu.memory_space<vmem>>, vector<256x512xf32>
    %convert_element_type3A_381 = arith.truncf %get3A_380 : vector<256x512xf32> to vector<256x512xbf16>
    %transpose3A_382 = tpu.transpose %convert_element_type3A_381, [1, 0] : vector<256x512xbf16> -> vector<512x256xbf16>
    %swap3A_383 = arith.constant 512 : index
    %swap3A_384 = arith.constant 0 : index
    %swap3A_385 = vector.load %arg18[%swap3A_383, %swap3A_384] : memref<1024x256xbf16, #tpu.memory_space<vmem>>, vector<512x256xbf16>
    tpu.vector_store %arg18[%swap3A_383, %swap3A_384], %transpose3A_382 {strides = array<i32>} : memref<1024x256xbf16, #tpu.memory_space<vmem>>, vector<512x256xbf16>,
    %dma_start3A_386 = arith.constant 1792 : i32
    %dma_start3A_387 = arith.constant 0 : i32
    %dma_start3A_388 = tpu.memref_slice %arg1[%dma_start3A_386, %dma_start3A_387] : memref<4096x1024xf32, #tpu.memory_space<hbm>> -> memref<256x1024xf32, #tpu.memory_space<hbm>>
    tpu.enqueue_dma source(%dma_start3A_388 : memref<256x1024xf32, #tpu.memory_space<hbm>>) target(%arg17 : memref<256x1024xf32, #tpu.memory_space<vmem>>) target_semaphore(%arg23 : memref<!tpu.dma_semaphore, #tpu.memory_space<semaphore_mem>>)
    %get3A_389 = arith.constant 0 : index
    %get3A_390 = arith.constant 0 : index
    %get3A_391 = vector.load %arg19[%get3A_389, %get3A_390] : memref<496x1024xbf16, #tpu.memory_space<vmem>>, vector<496x1024xbf16>
    %get3A_392 = arith.constant 0 : index
    %get3A_393 = arith.constant 0 : index
    %get3A_394 = vector.load %arg18[%get3A_392, %get3A_393] : memref<1024x256xbf16, #tpu.memory_space<vmem>>, vector<1024x256xbf16>
    %dot_general3A_395 = arith.constant dense<0.000000e+00> : vector<496x256xf32>
    %dot_general3A_396 = tpu.matmul %get3A_391, %get3A_394, %dot_general3A_395 {dimension_numbers = #tpu.dot_dimension_numbers<[1], [0], [0], [1], [0, 0, 1, 1], [], []>, transpose_lhs_hint = false} : vector<496x1024xbf16>, vector<1024x256xbf16>, vector<496x256xf32> -> vector<496x256xf32>
    %swap3A_397 = arith.constant 0 : index
    %swap3A_398 = arith.constant 1280 : index
    %swap3A_399 = vector.load %arg5[%swap3A_397, %swap3A_398] : memref<496x4096xf32, #tpu.memory_space<vmem>>, vector<496x256xf32>
    tpu.vector_store %arg5[%swap3A_397, %swap3A_398], %dot_general3A_396 {strides = array<i32>} : memref<496x4096xf32, #tpu.memory_space<vmem>>, vector<496x256xf32>,
    %dma_wait3A_400 = arith.constant 640 : i32
    %dma_wait3A_401 = arith.constant 0 : i32
    %dma_wait3A_402 = tpu.memref_slice %arg2[%dma_wait3A_400, %dma_wait3A_401] : memref<4096x4096xf32, #tpu.memory_space<hbm>> -> memref<128x4096xf32, #tpu.memory_space<hbm>>
    tpu.wait_dma2 semaphore(%arg21 : memref<!tpu.dma_semaphore, #tpu.memory_space<semaphore_mem>>) src(%dma_wait3A_402 : memref<128x4096xf32, #tpu.memory_space<hbm>>) dst(%arg15 : memref<128x4096xf32, #tpu.memory_space<vmem>>)
    %get3A_403 = arith.constant 0 : index
    %get3A_404 = arith.constant 0 : index
    %get3A_405 = vector.load %arg15[%get3A_403, %get3A_404] : memref<128x4096xf32, #tpu.memory_space<vmem>>, vector<128x1024xf32>
    %convert_element_type3A_406 = arith.truncf %get3A_405 : vector<128x1024xf32> to vector<128x1024xbf16>
    %transpose3A_407 = tpu.transpose %convert_element_type3A_406, [1, 0] : vector<128x1024xbf16> -> vector<1024x128xbf16>
    %swap3A_408 = arith.constant 0 : index
    %swap3A_409 = arith.constant 640 : index
    %swap3A_410 = vector.load %arg6[%swap3A_408, %swap3A_409] : memref<4096x4096xbf16, #tpu.memory_space<vmem>>, vector<1024x128xbf16>
    tpu.vector_store %arg6[%swap3A_408, %swap3A_409], %transpose3A_407 {strides = array<i32>} : memref<4096x4096xbf16, #tpu.memory_space<vmem>>, vector<1024x128xbf16>,
    %get3A_411 = arith.constant 0 : index
    %get3A_412 = arith.constant 1024 : index
    %get3A_413 = vector.load %arg15[%get3A_411, %get3A_412] : memref<128x4096xf32, #tpu.memory_space<vmem>>, vector<128x1024xf32>
    %convert_element_type3A_414 = arith.truncf %get3A_413 : vector<128x1024xf32> to vector<128x1024xbf16>
    %transpose3A_415 = tpu.transpose %convert_element_type3A_414, [1, 0] : vector<128x1024xbf16> -> vector<1024x128xbf16>
    %swap3A_416 = arith.constant 1024 : index
    %swap3A_417 = arith.constant 640 : index
    %swap3A_418 = vector.load %arg6[%swap3A_416, %swap3A_417] : memref<4096x4096xbf16, #tpu.memory_space<vmem>>, vector<1024x128xbf16>
    tpu.vector_store %arg6[%swap3A_416, %swap3A_417], %transpose3A_415 {strides = array<i32>} : memref<4096x4096xbf16, #tpu.memory_space<vmem>>, vector<1024x128xbf16>,
    %get3A_419 = arith.constant 0 : index
    %get3A_420 = arith.constant 2048 : index
    %get3A_421 = vector.load %arg15[%get3A_419, %get3A_420] : memref<128x4096xf32, #tpu.memory_space<vmem>>, vector<128x1024xf32>
    %convert_element_type3A_422 = arith.truncf %get3A_421 : vector<128x1024xf32> to vector<128x1024xbf16>
    %transpose3A_423 = tpu.transpose %convert_element_type3A_422, [1, 0] : vector<128x1024xbf16> -> vector<1024x128xbf16>
    %swap3A_424 = arith.constant 2048 : index
    %swap3A_425 = arith.constant 640 : index
    %swap3A_426 = vector.load %arg6[%swap3A_424, %swap3A_425] : memref<4096x4096xbf16, #tpu.memory_space<vmem>>, vector<1024x128xbf16>
    tpu.vector_store %arg6[%swap3A_424, %swap3A_425], %transpose3A_423 {strides = array<i32>} : memref<4096x4096xbf16, #tpu.memory_space<vmem>>, vector<1024x128xbf16>,
    %get3A_427 = arith.constant 0 : index
    %get3A_428 = arith.constant 3072 : index
    %get3A_429 = vector.load %arg15[%get3A_427, %get3A_428] : memref<128x4096xf32, #tpu.memory_space<vmem>>, vector<128x1024xf32>
    %convert_element_type3A_430 = arith.truncf %get3A_429 : vector<128x1024xf32> to vector<128x1024xbf16>
    %transpose3A_431 = tpu.transpose %convert_element_type3A_430, [1, 0] : vector<128x1024xbf16> -> vector<1024x128xbf16>
    %swap3A_432 = arith.constant 3072 : index
    %swap3A_433 = arith.constant 640 : index
    %swap3A_434 = vector.load %arg6[%swap3A_432, %swap3A_433] : memref<4096x4096xbf16, #tpu.memory_space<vmem>>, vector<1024x128xbf16>
    tpu.vector_store %arg6[%swap3A_432, %swap3A_433], %transpose3A_431 {strides = array<i32>} : memref<4096x4096xbf16, #tpu.memory_space<vmem>>, vector<1024x128xbf16>,
    %dma_start3A_435 = arith.constant 896 : i32
    %dma_start3A_436 = arith.constant 0 : i32
    %dma_start3A_437 = tpu.memref_slice %arg2[%dma_start3A_435, %dma_start3A_436] : memref<4096x4096xf32, #tpu.memory_space<hbm>> -> memref<128x4096xf32, #tpu.memory_space<hbm>>
    tpu.enqueue_dma source(%dma_start3A_437 : memref<128x4096xf32, #tpu.memory_space<hbm>>) target(%arg15 : memref<128x4096xf32, #tpu.memory_space<vmem>>) target_semaphore(%arg21 : memref<!tpu.dma_semaphore, #tpu.memory_space<semaphore_mem>>)
    %dma_wait3A_438 = arith.constant 1536 : i32
    %dma_wait3A_439 = arith.constant 0 : i32
    %dma_wait3A_440 = tpu.memref_slice %arg1[%dma_wait3A_438, %dma_wait3A_439] : memref<4096x1024xf32, #tpu.memory_space<hbm>> -> memref<256x1024xf32, #tpu.memory_space<hbm>>
    tpu.wait_dma2 semaphore(%arg22 : memref<!tpu.dma_semaphore, #tpu.memory_space<semaphore_mem>>) src(%dma_wait3A_440 : memref<256x1024xf32, #tpu.memory_space<hbm>>) dst(%arg16 : memref<256x1024xf32, #tpu.memory_space<vmem>>)
    %get3A_441 = arith.constant 0 : index
    %get3A_442 = arith.constant 0 : index
    %get3A_443 = vector.load %arg16[%get3A_441, %get3A_442] : memref<256x1024xf32, #tpu.memory_space<vmem>>, vector<256x512xf32>
    %convert_element_type3A_444 = arith.truncf %get3A_443 : vector<256x512xf32> to vector<256x512xbf16>
    %transpose3A_445 = tpu.transpose %convert_element_type3A_444, [1, 0] : vector<256x512xbf16> -> vector<512x256xbf16>
    %swap3A_446 = arith.constant 0 : index
    %swap3A_447 = arith.constant 0 : index
    %swap3A_448 = vector.load %arg18[%swap3A_446, %swap3A_447] : memref<1024x256xbf16, #tpu.memory_space<vmem>>, vector<512x256xbf16>
    tpu.vector_store %arg18[%swap3A_446, %swap3A_447], %transpose3A_445 {strides = array<i32>} : memref<1024x256xbf16, #tpu.memory_space<vmem>>, vector<512x256xbf16>,
    %get3A_449 = arith.constant 0 : index
    %get3A_450 = arith.constant 512 : index
    %get3A_451 = vector.load %arg16[%get3A_449, %get3A_450] : memref<256x1024xf32, #tpu.memory_space<vmem>>, vector<256x512xf32>
    %convert_element_type3A_452 = arith.truncf %get3A_451 : vector<256x512xf32> to vector<256x512xbf16>
    %transpose3A_453 = tpu.transpose %convert_element_type3A_452, [1, 0] : vector<256x512xbf16> -> vector<512x256xbf16>
    %swap3A_454 = arith.constant 512 : index
    %swap3A_455 = arith.constant 0 : index
    %swap3A_456 = vector.load %arg18[%swap3A_454, %swap3A_455] : memref<1024x256xbf16, #tpu.memory_space<vmem>>, vector<512x256xbf16>
    tpu.vector_store %arg18[%swap3A_454, %swap3A_455], %transpose3A_453 {strides = array<i32>} : memref<1024x256xbf16, #tpu.memory_space<vmem>>, vector<512x256xbf16>,
    %dma_start3A_457 = arith.constant 2048 : i32
    %dma_start3A_458 = arith.constant 0 : i32
    %dma_start3A_459 = tpu.memref_slice %arg1[%dma_start3A_457, %dma_start3A_458] : memref<4096x1024xf32, #tpu.memory_space<hbm>> -> memref<256x1024xf32, #tpu.memory_space<hbm>>
    tpu.enqueue_dma source(%dma_start3A_459 : memref<256x1024xf32, #tpu.memory_space<hbm>>) target(%arg16 : memref<256x1024xf32, #tpu.memory_space<vmem>>) target_semaphore(%arg22 : memref<!tpu.dma_semaphore, #tpu.memory_space<semaphore_mem>>)
    %get3A_460 = arith.constant 0 : index
    %get3A_461 = arith.constant 0 : index
    %get3A_462 = vector.load %arg19[%get3A_460, %get3A_461] : memref<496x1024xbf16, #tpu.memory_space<vmem>>, vector<496x1024xbf16>
    %get3A_463 = arith.constant 0 : index
    %get3A_464 = arith.constant 0 : index
    %get3A_465 = vector.load %arg18[%get3A_463, %get3A_464] : memref<1024x256xbf16, #tpu.memory_space<vmem>>, vector<1024x256xbf16>
    %dot_general3A_466 = arith.constant dense<0.000000e+00> : vector<496x256xf32>
    %dot_general3A_467 = tpu.matmul %get3A_462, %get3A_465, %dot_general3A_466 {dimension_numbers = #tpu.dot_dimension_numbers<[1], [0], [0], [1], [0, 0, 1, 1], [], []>, transpose_lhs_hint = false} : vector<496x1024xbf16>, vector<1024x256xbf16>, vector<496x256xf32> -> vector<496x256xf32>
    %swap3A_468 = arith.constant 0 : index
    %swap3A_469 = arith.constant 1536 : index
    %swap3A_470 = vector.load %arg5[%swap3A_468, %swap3A_469] : memref<496x4096xf32, #tpu.memory_space<vmem>>, vector<496x256xf32>
    tpu.vector_store %arg5[%swap3A_468, %swap3A_469], %dot_general3A_467 {strides = array<i32>} : memref<496x4096xf32, #tpu.memory_space<vmem>>, vector<496x256xf32>,
    %dma_wait3A_471 = arith.constant 768 : i32
    %dma_wait3A_472 = arith.constant 0 : i32
    %dma_wait3A_473 = tpu.memref_slice %arg2[%dma_wait3A_471, %dma_wait3A_472] : memref<4096x4096xf32, #tpu.memory_space<hbm>> -> memref<128x4096xf32, #tpu.memory_space<hbm>>
    tpu.wait_dma2 semaphore(%arg20 : memref<!tpu.dma_semaphore, #tpu.memory_space<semaphore_mem>>) src(%dma_wait3A_473 : memref<128x4096xf32, #tpu.memory_space<hbm>>) dst(%arg14 : memref<128x4096xf32, #tpu.memory_space<vmem>>)
    %get3A_474 = arith.constant 0 : index
    %get3A_475 = arith.constant 0 : index
    %get3A_476 = vector.load %arg14[%get3A_474, %get3A_475] : memref<128x4096xf32, #tpu.memory_space<vmem>>, vector<128x1024xf32>
    %convert_element_type3A_477 = arith.truncf %get3A_476 : vector<128x1024xf32> to vector<128x1024xbf16>
    %transpose3A_478 = tpu.transpose %convert_element_type3A_477, [1, 0] : vector<128x1024xbf16> -> vector<1024x128xbf16>
    %swap3A_479 = arith.constant 0 : index
    %swap3A_480 = arith.constant 768 : index
    %swap3A_481 = vector.load %arg6[%swap3A_479, %swap3A_480] : memref<4096x4096xbf16, #tpu.memory_space<vmem>>, vector<1024x128xbf16>
    tpu.vector_store %arg6[%swap3A_479, %swap3A_480], %transpose3A_478 {strides = array<i32>} : memref<4096x4096xbf16, #tpu.memory_space<vmem>>, vector<1024x128xbf16>,
    %get3A_482 = arith.constant 0 : index
    %get3A_483 = arith.constant 1024 : index
    %get3A_484 = vector.load %arg14[%get3A_482, %get3A_483] : memref<128x4096xf32, #tpu.memory_space<vmem>>, vector<128x1024xf32>
    %convert_element_type3A_485 = arith.truncf %get3A_484 : vector<128x1024xf32> to vector<128x1024xbf16>
    %transpose3A_486 = tpu.transpose %convert_element_type3A_485, [1, 0] : vector<128x1024xbf16> -> vector<1024x128xbf16>
    %swap3A_487 = arith.constant 1024 : index
    %swap3A_488 = arith.constant 768 : index
    %swap3A_489 = vector.load %arg6[%swap3A_487, %swap3A_488] : memref<4096x4096xbf16, #tpu.memory_space<vmem>>, vector<1024x128xbf16>
    tpu.vector_store %arg6[%swap3A_487, %swap3A_488], %transpose3A_486 {strides = array<i32>} : memref<4096x4096xbf16, #tpu.memory_space<vmem>>, vector<1024x128xbf16>,
    %get3A_490 = arith.constant 0 : index
    %get3A_491 = arith.constant 2048 : index
    %get3A_492 = vector.load %arg14[%get3A_490, %get3A_491] : memref<128x4096xf32, #tpu.memory_space<vmem>>, vector<128x1024xf32>
    %convert_element_type3A_493 = arith.truncf %get3A_492 : vector<128x1024xf32> to vector<128x1024xbf16>
    %transpose3A_494 = tpu.transpose %convert_element_type3A_493, [1, 0] : vector<128x1024xbf16> -> vector<1024x128xbf16>
    %swap3A_495 = arith.constant 2048 : index
    %swap3A_496 = arith.constant 768 : index
    %swap3A_497 = vector.load %arg6[%swap3A_495, %swap3A_496] : memref<4096x4096xbf16, #tpu.memory_space<vmem>>, vector<1024x128xbf16>
    tpu.vector_store %arg6[%swap3A_495, %swap3A_496], %transpose3A_494 {strides = array<i32>} : memref<4096x4096xbf16, #tpu.memory_space<vmem>>, vector<1024x128xbf16>,
    %get3A_498 = arith.constant 0 : index
    %get3A_499 = arith.constant 3072 : index
    %get3A_500 = vector.load %arg14[%get3A_498, %get3A_499] : memref<128x4096xf32, #tpu.memory_space<vmem>>, vector<128x1024xf32>
    %convert_element_type3A_501 = arith.truncf %get3A_500 : vector<128x1024xf32> to vector<128x1024xbf16>
    %transpose3A_502 = tpu.transpose %convert_element_type3A_501, [1, 0] : vector<128x1024xbf16> -> vector<1024x128xbf16>
    %swap3A_503 = arith.constant 3072 : index
    %swap3A_504 = arith.constant 768 : index
    %swap3A_505 = vector.load %arg6[%swap3A_503, %swap3A_504] : memref<4096x4096xbf16, #tpu.memory_space<vmem>>, vector<1024x128xbf16>
    tpu.vector_store %arg6[%swap3A_503, %swap3A_504], %transpose3A_502 {strides = array<i32>} : memref<4096x4096xbf16, #tpu.memory_space<vmem>>, vector<1024x128xbf16>,
    %dma_start3A_506 = arith.constant 1024 : i32
    %dma_start3A_507 = arith.constant 0 : i32
    %dma_start3A_508 = tpu.memref_slice %arg2[%dma_start3A_506, %dma_start3A_507] : memref<4096x4096xf32, #tpu.memory_space<hbm>> -> memref<128x4096xf32, #tpu.memory_space<hbm>>
    tpu.enqueue_dma source(%dma_start3A_508 : memref<128x4096xf32, #tpu.memory_space<hbm>>) target(%arg14 : memref<128x4096xf32, #tpu.memory_space<vmem>>) target_semaphore(%arg20 : memref<!tpu.dma_semaphore, #tpu.memory_space<semaphore_mem>>)
    %dma_wait3A_509 = arith.constant 1792 : i32
    %dma_wait3A_510 = arith.constant 0 : i32
    %dma_wait3A_511 = tpu.memref_slice %arg1[%dma_wait3A_509, %dma_wait3A_510] : memref<4096x1024xf32, #tpu.memory_space<hbm>> -> memref<256x1024xf32, #tpu.memory_space<hbm>>
    tpu.wait_dma2 semaphore(%arg23 : memref<!tpu.dma_semaphore, #tpu.memory_space<semaphore_mem>>) src(%dma_wait3A_511 : memref<256x1024xf32, #tpu.memory_space<hbm>>) dst(%arg17 : memref<256x1024xf32, #tpu.memory_space<vmem>>)
    %get3A_512 = arith.constant 0 : index
    %get3A_513 = arith.constant 0 : index
    %get3A_514 = vector.load %arg17[%get3A_512, %get3A_513] : memref<256x1024xf32, #tpu.memory_space<vmem>>, vector<256x512xf32>
    %convert_element_type3A_515 = arith.truncf %get3A_514 : vector<256x512xf32> to vector<256x512xbf16>
    %transpose3A_516 = tpu.transpose %convert_element_type3A_515, [1, 0] : vector<256x512xbf16> -> vector<512x256xbf16>
    %swap3A_517 = arith.constant 0 : index
    %swap3A_518 = arith.constant 0 : index
    %swap3A_519 = vector.load %arg18[%swap3A_517, %swap3A_518] : memref<1024x256xbf16, #tpu.memory_space<vmem>>, vector<512x256xbf16>
    tpu.vector_store %arg18[%swap3A_517, %swap3A_518], %transpose3A_516 {strides = array<i32>} : memref<1024x256xbf16, #tpu.memory_space<vmem>>, vector<512x256xbf16>,
    %get3A_520 = arith.constant 0 : index
    %get3A_521 = arith.constant 512 : index
    %get3A_522 = vector.load %arg17[%get3A_520, %get3A_521] : memref<256x1024xf32, #tpu.memory_space<vmem>>, vector<256x512xf32>
    %convert_element_type3A_523 = arith.truncf %get3A_522 : vector<256x512xf32> to vector<256x512xbf16>
    %transpose3A_524 = tpu.transpose %convert_element_type3A_523, [1, 0] : vector<256x512xbf16> -> vector<512x256xbf16>
    %swap3A_525 = arith.constant 512 : index
    %swap3A_526 = arith.constant 0 : index
    %swap3A_527 = vector.load %arg18[%swap3A_525, %swap3A_526] : memref<1024x256xbf16, #tpu.memory_space<vmem>>, vector<512x256xbf16>
    tpu.vector_store %arg18[%swap3A_525, %swap3A_526], %transpose3A_524 {strides = array<i32>} : memref<1024x256xbf16, #tpu.memory_space<vmem>>, vector<512x256xbf16>,
    %dma_start3A_528 = arith.constant 2304 : i32
    %dma_start3A_529 = arith.constant 0 : i32
    %dma_start3A_530 = tpu.memref_slice %arg1[%dma_start3A_528, %dma_start3A_529] : memref<4096x1024xf32, #tpu.memory_space<hbm>> -> memref<256x1024xf32, #tpu.memory_space<hbm>>
    tpu.enqueue_dma source(%dma_start3A_530 : memref<256x1024xf32, #tpu.memory_space<hbm>>) target(%arg17 : memref<256x1024xf32, #tpu.memory_space<vmem>>) target_semaphore(%arg23 : memref<!tpu.dma_semaphore, #tpu.memory_space<semaphore_mem>>)
    %get3A_531 = arith.constant 0 : index
    %get3A_532 = arith.constant 0 : index
    %get3A_533 = vector.load %arg19[%get3A_531, %get3A_532] : memref<496x1024xbf16, #tpu.memory_space<vmem>>, vector<496x1024xbf16>
    %get3A_534 = arith.constant 0 : index
    %get3A_535 = arith.constant 0 : index
    %get3A_536 = vector.load %arg18[%get3A_534, %get3A_535] : memref<1024x256xbf16, #tpu.memory_space<vmem>>, vector<1024x256xbf16>
    %dot_general3A_537 = arith.constant dense<0.000000e+00> : vector<496x256xf32>
    %dot_general3A_538 = tpu.matmul %get3A_533, %get3A_536, %dot_general3A_537 {dimension_numbers = #tpu.dot_dimension_numbers<[1], [0], [0], [1], [0, 0, 1, 1], [], []>, transpose_lhs_hint = false} : vector<496x1024xbf16>, vector<1024x256xbf16>, vector<496x256xf32> -> vector<496x256xf32>
    %swap3A_539 = arith.constant 0 : index
    %swap3A_540 = arith.constant 1792 : index
    %swap3A_541 = vector.load %arg5[%swap3A_539, %swap3A_540] : memref<496x4096xf32, #tpu.memory_space<vmem>>, vector<496x256xf32>
    tpu.vector_store %arg5[%swap3A_539, %swap3A_540], %dot_general3A_538 {strides = array<i32>} : memref<496x4096xf32, #tpu.memory_space<vmem>>, vector<496x256xf32>,
    %dma_wait3A_542 = arith.constant 896 : i32
    %dma_wait3A_543 = arith.constant 0 : i32
    %dma_wait3A_544 = tpu.memref_slice %arg2[%dma_wait3A_542, %dma_wait3A_543] : memref<4096x4096xf32, #tpu.memory_space<hbm>> -> memref<128x4096xf32, #tpu.memory_space<hbm>>
    tpu.wait_dma2 semaphore(%arg21 : memref<!tpu.dma_semaphore, #tpu.memory_space<semaphore_mem>>) src(%dma_wait3A_544 : memref<128x4096xf32, #tpu.memory_space<hbm>>) dst(%arg15 : memref<128x4096xf32, #tpu.memory_space<vmem>>)
    %get3A_545 = arith.constant 0 : index
    %get3A_546 = arith.constant 0 : index
    %get3A_547 = vector.load %arg15[%get3A_545, %get3A_546] : memref<128x4096xf32, #tpu.memory_space<vmem>>, vector<128x1024xf32>
    %convert_element_type3A_548 = arith.truncf %get3A_547 : vector<128x1024xf32> to vector<128x1024xbf16>
    %transpose3A_549 = tpu.transpose %convert_element_type3A_548, [1, 0] : vector<128x1024xbf16> -> vector<1024x128xbf16>
    %swap3A_550 = arith.constant 0 : index
    %swap3A_551 = arith.constant 896 : index
    %swap3A_552 = vector.load %arg6[%swap3A_550, %swap3A_551] : memref<4096x4096xbf16, #tpu.memory_space<vmem>>, vector<1024x128xbf16>
    tpu.vector_store %arg6[%swap3A_550, %swap3A_551], %transpose3A_549 {strides = array<i32>} : memref<4096x4096xbf16, #tpu.memory_space<vmem>>, vector<1024x128xbf16>,
    %get3A_553 = arith.constant 0 : index
    %get3A_554 = arith.constant 1024 : index
    %get3A_555 = vector.load %arg15[%get3A_553, %get3A_554] : memref<128x4096xf32, #tpu.memory_space<vmem>>, vector<128x1024xf32>
    %convert_element_type3A_556 = arith.truncf %get3A_555 : vector<128x1024xf32> to vector<128x1024xbf16>
    %transpose3A_557 = tpu.transpose %convert_element_type3A_556, [1, 0] : vector<128x1024xbf16> -> vector<1024x128xbf16>
    %swap3A_558 = arith.constant 1024 : index
    %swap3A_559 = arith.constant 896 : index
    %swap3A_560 = vector.load %arg6[%swap3A_558, %swap3A_559] : memref<4096x4096xbf16, #tpu.memory_space<vmem>>, vector<1024x128xbf16>
    tpu.vector_store %arg6[%swap3A_558, %swap3A_559], %transpose3A_557 {strides = array<i32>} : memref<4096x4096xbf16, #tpu.memory_space<vmem>>, vector<1024x128xbf16>,
    %get3A_561 = arith.constant 0 : index
    %get3A_562 = arith.constant 2048 : index
    %get3A_563 = vector.load %arg15[%get3A_561, %get3A_562] : memref<128x4096xf32, #tpu.memory_space<vmem>>, vector<128x1024xf32>
    %convert_element_type3A_564 = arith.truncf %get3A_563 : vector<128x1024xf32> to vector<128x1024xbf16>
    %transpose3A_565 = tpu.transpose %convert_element_type3A_564, [1, 0] : vector<128x1024xbf16> -> vector<1024x128xbf16>
    %swap3A_566 = arith.constant 2048 : index
    %swap3A_567 = arith.constant 896 : index
    %swap3A_568 = vector.load %arg6[%swap3A_566, %swap3A_567] : memref<4096x4096xbf16, #tpu.memory_space<vmem>>, vector<1024x128xbf16>
    tpu.vector_store %arg6[%swap3A_566, %swap3A_567], %transpose3A_565 {strides = array<i32>} : memref<4096x4096xbf16, #tpu.memory_space<vmem>>, vector<1024x128xbf16>,
    %get3A_569 = arith.constant 0 : index
    %get3A_570 = arith.constant 3072 : index
    %get3A_571 = vector.load %arg15[%get3A_569, %get3A_570] : memref<128x4096xf32, #tpu.memory_space<vmem>>, vector<128x1024xf32>
    %convert_element_type3A_572 = arith.truncf %get3A_571 : vector<128x1024xf32> to vector<128x1024xbf16>
    %transpose3A_573 = tpu.transpose %convert_element_type3A_572, [1, 0] : vector<128x1024xbf16> -> vector<1024x128xbf16>
    %swap3A_574 = arith.constant 3072 : index
    %swap3A_575 = arith.constant 896 : index
    %swap3A_576 = vector.load %arg6[%swap3A_574, %swap3A_575] : memref<4096x4096xbf16, #tpu.memory_space<vmem>>, vector<1024x128xbf16>
    tpu.vector_store %arg6[%swap3A_574, %swap3A_575], %transpose3A_573 {strides = array<i32>} : memref<4096x4096xbf16, #tpu.memory_space<vmem>>, vector<1024x128xbf16>,
    %dma_start3A_577 = arith.constant 1152 : i32
    %dma_start3A_578 = arith.constant 0 : i32
    %dma_start3A_579 = tpu.memref_slice %arg2[%dma_start3A_577, %dma_start3A_578] : memref<4096x4096xf32, #tpu.memory_space<hbm>> -> memref<128x4096xf32, #tpu.memory_space<hbm>>
    tpu.enqueue_dma source(%dma_start3A_579 : memref<128x4096xf32, #tpu.memory_space<hbm>>) target(%arg15 : memref<128x4096xf32, #tpu.memory_space<vmem>>) target_semaphore(%arg21 : memref<!tpu.dma_semaphore, #tpu.memory_space<semaphore_mem>>)
    %dma_wait3A_580 = arith.constant 2048 : i32
    %dma_wait3A_581 = arith.constant 0 : i32
    %dma_wait3A_582 = tpu.memref_slice %arg1[%dma_wait3A_580, %dma_wait3A_581] : memref<4096x1024xf32, #tpu.memory_space<hbm>> -> memref<256x1024xf32, #tpu.memory_space<hbm>>
    tpu.wait_dma2 semaphore(%arg22 : memref<!tpu.dma_semaphore, #tpu.memory_space<semaphore_mem>>) src(%dma_wait3A_582 : memref<256x1024xf32, #tpu.memory_space<hbm>>) dst(%arg16 : memref<256x1024xf32, #tpu.memory_space<vmem>>)
    %get3A_583 = arith.constant 0 : index
    %get3A_584 = arith.constant 0 : index
    %get3A_585 = vector.load %arg16[%get3A_583, %get3A_584] : memref<256x1024xf32, #tpu.memory_space<vmem>>, vector<256x512xf32>
    %convert_element_type3A_586 = arith.truncf %get3A_585 : vector<256x512xf32> to vector<256x512xbf16>
    %transpose3A_587 = tpu.transpose %convert_element_type3A_586, [1, 0] : vector<256x512xbf16> -> vector<512x256xbf16>
    %swap3A_588 = arith.constant 0 : index
    %swap3A_589 = arith.constant 0 : index
    %swap3A_590 = vector.load %arg18[%swap3A_588, %swap3A_589] : memref<1024x256xbf16, #tpu.memory_space<vmem>>, vector<512x256xbf16>
    tpu.vector_store %arg18[%swap3A_588, %swap3A_589], %transpose3A_587 {strides = array<i32>} : memref<1024x256xbf16, #tpu.memory_space<vmem>>, vector<512x256xbf16>,
    %get3A_591 = arith.constant 0 : index
    %get3A_592 = arith.constant 512 : index
    %get3A_593 = vector.load %arg16[%get3A_591, %get3A_592] : memref<256x1024xf32, #tpu.memory_space<vmem>>, vector<256x512xf32>
    %convert_element_type3A_594 = arith.truncf %get3A_593 : vector<256x512xf32> to vector<256x512xbf16>
    %transpose3A_595 = tpu.transpose %convert_element_type3A_594, [1, 0] : vector<256x512xbf16> -> vector<512x256xbf16>
    %swap3A_596 = arith.constant 512 : index
    %swap3A_597 = arith.constant 0 : index
    %swap3A_598 = vector.load %arg18[%swap3A_596, %swap3A_597] : memref<1024x256xbf16, #tpu.memory_space<vmem>>, vector<512x256xbf16>
    tpu.vector_store %arg18[%swap3A_596, %swap3A_597], %transpose3A_595 {strides = array<i32>} : memref<1024x256xbf16, #tpu.memory_space<vmem>>, vector<512x256xbf16>,
    %dma_start3A_599 = arith.constant 2560 : i32
    %dma_start3A_600 = arith.constant 0 : i32
    %dma_start3A_601 = tpu.memref_slice %arg1[%dma_start3A_599, %dma_start3A_600] : memref<4096x1024xf32, #tpu.memory_space<hbm>> -> memref<256x1024xf32, #tpu.memory_space<hbm>>
    tpu.enqueue_dma source(%dma_start3A_601 : memref<256x1024xf32, #tpu.memory_space<hbm>>) target(%arg16 : memref<256x1024xf32, #tpu.memory_space<vmem>>) target_semaphore(%arg22 : memref<!tpu.dma_semaphore, #tpu.memory_space<semaphore_mem>>)
    %get3A_602 = arith.constant 0 : index
    %get3A_603 = arith.constant 0 : index
    %get3A_604 = vector.load %arg19[%get3A_602, %get3A_603] : memref<496x1024xbf16, #tpu.memory_space<vmem>>, vector<496x1024xbf16>
    %get3A_605 = arith.constant 0 : index
    %get3A_606 = arith.constant 0 : index
    %get3A_607 = vector.load %arg18[%get3A_605, %get3A_606] : memref<1024x256xbf16, #tpu.memory_space<vmem>>, vector<1024x256xbf16>
    %dot_general3A_608 = arith.constant dense<0.000000e+00> : vector<496x256xf32>
    %dot_general3A_609 = tpu.matmul %get3A_604, %get3A_607, %dot_general3A_608 {dimension_numbers = #tpu.dot_dimension_numbers<[1], [0], [0], [1], [0, 0, 1, 1], [], []>, transpose_lhs_hint = false} : vector<496x1024xbf16>, vector<1024x256xbf16>, vector<496x256xf32> -> vector<496x256xf32>
    %swap3A_610 = arith.constant 0 : index
    %swap3A_611 = arith.constant 2048 : index
    %swap3A_612 = vector.load %arg5[%swap3A_610, %swap3A_611] : memref<496x4096xf32, #tpu.memory_space<vmem>>, vector<496x256xf32>
    tpu.vector_store %arg5[%swap3A_610, %swap3A_611], %dot_general3A_609 {strides = array<i32>} : memref<496x4096xf32, #tpu.memory_space<vmem>>, vector<496x256xf32>,
    %dma_wait3A_613 = arith.constant 1024 : i32
    %dma_wait3A_614 = arith.constant 0 : i32
    %dma_wait3A_615 = tpu.memref_slice %arg2[%dma_wait3A_613, %dma_wait3A_614] : memref<4096x4096xf32, #tpu.memory_space<hbm>> -> memref<128x4096xf32, #tpu.memory_space<hbm>>
    tpu.wait_dma2 semaphore(%arg20 : memref<!tpu.dma_semaphore, #tpu.memory_space<semaphore_mem>>) src(%dma_wait3A_615 : memref<128x4096xf32, #tpu.memory_space<hbm>>) dst(%arg14 : memref<128x4096xf32, #tpu.memory_space<vmem>>)
    %get3A_616 = arith.constant 0 : index
    %get3A_617 = arith.constant 0 : index
    %get3A_618 = vector.load %arg14[%get3A_616, %get3A_617] : memref<128x4096xf32, #tpu.memory_space<vmem>>, vector<128x1024xf32>
    %convert_element_type3A_619 = arith.truncf %get3A_618 : vector<128x1024xf32> to vector<128x1024xbf16>
    %transpose3A_620 = tpu.transpose %convert_element_type3A_619, [1, 0] : vector<128x1024xbf16> -> vector<1024x128xbf16>
    %swap3A_621 = arith.constant 0 : index
    %swap3A_622 = arith.constant 1024 : index
    %swap3A_623 = vector.load %arg6[%swap3A_621, %swap3A_622] : memref<4096x4096xbf16, #tpu.memory_space<vmem>>, vector<1024x128xbf16>
    tpu.vector_store %arg6[%swap3A_621, %swap3A_622], %transpose3A_620 {strides = array<i32>} : memref<4096x4096xbf16, #tpu.memory_space<vmem>>, vector<1024x128xbf16>,
    %get3A_624 = arith.constant 0 : index
    %get3A_625 = arith.constant 1024 : index
    %get3A_626 = vector.load %arg14[%get3A_624, %get3A_625] : memref<128x4096xf32, #tpu.memory_space<vmem>>, vector<128x1024xf32>
    %convert_element_type3A_627 = arith.truncf %get3A_626 : vector<128x1024xf32> to vector<128x1024xbf16>
    %transpose3A_628 = tpu.transpose %convert_element_type3A_627, [1, 0] : vector<128x1024xbf16> -> vector<1024x128xbf16>
    %swap3A_629 = arith.constant 1024 : index
    %swap3A_630 = arith.constant 1024 : index
    %swap3A_631 = vector.load %arg6[%swap3A_629, %swap3A_630] : memref<4096x4096xbf16, #tpu.memory_space<vmem>>, vector<1024x128xbf16>
    tpu.vector_store %arg6[%swap3A_629, %swap3A_630], %transpose3A_628 {strides = array<i32>} : memref<4096x4096xbf16, #tpu.memory_space<vmem>>, vector<1024x128xbf16>,
    %get3A_632 = arith.constant 0 : index
    %get3A_633 = arith.constant 2048 : index
    %get3A_634 = vector.load %arg14[%get3A_632, %get3A_633] : memref<128x4096xf32, #tpu.memory_space<vmem>>, vector<128x1024xf32>
    %convert_element_type3A_635 = arith.truncf %get3A_634 : vector<128x1024xf32> to vector<128x1024xbf16>
    %transpose3A_636 = tpu.transpose %convert_element_type3A_635, [1, 0] : vector<128x1024xbf16> -> vector<1024x128xbf16>
    %swap3A_637 = arith.constant 2048 : index
    %swap3A_638 = arith.constant 1024 : index
    %swap3A_639 = vector.load %arg6[%swap3A_637, %swap3A_638] : memref<4096x4096xbf16, #tpu.memory_space<vmem>>, vector<1024x128xbf16>
    tpu.vector_store %arg6[%swap3A_637, %swap3A_638], %transpose3A_636 {strides = array<i32>} : memref<4096x4096xbf16, #tpu.memory_space<vmem>>, vector<1024x128xbf16>,
    %get3A_640 = arith.constant 0 : index
    %get3A_641 = arith.constant 3072 : index
    %get3A_642 = vector.load %arg14[%get3A_640, %get3A_641] : memref<128x4096xf32, #tpu.memory_space<vmem>>, vector<128x1024xf32>
    %convert_element_type3A_643 = arith.truncf %get3A_642 : vector<128x1024xf32> to vector<128x1024xbf16>
    %transpose3A_644 = tpu.transpose %convert_element_type3A_643, [1, 0] : vector<128x1024xbf16> -> vector<1024x128xbf16>
    %swap3A_645 = arith.constant 3072 : index
    %swap3A_646 = arith.constant 1024 : index
    %swap3A_647 = vector.load %arg6[%swap3A_645, %swap3A_646] : memref<4096x4096xbf16, #tpu.memory_space<vmem>>, vector<1024x128xbf16>
    tpu.vector_store %arg6[%swap3A_645, %swap3A_646], %transpose3A_644 {strides = array<i32>} : memref<4096x4096xbf16, #tpu.memory_space<vmem>>, vector<1024x128xbf16>,
    %dma_start3A_648 = arith.constant 1280 : i32
    %dma_start3A_649 = arith.constant 0 : i32
    %dma_start3A_650 = tpu.memref_slice %arg2[%dma_start3A_648, %dma_start3A_649] : memref<4096x4096xf32, #tpu.memory_space<hbm>> -> memref<128x4096xf32, #tpu.memory_space<hbm>>
    tpu.enqueue_dma source(%dma_start3A_650 : memref<128x4096xf32, #tpu.memory_space<hbm>>) target(%arg14 : memref<128x4096xf32, #tpu.memory_space<vmem>>) target_semaphore(%arg20 : memref<!tpu.dma_semaphore, #tpu.memory_space<semaphore_mem>>)
    %dma_wait3A_651 = arith.constant 2304 : i32
    %dma_wait3A_652 = arith.constant 0 : i32
    %dma_wait3A_653 = tpu.memref_slice %arg1[%dma_wait3A_651, %dma_wait3A_652] : memref<4096x1024xf32, #tpu.memory_space<hbm>> -> memref<256x1024xf32, #tpu.memory_space<hbm>>
    tpu.wait_dma2 semaphore(%arg23 : memref<!tpu.dma_semaphore, #tpu.memory_space<semaphore_mem>>) src(%dma_wait3A_653 : memref<256x1024xf32, #tpu.memory_space<hbm>>) dst(%arg17 : memref<256x1024xf32, #tpu.memory_space<vmem>>)
    %get3A_654 = arith.constant 0 : index
    %get3A_655 = arith.constant 0 : index
    %get3A_656 = vector.load %arg17[%get3A_654, %get3A_655] : memref<256x1024xf32, #tpu.memory_space<vmem>>, vector<256x512xf32>
    %convert_element_type3A_657 = arith.truncf %get3A_656 : vector<256x512xf32> to vector<256x512xbf16>
    %transpose3A_658 = tpu.transpose %convert_element_type3A_657, [1, 0] : vector<256x512xbf16> -> vector<512x256xbf16>
    %swap3A_659 = arith.constant 0 : index
    %swap3A_660 = arith.constant 0 : index
    %swap3A_661 = vector.load %arg18[%swap3A_659, %swap3A_660] : memref<1024x256xbf16, #tpu.memory_space<vmem>>, vector<512x256xbf16>
    tpu.vector_store %arg18[%swap3A_659, %swap3A_660], %transpose3A_658 {strides = array<i32>} : memref<1024x256xbf16, #tpu.memory_space<vmem>>, vector<512x256xbf16>,
    %get3A_662 = arith.constant 0 : index
    %get3A_663 = arith.constant 512 : index
    %get3A_664 = vector.load %arg17[%get3A_662, %get3A_663] : memref<256x1024xf32, #tpu.memory_space<vmem>>, vector<256x512xf32>
    %convert_element_type3A_665 = arith.truncf %get3A_664 : vector<256x512xf32> to vector<256x512xbf16>
    %transpose3A_666 = tpu.transpose %convert_element_type3A_665, [1, 0] : vector<256x512xbf16> -> vector<512x256xbf16>
    %swap3A_667 = arith.constant 512 : index
    %swap3A_668 = arith.constant 0 : index
    %swap3A_669 = vector.load %arg18[%swap3A_667, %swap3A_668] : memref<1024x256xbf16, #tpu.memory_space<vmem>>, vector<512x256xbf16>
    tpu.vector_store %arg18[%swap3A_667, %swap3A_668], %transpose3A_666 {strides = array<i32>} : memref<1024x256xbf16, #tpu.memory_space<vmem>>, vector<512x256xbf16>,
    %dma_start3A_670 = arith.constant 2816 : i32
    %dma_start3A_671 = arith.constant 0 : i32
    %dma_start3A_672 = tpu.memref_slice %arg1[%dma_start3A_670, %dma_start3A_671] : memref<4096x1024xf32, #tpu.memory_space<hbm>> -> memref<256x1024xf32, #tpu.memory_space<hbm>>
    tpu.enqueue_dma source(%dma_start3A_672 : memref<256x1024xf32, #tpu.memory_space<hbm>>) target(%arg17 : memref<256x1024xf32, #tpu.memory_space<vmem>>) target_semaphore(%arg23 : memref<!tpu.dma_semaphore, #tpu.memory_space<semaphore_mem>>)
    %get3A_673 = arith.constant 0 : index
    %get3A_674 = arith.constant 0 : index
    %get3A_675 = vector.load %arg19[%get3A_673, %get3A_674] : memref<496x1024xbf16, #tpu.memory_space<vmem>>, vector<496x1024xbf16>
    %get3A_676 = arith.constant 0 : index
    %get3A_677 = arith.constant 0 : index
    %get3A_678 = vector.load %arg18[%get3A_676, %get3A_677] : memref<1024x256xbf16, #tpu.memory_space<vmem>>, vector<1024x256xbf16>
    %dot_general3A_679 = arith.constant dense<0.000000e+00> : vector<496x256xf32>
    %dot_general3A_680 = tpu.matmul %get3A_675, %get3A_678, %dot_general3A_679 {dimension_numbers = #tpu.dot_dimension_numbers<[1], [0], [0], [1], [0, 0, 1, 1], [], []>, transpose_lhs_hint = false} : vector<496x1024xbf16>, vector<1024x256xbf16>, vector<496x256xf32> -> vector<496x256xf32>
    %swap3A_681 = arith.constant 0 : index
    %swap3A_682 = arith.constant 2304 : index
    %swap3A_683 = vector.load %arg5[%swap3A_681, %swap3A_682] : memref<496x4096xf32, #tpu.memory_space<vmem>>, vector<496x256xf32>
    tpu.vector_store %arg5[%swap3A_681, %swap3A_682], %dot_general3A_680 {strides = array<i32>} : memref<496x4096xf32, #tpu.memory_space<vmem>>, vector<496x256xf32>,
    %dma_wait3A_684 = arith.constant 1152 : i32
    %dma_wait3A_685 = arith.constant 0 : i32
    %dma_wait3A_686 = tpu.memref_slice %arg2[%dma_wait3A_684, %dma_wait3A_685] : memref<4096x4096xf32, #tpu.memory_space<hbm>> -> memref<128x4096xf32, #tpu.memory_space<hbm>>
    tpu.wait_dma2 semaphore(%arg21 : memref<!tpu.dma_semaphore, #tpu.memory_space<semaphore_mem>>) src(%dma_wait3A_686 : memref<128x4096xf32, #tpu.memory_space<hbm>>) dst(%arg15 : memref<128x4096xf32, #tpu.memory_space<vmem>>)
    %get3A_687 = arith.constant 0 : index
    %get3A_688 = arith.constant 0 : index
    %get3A_689 = vector.load %arg15[%get3A_687, %get3A_688] : memref<128x4096xf32, #tpu.memory_space<vmem>>, vector<128x1024xf32>
    %convert_element_type3A_690 = arith.truncf %get3A_689 : vector<128x1024xf32> to vector<128x1024xbf16>
    %transpose3A_691 = tpu.transpose %convert_element_type3A_690, [1, 0] : vector<128x1024xbf16> -> vector<1024x128xbf16>
    %swap3A_692 = arith.constant 0 : index
    %swap3A_693 = arith.constant 1152 : index
    %swap3A_694 = vector.load %arg6[%swap3A_692, %swap3A_693] : memref<4096x4096xbf16, #tpu.memory_space<vmem>>, vector<1024x128xbf16>
    tpu.vector_store %arg6[%swap3A_692, %swap3A_693], %transpose3A_691 {strides = array<i32>} : memref<4096x4096xbf16, #tpu.memory_space<vmem>>, vector<1024x128xbf16>,
    %get3A_695 = arith.constant 0 : index
    %get3A_696 = arith.constant 1024 : index
    %get3A_697 = vector.load %arg15[%get3A_695, %get3A_696] : memref<128x4096xf32, #tpu.memory_space<vmem>>, vector<128x1024xf32>
    %convert_element_type3A_698 = arith.truncf %get3A_697 : vector<128x1024xf32> to vector<128x1024xbf16>
    %transpose3A_699 = tpu.transpose %convert_element_type3A_698, [1, 0] : vector<128x1024xbf16> -> vector<1024x128xbf16>
    %swap3A_700 = arith.constant 1024 : index
    %swap3A_701 = arith.constant 1152 : index
    %swap3A_702 = vector.load %arg6[%swap3A_700, %swap3A_701] : memref<4096x4096xbf16, #tpu.memory_space<vmem>>, vector<1024x128xbf16>
    tpu.vector_store %arg6[%swap3A_700, %swap3A_701], %transpose3A_699 {strides = array<i32>} : memref<4096x4096xbf16, #tpu.memory_space<vmem>>, vector<1024x128xbf16>,
    %get3A_703 = arith.constant 0 : index
    %get3A_704 = arith.constant 2048 : index
    %get3A_705 = vector.load %arg15[%get3A_703, %get3A_704] : memref<128x4096xf32, #tpu.memory_space<vmem>>, vector<128x1024xf32>
    %convert_element_type3A_706 = arith.truncf %get3A_705 : vector<128x1024xf32> to vector<128x1024xbf16>
    %transpose3A_707 = tpu.transpose %convert_element_type3A_706, [1, 0] : vector<128x1024xbf16> -> vector<1024x128xbf16>
    %swap3A_708 = arith.constant 2048 : index
    %swap3A_709 = arith.constant 1152 : index
    %swap3A_710 = vector.load %arg6[%swap3A_708, %swap3A_709] : memref<4096x4096xbf16, #tpu.memory_space<vmem>>, vector<1024x128xbf16>
    tpu.vector_store %arg6[%swap3A_708, %swap3A_709], %transpose3A_707 {strides = array<i32>} : memref<4096x4096xbf16, #tpu.memory_space<vmem>>, vector<1024x128xbf16>,
    %get3A_711 = arith.constant 0 : index
    %get3A_712 = arith.constant 3072 : index
    %get3A_713 = vector.load %arg15[%get3A_711, %get3A_712] : memref<128x4096xf32, #tpu.memory_space<vmem>>, vector<128x1024xf32>
    %convert_element_type3A_714 = arith.truncf %get3A_713 : vector<128x1024xf32> to vector<128x1024xbf16>
    %transpose3A_715 = tpu.transpose %convert_element_type3A_714, [1, 0] : vector<128x1024xbf16> -> vector<1024x128xbf16>
    %swap3A_716 = arith.constant 3072 : index
    %swap3A_717 = arith.constant 1152 : index
    %swap3A_718 = vector.load %arg6[%swap3A_716, %swap3A_717] : memref<4096x4096xbf16, #tpu.memory_space<vmem>>, vector<1024x128xbf16>
    tpu.vector_store %arg6[%swap3A_716, %swap3A_717], %transpose3A_715 {strides = array<i32>} : memref<4096x4096xbf16, #tpu.memory_space<vmem>>, vector<1024x128xbf16>,
    %dma_start3A_719 = arith.constant 1408 : i32
    %dma_start3A_720 = arith.constant 0 : i32
    %dma_start3A_721 = tpu.memref_slice %arg2[%dma_start3A_719, %dma_start3A_720] : memref<4096x4096xf32, #tpu.memory_space<hbm>> -> memref<128x4096xf32, #tpu.memory_space<hbm>>
    tpu.enqueue_dma source(%dma_start3A_721 : memref<128x4096xf32, #tpu.memory_space<hbm>>) target(%arg15 : memref<128x4096xf32, #tpu.memory_space<vmem>>) target_semaphore(%arg21 : memref<!tpu.dma_semaphore, #tpu.memory_space<semaphore_mem>>)
    %dma_wait3A_722 = arith.constant 2560 : i32
    %dma_wait3A_723 = arith.constant 0 : i32
    %dma_wait3A_724 = tpu.memref_slice %arg1[%dma_wait3A_722, %dma_wait3A_723] : memref<4096x1024xf32, #tpu.memory_space<hbm>> -> memref<256x1024xf32, #tpu.memory_space<hbm>>
    tpu.wait_dma2 semaphore(%arg22 : memref<!tpu.dma_semaphore, #tpu.memory_space<semaphore_mem>>) src(%dma_wait3A_724 : memref<256x1024xf32, #tpu.memory_space<hbm>>) dst(%arg16 : memref<256x1024xf32, #tpu.memory_space<vmem>>)
    %get3A_725 = arith.constant 0 : index
    %get3A_726 = arith.constant 0 : index
    %get3A_727 = vector.load %arg16[%get3A_725, %get3A_726] : memref<256x1024xf32, #tpu.memory_space<vmem>>, vector<256x512xf32>
    %convert_element_type3A_728 = arith.truncf %get3A_727 : vector<256x512xf32> to vector<256x512xbf16>
    %transpose3A_729 = tpu.transpose %convert_element_type3A_728, [1, 0] : vector<256x512xbf16> -> vector<512x256xbf16>
    %swap3A_730 = arith.constant 0 : index
    %swap3A_731 = arith.constant 0 : index
    %swap3A_732 = vector.load %arg18[%swap3A_730, %swap3A_731] : memref<1024x256xbf16, #tpu.memory_space<vmem>>, vector<512x256xbf16>
    tpu.vector_store %arg18[%swap3A_730, %swap3A_731], %transpose3A_729 {strides = array<i32>} : memref<1024x256xbf16, #tpu.memory_space<vmem>>, vector<512x256xbf16>,
    %get3A_733 = arith.constant 0 : index
    %get3A_734 = arith.constant 512 : index
    %get3A_735 = vector.load %arg16[%get3A_733, %get3A_734] : memref<256x1024xf32, #tpu.memory_space<vmem>>, vector<256x512xf32>
    %convert_element_type3A_736 = arith.truncf %get3A_735 : vector<256x512xf32> to vector<256x512xbf16>
    %transpose3A_737 = tpu.transpose %convert_element_type3A_736, [1, 0] : vector<256x512xbf16> -> vector<512x256xbf16>
    %swap3A_738 = arith.constant 512 : index
    %swap3A_739 = arith.constant 0 : index
    %swap3A_740 = vector.load %arg18[%swap3A_738, %swap3A_739] : memref<1024x256xbf16, #tpu.memory_space<vmem>>, vector<512x256xbf16>
    tpu.vector_store %arg18[%swap3A_738, %swap3A_739], %transpose3A_737 {strides = array<i32>} : memref<1024x256xbf16, #tpu.memory_space<vmem>>, vector<512x256xbf16>,
    %dma_start3A_741 = arith.constant 3072 : i32
    %dma_start3A_742 = arith.constant 0 : i32
    %dma_start3A_743 = tpu.memref_slice %arg1[%dma_start3A_741, %dma_start3A_742] : memref<4096x1024xf32, #tpu.memory_space<hbm>> -> memref<256x1024xf32, #tpu.memory_space<hbm>>
    tpu.enqueue_dma source(%dma_start3A_743 : memref<256x1024xf32, #tpu.memory_space<hbm>>) target(%arg16 : memref<256x1024xf32, #tpu.memory_space<vmem>>) target_semaphore(%arg22 : memref<!tpu.dma_semaphore, #tpu.memory_space<semaphore_mem>>)
    %get3A_744 = arith.constant 0 : index
    %get3A_745 = arith.constant 0 : index
    %get3A_746 = vector.load %arg19[%get3A_744, %get3A_745] : memref<496x1024xbf16, #tpu.memory_space<vmem>>, vector<496x1024xbf16>
    %get3A_747 = arith.constant 0 : index
    %get3A_748 = arith.constant 0 : index
    %get3A_749 = vector.load %arg18[%get3A_747, %get3A_748] : memref<1024x256xbf16, #tpu.memory_space<vmem>>, vector<1024x256xbf16>
    %dot_general3A_750 = arith.constant dense<0.000000e+00> : vector<496x256xf32>
    %dot_general3A_751 = tpu.matmul %get3A_746, %get3A_749, %dot_general3A_750 {dimension_numbers = #tpu.dot_dimension_numbers<[1], [0], [0], [1], [0, 0, 1, 1], [], []>, transpose_lhs_hint = false} : vector<496x1024xbf16>, vector<1024x256xbf16>, vector<496x256xf32> -> vector<496x256xf32>
    %swap3A_752 = arith.constant 0 : index
    %swap3A_753 = arith.constant 2560 : index
    %swap3A_754 = vector.load %arg5[%swap3A_752, %swap3A_753] : memref<496x4096xf32, #tpu.memory_space<vmem>>, vector<496x256xf32>
    tpu.vector_store %arg5[%swap3A_752, %swap3A_753], %dot_general3A_751 {strides = array<i32>} : memref<496x4096xf32, #tpu.memory_space<vmem>>, vector<496x256xf32>,
    %dma_wait3A_755 = arith.constant 1280 : i32
    %dma_wait3A_756 = arith.constant 0 : i32
    %dma_wait3A_757 = tpu.memref_slice %arg2[%dma_wait3A_755, %dma_wait3A_756] : memref<4096x4096xf32, #tpu.memory_space<hbm>> -> memref<128x4096xf32, #tpu.memory_space<hbm>>
    tpu.wait_dma2 semaphore(%arg20 : memref<!tpu.dma_semaphore, #tpu.memory_space<semaphore_mem>>) src(%dma_wait3A_757 : memref<128x4096xf32, #tpu.memory_space<hbm>>) dst(%arg14 : memref<128x4096xf32, #tpu.memory_space<vmem>>)
    %get3A_758 = arith.constant 0 : index
    %get3A_759 = arith.constant 0 : index
    %get3A_760 = vector.load %arg14[%get3A_758, %get3A_759] : memref<128x4096xf32, #tpu.memory_space<vmem>>, vector<128x1024xf32>
    %convert_element_type3A_761 = arith.truncf %get3A_760 : vector<128x1024xf32> to vector<128x1024xbf16>
    %transpose3A_762 = tpu.transpose %convert_element_type3A_761, [1, 0] : vector<128x1024xbf16> -> vector<1024x128xbf16>
    %swap3A_763 = arith.constant 0 : index
    %swap3A_764 = arith.constant 1280 : index
    %swap3A_765 = vector.load %arg6[%swap3A_763, %swap3A_764] : memref<4096x4096xbf16, #tpu.memory_space<vmem>>, vector<1024x128xbf16>
    tpu.vector_store %arg6[%swap3A_763, %swap3A_764], %transpose3A_762 {strides = array<i32>} : memref<4096x4096xbf16, #tpu.memory_space<vmem>>, vector<1024x128xbf16>,
    %get3A_766 = arith.constant 0 : index
    %get3A_767 = arith.constant 1024 : index
    %get3A_768 = vector.load %arg14[%get3A_766, %get3A_767] : memref<128x4096xf32, #tpu.memory_space<vmem>>, vector<128x1024xf32>
    %convert_element_type3A_769 = arith.truncf %get3A_768 : vector<128x1024xf32> to vector<128x1024xbf16>
    %transpose3A_770 = tpu.transpose %convert_element_type3A_769, [1, 0] : vector<128x1024xbf16> -> vector<1024x128xbf16>
    %swap3A_771 = arith.constant 1024 : index
    %swap3A_772 = arith.constant 1280 : index
    %swap3A_773 = vector.load %arg6[%swap3A_771, %swap3A_772] : memref<4096x4096xbf16, #tpu.memory_space<vmem>>, vector<1024x128xbf16>
    tpu.vector_store %arg6[%swap3A_771, %swap3A_772], %transpose3A_770 {strides = array<i32>} : memref<4096x4096xbf16, #tpu.memory_space<vmem>>, vector<1024x128xbf16>,
    %get3A_774 = arith.constant 0 : index
    %get3A_775 = arith.constant 2048 : index
    %get3A_776 = vector.load %arg14[%get3A_774, %get3A_775] : memref<128x4096xf32, #tpu.memory_space<vmem>>, vector<128x1024xf32>
    %convert_element_type3A_777 = arith.truncf %get3A_776 : vector<128x1024xf32> to vector<128x1024xbf16>
    %transpose3A_778 = tpu.transpose %convert_element_type3A_777, [1, 0] : vector<128x1024xbf16> -> vector<1024x128xbf16>
    %swap3A_779 = arith.constant 2048 : index
    %swap3A_780 = arith.constant 1280 : index
    %swap3A_781 = vector.load %arg6[%swap3A_779, %swap3A_780] : memref<4096x4096xbf16, #tpu.memory_space<vmem>>, vector<1024x128xbf16>
    tpu.vector_store %arg6[%swap3A_779, %swap3A_780], %transpose3A_778 {strides = array<i32>} : memref<4096x4096xbf16, #tpu.memory_space<vmem>>, vector<1024x128xbf16>,
    %get3A_782 = arith.constant 0 : index
    %get3A_783 = arith.constant 3072 : index
    %get3A_784 = vector.load %arg14[%get3A_782, %get3A_783] : memref<128x4096xf32, #tpu.memory_space<vmem>>, vector<128x1024xf32>
    %convert_element_type3A_785 = arith.truncf %get3A_784 : vector<128x1024xf32> to vector<128x1024xbf16>
    %transpose3A_786 = tpu.transpose %convert_element_type3A_785, [1, 0] : vector<128x1024xbf16> -> vector<1024x128xbf16>
    %swap3A_787 = arith.constant 3072 : index
    %swap3A_788 = arith.constant 1280 : index
    %swap3A_789 = vector.load %arg6[%swap3A_787, %swap3A_788] : memref<4096x4096xbf16, #tpu.memory_space<vmem>>, vector<1024x128xbf16>
    tpu.vector_store %arg6[%swap3A_787, %swap3A_788], %transpose3A_786 {strides = array<i32>} : memref<4096x4096xbf16, #tpu.memory_space<vmem>>, vector<1024x128xbf16>,
    %dma_start3A_790 = arith.constant 1536 : i32
    %dma_start3A_791 = arith.constant 0 : i32
    %dma_start3A_792 = tpu.memref_slice %arg2[%dma_start3A_790, %dma_start3A_791] : memref<4096x4096xf32, #tpu.memory_space<hbm>> -> memref<128x4096xf32, #tpu.memory_space<hbm>>
    tpu.enqueue_dma source(%dma_start3A_792 : memref<128x4096xf32, #tpu.memory_space<hbm>>) target(%arg14 : memref<128x4096xf32, #tpu.memory_space<vmem>>) target_semaphore(%arg20 : memref<!tpu.dma_semaphore, #tpu.memory_space<semaphore_mem>>)
    %dma_wait3A_793 = arith.constant 2816 : i32
    %dma_wait3A_794 = arith.constant 0 : i32
    %dma_wait3A_795 = tpu.memref_slice %arg1[%dma_wait3A_793, %dma_wait3A_794] : memref<4096x1024xf32, #tpu.memory_space<hbm>> -> memref<256x1024xf32, #tpu.memory_space<hbm>>
    tpu.wait_dma2 semaphore(%arg23 : memref<!tpu.dma_semaphore, #tpu.memory_space<semaphore_mem>>) src(%dma_wait3A_795 : memref<256x1024xf32, #tpu.memory_space<hbm>>) dst(%arg17 : memref<256x1024xf32, #tpu.memory_space<vmem>>)
    %get3A_796 = arith.constant 0 : index
    %get3A_797 = arith.constant 0 : index
    %get3A_798 = vector.load %arg17[%get3A_796, %get3A_797] : memref<256x1024xf32, #tpu.memory_space<vmem>>, vector<256x512xf32>
    %convert_element_type3A_799 = arith.truncf %get3A_798 : vector<256x512xf32> to vector<256x512xbf16>
    %transpose3A_800 = tpu.transpose %convert_element_type3A_799, [1, 0] : vector<256x512xbf16> -> vector<512x256xbf16>
    %swap3A_801 = arith.constant 0 : index
    %swap3A_802 = arith.constant 0 : index
    %swap3A_803 = vector.load %arg18[%swap3A_801, %swap3A_802] : memref<1024x256xbf16, #tpu.memory_space<vmem>>, vector<512x256xbf16>
    tpu.vector_store %arg18[%swap3A_801, %swap3A_802], %transpose3A_800 {strides = array<i32>} : memref<1024x256xbf16, #tpu.memory_space<vmem>>, vector<512x256xbf16>,
    %get3A_804 = arith.constant 0 : index
    %get3A_805 = arith.constant 512 : index
    %get3A_806 = vector.load %arg17[%get3A_804, %get3A_805] : memref<256x1024xf32, #tpu.memory_space<vmem>>, vector<256x512xf32>
    %convert_element_type3A_807 = arith.truncf %get3A_806 : vector<256x512xf32> to vector<256x512xbf16>
    %transpose3A_808 = tpu.transpose %convert_element_type3A_807, [1, 0] : vector<256x512xbf16> -> vector<512x256xbf16>
    %swap3A_809 = arith.constant 512 : index
    %swap3A_810 = arith.constant 0 : index
    %swap3A_811 = vector.load %arg18[%swap3A_809, %swap3A_810] : memref<1024x256xbf16, #tpu.memory_space<vmem>>, vector<512x256xbf16>
    tpu.vector_store %arg18[%swap3A_809, %swap3A_810], %transpose3A_808 {strides = array<i32>} : memref<1024x256xbf16, #tpu.memory_space<vmem>>, vector<512x256xbf16>,
    %dma_start3A_812 = arith.constant 3328 : i32
    %dma_start3A_813 = arith.constant 0 : i32
    %dma_start3A_814 = tpu.memref_slice %arg1[%dma_start3A_812, %dma_start3A_813] : memref<4096x1024xf32, #tpu.memory_space<hbm>> -> memref<256x1024xf32, #tpu.memory_space<hbm>>
    tpu.enqueue_dma source(%dma_start3A_814 : memref<256x1024xf32, #tpu.memory_space<hbm>>) target(%arg17 : memref<256x1024xf32, #tpu.memory_space<vmem>>) target_semaphore(%arg23 : memref<!tpu.dma_semaphore, #tpu.memory_space<semaphore_mem>>)
    %get3A_815 = arith.constant 0 : index
    %get3A_816 = arith.constant 0 : index
    %get3A_817 = vector.load %arg19[%get3A_815, %get3A_816] : memref<496x1024xbf16, #tpu.memory_space<vmem>>, vector<496x1024xbf16>
    %get3A_818 = arith.constant 0 : index
    %get3A_819 = arith.constant 0 : index
    %get3A_820 = vector.load %arg18[%get3A_818, %get3A_819] : memref<1024x256xbf16, #tpu.memory_space<vmem>>, vector<1024x256xbf16>
    %dot_general3A_821 = arith.constant dense<0.000000e+00> : vector<496x256xf32>
    %dot_general3A_822 = tpu.matmul %get3A_817, %get3A_820, %dot_general3A_821 {dimension_numbers = #tpu.dot_dimension_numbers<[1], [0], [0], [1], [0, 0, 1, 1], [], []>, transpose_lhs_hint = false} : vector<496x1024xbf16>, vector<1024x256xbf16>, vector<496x256xf32> -> vector<496x256xf32>
    %swap3A_823 = arith.constant 0 : index
    %swap3A_824 = arith.constant 2816 : index
    %swap3A_825 = vector.load %arg5[%swap3A_823, %swap3A_824] : memref<496x4096xf32, #tpu.memory_space<vmem>>, vector<496x256xf32>
    tpu.vector_store %arg5[%swap3A_823, %swap3A_824], %dot_general3A_822 {strides = array<i32>} : memref<496x4096xf32, #tpu.memory_space<vmem>>, vector<496x256xf32>,
    %dma_wait3A_826 = arith.constant 1408 : i32
    %dma_wait3A_827 = arith.constant 0 : i32
    %dma_wait3A_828 = tpu.memref_slice %arg2[%dma_wait3A_826, %dma_wait3A_827] : memref<4096x4096xf32, #tpu.memory_space<hbm>> -> memref<128x4096xf32, #tpu.memory_space<hbm>>
    tpu.wait_dma2 semaphore(%arg21 : memref<!tpu.dma_semaphore, #tpu.memory_space<semaphore_mem>>) src(%dma_wait3A_828 : memref<128x4096xf32, #tpu.memory_space<hbm>>) dst(%arg15 : memref<128x4096xf32, #tpu.memory_space<vmem>>)
    %get3A_829 = arith.constant 0 : index
    %get3A_830 = arith.constant 0 : index
    %get3A_831 = vector.load %arg15[%get3A_829, %get3A_830] : memref<128x4096xf32, #tpu.memory_space<vmem>>, vector<128x1024xf32>
    %convert_element_type3A_832 = arith.truncf %get3A_831 : vector<128x1024xf32> to vector<128x1024xbf16>
    %transpose3A_833 = tpu.transpose %convert_element_type3A_832, [1, 0] : vector<128x1024xbf16> -> vector<1024x128xbf16>
    %swap3A_834 = arith.constant 0 : index
    %swap3A_835 = arith.constant 1408 : index
    %swap3A_836 = vector.load %arg6[%swap3A_834, %swap3A_835] : memref<4096x4096xbf16, #tpu.memory_space<vmem>>, vector<1024x128xbf16>
    tpu.vector_store %arg6[%swap3A_834, %swap3A_835], %transpose3A_833 {strides = array<i32>} : memref<4096x4096xbf16, #tpu.memory_space<vmem>>, vector<1024x128xbf16>,
    %get3A_837 = arith.constant 0 : index
    %get3A_838 = arith.constant 1024 : index
    %get3A_839 = vector.load %arg15[%get3A_837, %get3A_838] : memref<128x4096xf32, #tpu.memory_space<vmem>>, vector<128x1024xf32>
    %convert_element_type3A_840 = arith.truncf %get3A_839 : vector<128x1024xf32> to vector<128x1024xbf16>
    %transpose3A_841 = tpu.transpose %convert_element_type3A_840, [1, 0] : vector<128x1024xbf16> -> vector<1024x128xbf16>
    %swap3A_842 = arith.constant 1024 : index
    %swap3A_843 = arith.constant 1408 : index
    %swap3A_844 = vector.load %arg6[%swap3A_842, %swap3A_843] : memref<4096x4096xbf16, #tpu.memory_space<vmem>>, vector<1024x128xbf16>
    tpu.vector_store %arg6[%swap3A_842, %swap3A_843], %transpose3A_841 {strides = array<i32>} : memref<4096x4096xbf16, #tpu.memory_space<vmem>>, vector<1024x128xbf16>,
    %get3A_845 = arith.constant 0 : index
    %get3A_846 = arith.constant 2048 : index
    %get3A_847 = vector.load %arg15[%get3A_845, %get3A_846] : memref<128x4096xf32, #tpu.memory_space<vmem>>, vector<128x1024xf32>
    %convert_element_type3A_848 = arith.truncf %get3A_847 : vector<128x1024xf32> to vector<128x1024xbf16>
    %transpose3A_849 = tpu.transpose %convert_element_type3A_848, [1, 0] : vector<128x1024xbf16> -> vector<1024x128xbf16>
    %swap3A_850 = arith.constant 2048 : index
    %swap3A_851 = arith.constant 1408 : index
    %swap3A_852 = vector.load %arg6[%swap3A_850, %swap3A_851] : memref<4096x4096xbf16, #tpu.memory_space<vmem>>, vector<1024x128xbf16>
    tpu.vector_store %arg6[%swap3A_850, %swap3A_851], %transpose3A_849 {strides = array<i32>} : memref<4096x4096xbf16, #tpu.memory_space<vmem>>, vector<1024x128xbf16>,
    %get3A_853 = arith.constant 0 : index
    %get3A_854 = arith.constant 3072 : index
    %get3A_855 = vector.load %arg15[%get3A_853, %get3A_854] : memref<128x4096xf32, #tpu.memory_space<vmem>>, vector<128x1024xf32>
    %convert_element_type3A_856 = arith.truncf %get3A_855 : vector<128x1024xf32> to vector<128x1024xbf16>
    %transpose3A_857 = tpu.transpose %convert_element_type3A_856, [1, 0] : vector<128x1024xbf16> -> vector<1024x128xbf16>
    %swap3A_858 = arith.constant 3072 : index
    %swap3A_859 = arith.constant 1408 : index
    %swap3A_860 = vector.load %arg6[%swap3A_858, %swap3A_859] : memref<4096x4096xbf16, #tpu.memory_space<vmem>>, vector<1024x128xbf16>
    tpu.vector_store %arg6[%swap3A_858, %swap3A_859], %transpose3A_857 {strides = array<i32>} : memref<4096x4096xbf16, #tpu.memory_space<vmem>>, vector<1024x128xbf16>,
    %dma_start3A_861 = arith.constant 1664 : i32
    %dma_start3A_862 = arith.constant 0 : i32
    %dma_start3A_863 = tpu.memref_slice %arg2[%dma_start3A_861, %dma_start3A_862] : memref<4096x4096xf32, #tpu.memory_space<hbm>> -> memref<128x4096xf32, #tpu.memory_space<hbm>>
    tpu.enqueue_dma source(%dma_start3A_863 : memref<128x4096xf32, #tpu.memory_space<hbm>>) target(%arg15 : memref<128x4096xf32, #tpu.memory_space<vmem>>) target_semaphore(%arg21 : memref<!tpu.dma_semaphore, #tpu.memory_space<semaphore_mem>>)
    %dma_wait3A_864 = arith.constant 3072 : i32
    %dma_wait3A_865 = arith.constant 0 : i32
    %dma_wait3A_866 = tpu.memref_slice %arg1[%dma_wait3A_864, %dma_wait3A_865] : memref<4096x1024xf32, #tpu.memory_space<hbm>> -> memref<256x1024xf32, #tpu.memory_space<hbm>>
    tpu.wait_dma2 semaphore(%arg22 : memref<!tpu.dma_semaphore, #tpu.memory_space<semaphore_mem>>) src(%dma_wait3A_866 : memref<256x1024xf32, #tpu.memory_space<hbm>>) dst(%arg16 : memref<256x1024xf32, #tpu.memory_space<vmem>>)
    %get3A_867 = arith.constant 0 : index
    %get3A_868 = arith.constant 0 : index
    %get3A_869 = vector.load %arg16[%get3A_867, %get3A_868] : memref<256x1024xf32, #tpu.memory_space<vmem>>, vector<256x512xf32>
    %convert_element_type3A_870 = arith.truncf %get3A_869 : vector<256x512xf32> to vector<256x512xbf16>
    %transpose3A_871 = tpu.transpose %convert_element_type3A_870, [1, 0] : vector<256x512xbf16> -> vector<512x256xbf16>
    %swap3A_872 = arith.constant 0 : index
    %swap3A_873 = arith.constant 0 : index
    %swap3A_874 = vector.load %arg18[%swap3A_872, %swap3A_873] : memref<1024x256xbf16, #tpu.memory_space<vmem>>, vector<512x256xbf16>
    tpu.vector_store %arg18[%swap3A_872, %swap3A_873], %transpose3A_871 {strides = array<i32>} : memref<1024x256xbf16, #tpu.memory_space<vmem>>, vector<512x256xbf16>,
    %get3A_875 = arith.constant 0 : index
    %get3A_876 = arith.constant 512 : index
    %get3A_877 = vector.load %arg16[%get3A_875, %get3A_876] : memref<256x1024xf32, #tpu.memory_space<vmem>>, vector<256x512xf32>
    %convert_element_type3A_878 = arith.truncf %get3A_877 : vector<256x512xf32> to vector<256x512xbf16>
    %transpose3A_879 = tpu.transpose %convert_element_type3A_878, [1, 0] : vector<256x512xbf16> -> vector<512x256xbf16>
    %swap3A_880 = arith.constant 512 : index
    %swap3A_881 = arith.constant 0 : index
    %swap3A_882 = vector.load %arg18[%swap3A_880, %swap3A_881] : memref<1024x256xbf16, #tpu.memory_space<vmem>>, vector<512x256xbf16>
    tpu.vector_store %arg18[%swap3A_880, %swap3A_881], %transpose3A_879 {strides = array<i32>} : memref<1024x256xbf16, #tpu.memory_space<vmem>>, vector<512x256xbf16>,
    %dma_start3A_883 = arith.constant 3584 : i32
    %dma_start3A_884 = arith.constant 0 : i32
    %dma_start3A_885 = tpu.memref_slice %arg1[%dma_start3A_883, %dma_start3A_884] : memref<4096x1024xf32, #tpu.memory_space<hbm>> -> memref<256x1024xf32, #tpu.memory_space<hbm>>
    tpu.enqueue_dma source(%dma_start3A_885 : memref<256x1024xf32, #tpu.memory_space<hbm>>) target(%arg16 : memref<256x1024xf32, #tpu.memory_space<vmem>>) target_semaphore(%arg22 : memref<!tpu.dma_semaphore, #tpu.memory_space<semaphore_mem>>)
    %get3A_886 = arith.constant 0 : index
    %get3A_887 = arith.constant 0 : index
    %get3A_888 = vector.load %arg19[%get3A_886, %get3A_887] : memref<496x1024xbf16, #tpu.memory_space<vmem>>, vector<496x1024xbf16>
    %get3A_889 = arith.constant 0 : index
    %get3A_890 = arith.constant 0 : index
    %get3A_891 = vector.load %arg18[%get3A_889, %get3A_890] : memref<1024x256xbf16, #tpu.memory_space<vmem>>, vector<1024x256xbf16>
    %dot_general3A_892 = arith.constant dense<0.000000e+00> : vector<496x256xf32>
    %dot_general3A_893 = tpu.matmul %get3A_888, %get3A_891, %dot_general3A_892 {dimension_numbers = #tpu.dot_dimension_numbers<[1], [0], [0], [1], [0, 0, 1, 1], [], []>, transpose_lhs_hint = false} : vector<496x1024xbf16>, vector<1024x256xbf16>, vector<496x256xf32> -> vector<496x256xf32>
    %swap3A_894 = arith.constant 0 : index
    %swap3A_895 = arith.constant 3072 : index
    %swap3A_896 = vector.load %arg5[%swap3A_894, %swap3A_895] : memref<496x4096xf32, #tpu.memory_space<vmem>>, vector<496x256xf32>
    tpu.vector_store %arg5[%swap3A_894, %swap3A_895], %dot_general3A_893 {strides = array<i32>} : memref<496x4096xf32, #tpu.memory_space<vmem>>, vector<496x256xf32>,
    %dma_wait3A_897 = arith.constant 1536 : i32
    %dma_wait3A_898 = arith.constant 0 : i32
    %dma_wait3A_899 = tpu.memref_slice %arg2[%dma_wait3A_897, %dma_wait3A_898] : memref<4096x4096xf32, #tpu.memory_space<hbm>> -> memref<128x4096xf32, #tpu.memory_space<hbm>>
    tpu.wait_dma2 semaphore(%arg20 : memref<!tpu.dma_semaphore, #tpu.memory_space<semaphore_mem>>) src(%dma_wait3A_899 : memref<128x4096xf32, #tpu.memory_space<hbm>>) dst(%arg14 : memref<128x4096xf32, #tpu.memory_space<vmem>>)
    %get3A_900 = arith.constant 0 : index
    %get3A_901 = arith.constant 0 : index
    %get3A_902 = vector.load %arg14[%get3A_900, %get3A_901] : memref<128x4096xf32, #tpu.memory_space<vmem>>, vector<128x1024xf32>
    %convert_element_type3A_903 = arith.truncf %get3A_902 : vector<128x1024xf32> to vector<128x1024xbf16>
    %transpose3A_904 = tpu.transpose %convert_element_type3A_903, [1, 0] : vector<128x1024xbf16> -> vector<1024x128xbf16>
    %swap3A_905 = arith.constant 0 : index
    %swap3A_906 = arith.constant 1536 : index
    %swap3A_907 = vector.load %arg6[%swap3A_905, %swap3A_906] : memref<4096x4096xbf16, #tpu.memory_space<vmem>>, vector<1024x128xbf16>
    tpu.vector_store %arg6[%swap3A_905, %swap3A_906], %transpose3A_904 {strides = array<i32>} : memref<4096x4096xbf16, #tpu.memory_space<vmem>>, vector<1024x128xbf16>,
    %get3A_908 = arith.constant 0 : index
    %get3A_909 = arith.constant 1024 : index
    %get3A_910 = vector.load %arg14[%get3A_908, %get3A_909] : memref<128x4096xf32, #tpu.memory_space<vmem>>, vector<128x1024xf32>
    %convert_element_type3A_911 = arith.truncf %get3A_910 : vector<128x1024xf32> to vector<128x1024xbf16>
    %transpose3A_912 = tpu.transpose %convert_element_type3A_911, [1, 0] : vector<128x1024xbf16> -> vector<1024x128xbf16>
    %swap3A_913 = arith.constant 1024 : index
    %swap3A_914 = arith.constant 1536 : index
    %swap3A_915 = vector.load %arg6[%swap3A_913, %swap3A_914] : memref<4096x4096xbf16, #tpu.memory_space<vmem>>, vector<1024x128xbf16>
    tpu.vector_store %arg6[%swap3A_913, %swap3A_914], %transpose3A_912 {strides = array<i32>} : memref<4096x4096xbf16, #tpu.memory_space<vmem>>, vector<1024x128xbf16>,
    %get3A_916 = arith.constant 0 : index
    %get3A_917 = arith.constant 2048 : index
    %get3A_918 = vector.load %arg14[%get3A_916, %get3A_917] : memref<128x4096xf32, #tpu.memory_space<vmem>>, vector<128x1024xf32>
    %convert_element_type3A_919 = arith.truncf %get3A_918 : vector<128x1024xf32> to vector<128x1024xbf16>
    %transpose3A_920 = tpu.transpose %convert_element_type3A_919, [1, 0] : vector<128x1024xbf16> -> vector<1024x128xbf16>
    %swap3A_921 = arith.constant 2048 : index
    %swap3A_922 = arith.constant 1536 : index
    %swap3A_923 = vector.load %arg6[%swap3A_921, %swap3A_922] : memref<4096x4096xbf16, #tpu.memory_space<vmem>>, vector<1024x128xbf16>
    tpu.vector_store %arg6[%swap3A_921, %swap3A_922], %transpose3A_920 {strides = array<i32>} : memref<4096x4096xbf16, #tpu.memory_space<vmem>>, vector<1024x128xbf16>,
    %get3A_924 = arith.constant 0 : index
    %get3A_925 = arith.constant 3072 : index
    %get3A_926 = vector.load %arg14[%get3A_924, %get3A_925] : memref<128x4096xf32, #tpu.memory_space<vmem>>, vector<128x1024xf32>
    %convert_element_type3A_927 = arith.truncf %get3A_926 : vector<128x1024xf32> to vector<128x1024xbf16>
    %transpose3A_928 = tpu.transpose %convert_element_type3A_927, [1, 0] : vector<128x1024xbf16> -> vector<1024x128xbf16>
    %swap3A_929 = arith.constant 3072 : index
    %swap3A_930 = arith.constant 1536 : index
    %swap3A_931 = vector.load %arg6[%swap3A_929, %swap3A_930] : memref<4096x4096xbf16, #tpu.memory_space<vmem>>, vector<1024x128xbf16>
    tpu.vector_store %arg6[%swap3A_929, %swap3A_930], %transpose3A_928 {strides = array<i32>} : memref<4096x4096xbf16, #tpu.memory_space<vmem>>, vector<1024x128xbf16>,
    %dma_start3A_932 = arith.constant 1792 : i32
    %dma_start3A_933 = arith.constant 0 : i32
    %dma_start3A_934 = tpu.memref_slice %arg2[%dma_start3A_932, %dma_start3A_933] : memref<4096x4096xf32, #tpu.memory_space<hbm>> -> memref<128x4096xf32, #tpu.memory_space<hbm>>
    tpu.enqueue_dma source(%dma_start3A_934 : memref<128x4096xf32, #tpu.memory_space<hbm>>) target(%arg14 : memref<128x4096xf32, #tpu.memory_space<vmem>>) target_semaphore(%arg20 : memref<!tpu.dma_semaphore, #tpu.memory_space<semaphore_mem>>)
    %dma_wait3A_935 = arith.constant 3328 : i32
    %dma_wait3A_936 = arith.constant 0 : i32
    %dma_wait3A_937 = tpu.memref_slice %arg1[%dma_wait3A_935, %dma_wait3A_936] : memref<4096x1024xf32, #tpu.memory_space<hbm>> -> memref<256x1024xf32, #tpu.memory_space<hbm>>
    tpu.wait_dma2 semaphore(%arg23 : memref<!tpu.dma_semaphore, #tpu.memory_space<semaphore_mem>>) src(%dma_wait3A_937 : memref<256x1024xf32, #tpu.memory_space<hbm>>) dst(%arg17 : memref<256x1024xf32, #tpu.memory_space<vmem>>)
    %get3A_938 = arith.constant 0 : index
    %get3A_939 = arith.constant 0 : index
    %get3A_940 = vector.load %arg17[%get3A_938, %get3A_939] : memref<256x1024xf32, #tpu.memory_space<vmem>>, vector<256x512xf32>
    %convert_element_type3A_941 = arith.truncf %get3A_940 : vector<256x512xf32> to vector<256x512xbf16>
    %transpose3A_942 = tpu.transpose %convert_element_type3A_941, [1, 0] : vector<256x512xbf16> -> vector<512x256xbf16>
    %swap3A_943 = arith.constant 0 : index
    %swap3A_944 = arith.constant 0 : index
    %swap3A_945 = vector.load %arg18[%swap3A_943, %swap3A_944] : memref<1024x256xbf16, #tpu.memory_space<vmem>>, vector<512x256xbf16>
    tpu.vector_store %arg18[%swap3A_943, %swap3A_944], %transpose3A_942 {strides = array<i32>} : memref<1024x256xbf16, #tpu.memory_space<vmem>>, vector<512x256xbf16>,
    %get3A_946 = arith.constant 0 : index
    %get3A_947 = arith.constant 512 : index
    %get3A_948 = vector.load %arg17[%get3A_946, %get3A_947] : memref<256x1024xf32, #tpu.memory_space<vmem>>, vector<256x512xf32>
    %convert_element_type3A_949 = arith.truncf %get3A_948 : vector<256x512xf32> to vector<256x512xbf16>
    %transpose3A_950 = tpu.transpose %convert_element_type3A_949, [1, 0] : vector<256x512xbf16> -> vector<512x256xbf16>
    %swap3A_951 = arith.constant 512 : index
    %swap3A_952 = arith.constant 0 : index
    %swap3A_953 = vector.load %arg18[%swap3A_951, %swap3A_952] : memref<1024x256xbf16, #tpu.memory_space<vmem>>, vector<512x256xbf16>
    tpu.vector_store %arg18[%swap3A_951, %swap3A_952], %transpose3A_950 {strides = array<i32>} : memref<1024x256xbf16, #tpu.memory_space<vmem>>, vector<512x256xbf16>,
    %dma_start3A_954 = arith.constant 3840 : i32
    %dma_start3A_955 = arith.constant 0 : i32
    %dma_start3A_956 = tpu.memref_slice %arg1[%dma_start3A_954, %dma_start3A_955] : memref<4096x1024xf32, #tpu.memory_space<hbm>> -> memref<256x1024xf32, #tpu.memory_space<hbm>>
    tpu.enqueue_dma source(%dma_start3A_956 : memref<256x1024xf32, #tpu.memory_space<hbm>>) target(%arg17 : memref<256x1024xf32, #tpu.memory_space<vmem>>) target_semaphore(%arg23 : memref<!tpu.dma_semaphore, #tpu.memory_space<semaphore_mem>>)
    %get3A_957 = arith.constant 0 : index
    %get3A_958 = arith.constant 0 : index
    %get3A_959 = vector.load %arg19[%get3A_957, %get3A_958] : memref<496x1024xbf16, #tpu.memory_space<vmem>>, vector<496x1024xbf16>
    %get3A_960 = arith.constant 0 : index
    %get3A_961 = arith.constant 0 : index
    %get3A_962 = vector.load %arg18[%get3A_960, %get3A_961] : memref<1024x256xbf16, #tpu.memory_space<vmem>>, vector<1024x256xbf16>
    %dot_general3A_963 = arith.constant dense<0.000000e+00> : vector<496x256xf32>
    %dot_general3A_964 = tpu.matmul %get3A_959, %get3A_962, %dot_general3A_963 {dimension_numbers = #tpu.dot_dimension_numbers<[1], [0], [0], [1], [0, 0, 1, 1], [], []>, transpose_lhs_hint = false} : vector<496x1024xbf16>, vector<1024x256xbf16>, vector<496x256xf32> -> vector<496x256xf32>
    %swap3A_965 = arith.constant 0 : index
    %swap3A_966 = arith.constant 3328 : index
    %swap3A_967 = vector.load %arg5[%swap3A_965, %swap3A_966] : memref<496x4096xf32, #tpu.memory_space<vmem>>, vector<496x256xf32>
    tpu.vector_store %arg5[%swap3A_965, %swap3A_966], %dot_general3A_964 {strides = array<i32>} : memref<496x4096xf32, #tpu.memory_space<vmem>>, vector<496x256xf32>,
    %dma_wait3A_968 = arith.constant 1664 : i32
    %dma_wait3A_969 = arith.constant 0 : i32
    %dma_wait3A_970 = tpu.memref_slice %arg2[%dma_wait3A_968, %dma_wait3A_969] : memref<4096x4096xf32, #tpu.memory_space<hbm>> -> memref<128x4096xf32, #tpu.memory_space<hbm>>
    tpu.wait_dma2 semaphore(%arg21 : memref<!tpu.dma_semaphore, #tpu.memory_space<semaphore_mem>>) src(%dma_wait3A_970 : memref<128x4096xf32, #tpu.memory_space<hbm>>) dst(%arg15 : memref<128x4096xf32, #tpu.memory_space<vmem>>)
    %get3A_971 = arith.constant 0 : index
    %get3A_972 = arith.constant 0 : index
    %get3A_973 = vector.load %arg15[%get3A_971, %get3A_972] : memref<128x4096xf32, #tpu.memory_space<vmem>>, vector<128x1024xf32>
    %convert_element_type3A_974 = arith.truncf %get3A_973 : vector<128x1024xf32> to vector<128x1024xbf16>
    %transpose3A_975 = tpu.transpose %convert_element_type3A_974, [1, 0] : vector<128x1024xbf16> -> vector<1024x128xbf16>
    %swap3A_976 = arith.constant 0 : index
    %swap3A_977 = arith.constant 1664 : index
    %swap3A_978 = vector.load %arg6[%swap3A_976, %swap3A_977] : memref<4096x4096xbf16, #tpu.memory_space<vmem>>, vector<1024x128xbf16>
    tpu.vector_store %arg6[%swap3A_976, %swap3A_977], %transpose3A_975 {strides = array<i32>} : memref<4096x4096xbf16, #tpu.memory_space<vmem>>, vector<1024x128xbf16>,
    %get3A_979 = arith.constant 0 : index
    %get3A_980 = arith.constant 1024 : index
    %get3A_981 = vector.load %arg15[%get3A_979, %get3A_980] : memref<128x4096xf32, #tpu.memory_space<vmem>>, vector<128x1024xf32>
    %convert_element_type3A_982 = arith.truncf %get3A_981 : vector<128x1024xf32> to vector<128x1024xbf16>
    %transpose3A_983 = tpu.transpose %convert_element_type3A_982, [1, 0] : vector<128x1024xbf16> -> vector<1024x128xbf16>
    %swap3A_984 = arith.constant 1024 : index
    %swap3A_985 = arith.constant 1664 : index
    %swap3A_986 = vector.load %arg6[%swap3A_984, %swap3A_985] : memref<4096x4096xbf16, #tpu.memory_space<vmem>>, vector<1024x128xbf16>
    tpu.vector_store %arg6[%swap3A_984, %swap3A_985], %transpose3A_983 {strides = array<i32>} : memref<4096x4096xbf16, #tpu.memory_space<vmem>>, vector<1024x128xbf16>,
    %get3A_987 = arith.constant 0 : index
    %get3A_988 = arith.constant 2048 : index
    %get3A_989 = vector.load %arg15[%get3A_987, %get3A_988] : memref<128x4096xf32, #tpu.memory_space<vmem>>, vector<128x1024xf32>
    %convert_element_type3A_990 = arith.truncf %get3A_989 : vector<128x1024xf32> to vector<128x1024xbf16>
    %transpose3A_991 = tpu.transpose %convert_element_type3A_990, [1, 0] : vector<128x1024xbf16> -> vector<1024x128xbf16>
    %swap3A_992 = arith.constant 2048 : index
    %swap3A_993 = arith.constant 1664 : index
    %swap3A_994 = vector.load %arg6[%swap3A_992, %swap3A_993] : memref<4096x4096xbf16, #tpu.memory_space<vmem>>, vector<1024x128xbf16>
    tpu.vector_store %arg6[%swap3A_992, %swap3A_993], %transpose3A_991 {strides = array<i32>} : memref<4096x4096xbf16, #tpu.memory_space<vmem>>, vector<1024x128xbf16>,
    %get3A_995 = arith.constant 0 : index
    %get3A_996 = arith.constant 3072 : index
    %get3A_997 = vector.load %arg15[%get3A_995, %get3A_996] : memref<128x4096xf32, #tpu.memory_space<vmem>>, vector<128x1024xf32>
    %convert_element_type3A_998 = arith.truncf %get3A_997 : vector<128x1024xf32> to vector<128x1024xbf16>
    %transpose3A_999 = tpu.transpose %convert_element_type3A_998, [1, 0] : vector<128x1024xbf16> -> vector<1024x128xbf16>
    %swap3A_1000 = arith.constant 3072 : index
    %swap3A_1001 = arith.constant 1664 : index
    %swap3A_1002 = vector.load %arg6[%swap3A_1000, %swap3A_1001] : memref<4096x4096xbf16, #tpu.memory_space<vmem>>, vector<1024x128xbf16>
    tpu.vector_store %arg6[%swap3A_1000, %swap3A_1001], %transpose3A_999 {strides = array<i32>} : memref<4096x4096xbf16, #tpu.memory_space<vmem>>, vector<1024x128xbf16>,
    %dma_start3A_1003 = arith.constant 1920 : i32
    %dma_start3A_1004 = arith.constant 0 : i32
    %dma_start3A_1005 = tpu.memref_slice %arg2[%dma_start3A_1003, %dma_start3A_1004] : memref<4096x4096xf32, #tpu.memory_space<hbm>> -> memref<128x4096xf32, #tpu.memory_space<hbm>>
    tpu.enqueue_dma source(%dma_start3A_1005 : memref<128x4096xf32, #tpu.memory_space<hbm>>) target(%arg15 : memref<128x4096xf32, #tpu.memory_space<vmem>>) target_semaphore(%arg21 : memref<!tpu.dma_semaphore, #tpu.memory_space<semaphore_mem>>)
    %dma_wait3A_1006 = arith.constant 3584 : i32
    %dma_wait3A_1007 = arith.constant 0 : i32
    %dma_wait3A_1008 = tpu.memref_slice %arg1[%dma_wait3A_1006, %dma_wait3A_1007] : memref<4096x1024xf32, #tpu.memory_space<hbm>> -> memref<256x1024xf32, #tpu.memory_space<hbm>>
    tpu.wait_dma2 semaphore(%arg22 : memref<!tpu.dma_semaphore, #tpu.memory_space<semaphore_mem>>) src(%dma_wait3A_1008 : memref<256x1024xf32, #tpu.memory_space<hbm>>) dst(%arg16 : memref<256x1024xf32, #tpu.memory_space<vmem>>)
    %get3A_1009 = arith.constant 0 : index
    %get3A_1010 = arith.constant 0 : index
    %get3A_1011 = vector.load %arg16[%get3A_1009, %get3A_1010] : memref<256x1024xf32, #tpu.memory_space<vmem>>, vector<256x512xf32>
    %convert_element_type3A_1012 = arith.truncf %get3A_1011 : vector<256x512xf32> to vector<256x512xbf16>
    %transpose3A_1013 = tpu.transpose %convert_element_type3A_1012, [1, 0] : vector<256x512xbf16> -> vector<512x256xbf16>
    %swap3A_1014 = arith.constant 0 : index
    %swap3A_1015 = arith.constant 0 : index
    %swap3A_1016 = vector.load %arg18[%swap3A_1014, %swap3A_1015] : memref<1024x256xbf16, #tpu.memory_space<vmem>>, vector<512x256xbf16>
    tpu.vector_store %arg18[%swap3A_1014, %swap3A_1015], %transpose3A_1013 {strides = array<i32>} : memref<1024x256xbf16, #tpu.memory_space<vmem>>, vector<512x256xbf16>,
    %get3A_1017 = arith.constant 0 : index
    %get3A_1018 = arith.constant 512 : index
    %get3A_1019 = vector.load %arg16[%get3A_1017, %get3A_1018] : memref<256x1024xf32, #tpu.memory_space<vmem>>, vector<256x512xf32>
    %convert_element_type3A_1020 = arith.truncf %get3A_1019 : vector<256x512xf32> to vector<256x512xbf16>
    %transpose3A_1021 = tpu.transpose %convert_element_type3A_1020, [1, 0] : vector<256x512xbf16> -> vector<512x256xbf16>
    %swap3A_1022 = arith.constant 512 : index
    %swap3A_1023 = arith.constant 0 : index
    %swap3A_1024 = vector.load %arg18[%swap3A_1022, %swap3A_1023] : memref<1024x256xbf16, #tpu.memory_space<vmem>>, vector<512x256xbf16>
    tpu.vector_store %arg18[%swap3A_1022, %swap3A_1023], %transpose3A_1021 {strides = array<i32>} : memref<1024x256xbf16, #tpu.memory_space<vmem>>, vector<512x256xbf16>,
    %get3A_1025 = arith.constant 0 : index
    %get3A_1026 = arith.constant 0 : index
    %get3A_1027 = vector.load %arg19[%get3A_1025, %get3A_1026] : memref<496x1024xbf16, #tpu.memory_space<vmem>>, vector<496x1024xbf16>
    %get3A_1028 = arith.constant 0 : index
    %get3A_1029 = arith.constant 0 : index
    %get3A_1030 = vector.load %arg18[%get3A_1028, %get3A_1029] : memref<1024x256xbf16, #tpu.memory_space<vmem>>, vector<1024x256xbf16>
    %dot_general3A_1031 = arith.constant dense<0.000000e+00> : vector<496x256xf32>
    %dot_general3A_1032 = tpu.matmul %get3A_1027, %get3A_1030, %dot_general3A_1031 {dimension_numbers = #tpu.dot_dimension_numbers<[1], [0], [0], [1], [0, 0, 1, 1], [], []>, transpose_lhs_hint = false} : vector<496x1024xbf16>, vector<1024x256xbf16>, vector<496x256xf32> -> vector<496x256xf32>
    %swap3A_1033 = arith.constant 0 : index
    %swap3A_1034 = arith.constant 3584 : index
    %swap3A_1035 = vector.load %arg5[%swap3A_1033, %swap3A_1034] : memref<496x4096xf32, #tpu.memory_space<vmem>>, vector<496x256xf32>
    tpu.vector_store %arg5[%swap3A_1033, %swap3A_1034], %dot_general3A_1032 {strides = array<i32>} : memref<496x4096xf32, #tpu.memory_space<vmem>>, vector<496x256xf32>,
    %dma_wait3A_1036 = arith.constant 1792 : i32
    %dma_wait3A_1037 = arith.constant 0 : i32
    %dma_wait3A_1038 = tpu.memref_slice %arg2[%dma_wait3A_1036, %dma_wait3A_1037] : memref<4096x4096xf32, #tpu.memory_space<hbm>> -> memref<128x4096xf32, #tpu.memory_space<hbm>>
    tpu.wait_dma2 semaphore(%arg20 : memref<!tpu.dma_semaphore, #tpu.memory_space<semaphore_mem>>) src(%dma_wait3A_1038 : memref<128x4096xf32, #tpu.memory_space<hbm>>) dst(%arg14 : memref<128x4096xf32, #tpu.memory_space<vmem>>)
    %get3A_1039 = arith.constant 0 : index
    %get3A_1040 = arith.constant 0 : index
    %get3A_1041 = vector.load %arg14[%get3A_1039, %get3A_1040] : memref<128x4096xf32, #tpu.memory_space<vmem>>, vector<128x1024xf32>
    %convert_element_type3A_1042 = arith.truncf %get3A_1041 : vector<128x1024xf32> to vector<128x1024xbf16>
    %transpose3A_1043 = tpu.transpose %convert_element_type3A_1042, [1, 0] : vector<128x1024xbf16> -> vector<1024x128xbf16>
    %swap3A_1044 = arith.constant 0 : index
    %swap3A_1045 = arith.constant 1792 : index
    %swap3A_1046 = vector.load %arg6[%swap3A_1044, %swap3A_1045] : memref<4096x4096xbf16, #tpu.memory_space<vmem>>, vector<1024x128xbf16>
    tpu.vector_store %arg6[%swap3A_1044, %swap3A_1045], %transpose3A_1043 {strides = array<i32>} : memref<4096x4096xbf16, #tpu.memory_space<vmem>>, vector<1024x128xbf16>,
    %get3A_1047 = arith.constant 0 : index
    %get3A_1048 = arith.constant 1024 : index
    %get3A_1049 = vector.load %arg14[%get3A_1047, %get3A_1048] : memref<128x4096xf32, #tpu.memory_space<vmem>>, vector<128x1024xf32>
    %convert_element_type3A_1050 = arith.truncf %get3A_1049 : vector<128x1024xf32> to vector<128x1024xbf16>
    %transpose3A_1051 = tpu.transpose %convert_element_type3A_1050, [1, 0] : vector<128x1024xbf16> -> vector<1024x128xbf16>
    %swap3A_1052 = arith.constant 1024 : index
    %swap3A_1053 = arith.constant 1792 : index
    %swap3A_1054 = vector.load %arg6[%swap3A_1052, %swap3A_1053] : memref<4096x4096xbf16, #tpu.memory_space<vmem>>, vector<1024x128xbf16>
    tpu.vector_store %arg6[%swap3A_1052, %swap3A_1053], %transpose3A_1051 {strides = array<i32>} : memref<4096x4096xbf16, #tpu.memory_space<vmem>>, vector<1024x128xbf16>,
    %get3A_1055 = arith.constant 0 : index
    %get3A_1056 = arith.constant 2048 : index
    %get3A_1057 = vector.load %arg14[%get3A_1055, %get3A_1056] : memref<128x4096xf32, #tpu.memory_space<vmem>>, vector<128x1024xf32>
    %convert_element_type3A_1058 = arith.truncf %get3A_1057 : vector<128x1024xf32> to vector<128x1024xbf16>
    %transpose3A_1059 = tpu.transpose %convert_element_type3A_1058, [1, 0] : vector<128x1024xbf16> -> vector<1024x128xbf16>
    %swap3A_1060 = arith.constant 2048 : index
    %swap3A_1061 = arith.constant 1792 : index
    %swap3A_1062 = vector.load %arg6[%swap3A_1060, %swap3A_1061] : memref<4096x4096xbf16, #tpu.memory_space<vmem>>, vector<1024x128xbf16>
    tpu.vector_store %arg6[%swap3A_1060, %swap3A_1061], %transpose3A_1059 {strides = array<i32>} : memref<4096x4096xbf16, #tpu.memory_space<vmem>>, vector<1024x128xbf16>,
    %get3A_1063 = arith.constant 0 : index
    %get3A_1064 = arith.constant 3072 : index
    %get3A_1065 = vector.load %arg14[%get3A_1063, %get3A_1064] : memref<128x4096xf32, #tpu.memory_space<vmem>>, vector<128x1024xf32>
    %convert_element_type3A_1066 = arith.truncf %get3A_1065 : vector<128x1024xf32> to vector<128x1024xbf16>
    %transpose3A_1067 = tpu.transpose %convert_element_type3A_1066, [1, 0] : vector<128x1024xbf16> -> vector<1024x128xbf16>
    %swap3A_1068 = arith.constant 3072 : index
    %swap3A_1069 = arith.constant 1792 : index
    %swap3A_1070 = vector.load %arg6[%swap3A_1068, %swap3A_1069] : memref<4096x4096xbf16, #tpu.memory_space<vmem>>, vector<1024x128xbf16>
    tpu.vector_store %arg6[%swap3A_1068, %swap3A_1069], %transpose3A_1067 {strides = array<i32>} : memref<4096x4096xbf16, #tpu.memory_space<vmem>>, vector<1024x128xbf16>,
    %dma_start3A_1071 = arith.constant 2048 : i32
    %dma_start3A_1072 = arith.constant 0 : i32
    %dma_start3A_1073 = tpu.memref_slice %arg2[%dma_start3A_1071, %dma_start3A_1072] : memref<4096x4096xf32, #tpu.memory_space<hbm>> -> memref<128x4096xf32, #tpu.memory_space<hbm>>
    tpu.enqueue_dma source(%dma_start3A_1073 : memref<128x4096xf32, #tpu.memory_space<hbm>>) target(%arg14 : memref<128x4096xf32, #tpu.memory_space<vmem>>) target_semaphore(%arg20 : memref<!tpu.dma_semaphore, #tpu.memory_space<semaphore_mem>>)
    %dma_wait3A_1074 = arith.constant 3840 : i32
    %dma_wait3A_1075 = arith.constant 0 : i32
    %dma_wait3A_1076 = tpu.memref_slice %arg1[%dma_wait3A_1074, %dma_wait3A_1075] : memref<4096x1024xf32, #tpu.memory_space<hbm>> -> memref<256x1024xf32, #tpu.memory_space<hbm>>
    tpu.wait_dma2 semaphore(%arg23 : memref<!tpu.dma_semaphore, #tpu.memory_space<semaphore_mem>>) src(%dma_wait3A_1076 : memref<256x1024xf32, #tpu.memory_space<hbm>>) dst(%arg17 : memref<256x1024xf32, #tpu.memory_space<vmem>>)
    %get3A_1077 = arith.constant 0 : index
    %get3A_1078 = arith.constant 0 : index
    %get3A_1079 = vector.load %arg17[%get3A_1077, %get3A_1078] : memref<256x1024xf32, #tpu.memory_space<vmem>>, vector<256x512xf32>
    %convert_element_type3A_1080 = arith.truncf %get3A_1079 : vector<256x512xf32> to vector<256x512xbf16>
    %transpose3A_1081 = tpu.transpose %convert_element_type3A_1080, [1, 0] : vector<256x512xbf16> -> vector<512x256xbf16>
    %swap3A_1082 = arith.constant 0 : index
    %swap3A_1083 = arith.constant 0 : index
    %swap3A_1084 = vector.load %arg18[%swap3A_1082, %swap3A_1083] : memref<1024x256xbf16, #tpu.memory_space<vmem>>, vector<512x256xbf16>
    tpu.vector_store %arg18[%swap3A_1082, %swap3A_1083], %transpose3A_1081 {strides = array<i32>} : memref<1024x256xbf16, #tpu.memory_space<vmem>>, vector<512x256xbf16>,
    %get3A_1085 = arith.constant 0 : index
    %get3A_1086 = arith.constant 512 : index
    %get3A_1087 = vector.load %arg17[%get3A_1085, %get3A_1086] : memref<256x1024xf32, #tpu.memory_space<vmem>>, vector<256x512xf32>
    %convert_element_type3A_1088 = arith.truncf %get3A_1087 : vector<256x512xf32> to vector<256x512xbf16>
    %transpose3A_1089 = tpu.transpose %convert_element_type3A_1088, [1, 0] : vector<256x512xbf16> -> vector<512x256xbf16>
    %swap3A_1090 = arith.constant 512 : index
    %swap3A_1091 = arith.constant 0 : index
    %swap3A_1092 = vector.load %arg18[%swap3A_1090, %swap3A_1091] : memref<1024x256xbf16, #tpu.memory_space<vmem>>, vector<512x256xbf16>
    tpu.vector_store %arg18[%swap3A_1090, %swap3A_1091], %transpose3A_1089 {strides = array<i32>} : memref<1024x256xbf16, #tpu.memory_space<vmem>>, vector<512x256xbf16>,
    %get3A_1093 = arith.constant 0 : index
    %get3A_1094 = arith.constant 0 : index
    %get3A_1095 = vector.load %arg19[%get3A_1093, %get3A_1094] : memref<496x1024xbf16, #tpu.memory_space<vmem>>, vector<496x1024xbf16>
    %get3A_1096 = arith.constant 0 : index
    %get3A_1097 = arith.constant 0 : index
    %get3A_1098 = vector.load %arg18[%get3A_1096, %get3A_1097] : memref<1024x256xbf16, #tpu.memory_space<vmem>>, vector<1024x256xbf16>
    %dot_general3A_1099 = arith.constant dense<0.000000e+00> : vector<496x256xf32>
    %dot_general3A_1100 = tpu.matmul %get3A_1095, %get3A_1098, %dot_general3A_1099 {dimension_numbers = #tpu.dot_dimension_numbers<[1], [0], [0], [1], [0, 0, 1, 1], [], []>, transpose_lhs_hint = false} : vector<496x1024xbf16>, vector<1024x256xbf16>, vector<496x256xf32> -> vector<496x256xf32>
    %swap3A_1101 = arith.constant 0 : index
    %swap3A_1102 = arith.constant 3840 : index
    %swap3A_1103 = vector.load %arg5[%swap3A_1101, %swap3A_1102] : memref<496x4096xf32, #tpu.memory_space<vmem>>, vector<496x256xf32>
    tpu.vector_store %arg5[%swap3A_1101, %swap3A_1102], %dot_general3A_1100 {strides = array<i32>} : memref<496x4096xf32, #tpu.memory_space<vmem>>, vector<496x256xf32>,
    %dma_wait3A_1104 = arith.constant 1920 : i32
    %dma_wait3A_1105 = arith.constant 0 : i32
    %dma_wait3A_1106 = tpu.memref_slice %arg2[%dma_wait3A_1104, %dma_wait3A_1105] : memref<4096x4096xf32, #tpu.memory_space<hbm>> -> memref<128x4096xf32, #tpu.memory_space<hbm>>
    tpu.wait_dma2 semaphore(%arg21 : memref<!tpu.dma_semaphore, #tpu.memory_space<semaphore_mem>>) src(%dma_wait3A_1106 : memref<128x4096xf32, #tpu.memory_space<hbm>>) dst(%arg15 : memref<128x4096xf32, #tpu.memory_space<vmem>>)
    %get3A_1107 = arith.constant 0 : index
    %get3A_1108 = arith.constant 0 : index
    %get3A_1109 = vector.load %arg15[%get3A_1107, %get3A_1108] : memref<128x4096xf32, #tpu.memory_space<vmem>>, vector<128x1024xf32>
    %convert_element_type3A_1110 = arith.truncf %get3A_1109 : vector<128x1024xf32> to vector<128x1024xbf16>
    %transpose3A_1111 = tpu.transpose %convert_element_type3A_1110, [1, 0] : vector<128x1024xbf16> -> vector<1024x128xbf16>
    %swap3A_1112 = arith.constant 0 : index
    %swap3A_1113 = arith.constant 1920 : index
    %swap3A_1114 = vector.load %arg6[%swap3A_1112, %swap3A_1113] : memref<4096x4096xbf16, #tpu.memory_space<vmem>>, vector<1024x128xbf16>
    tpu.vector_store %arg6[%swap3A_1112, %swap3A_1113], %transpose3A_1111 {strides = array<i32>} : memref<4096x4096xbf16, #tpu.memory_space<vmem>>, vector<1024x128xbf16>,
    %get3A_1115 = arith.constant 0 : index
    %get3A_1116 = arith.constant 1024 : index
    %get3A_1117 = vector.load %arg15[%get3A_1115, %get3A_1116] : memref<128x4096xf32, #tpu.memory_space<vmem>>, vector<128x1024xf32>
    %convert_element_type3A_1118 = arith.truncf %get3A_1117 : vector<128x1024xf32> to vector<128x1024xbf16>
    %transpose3A_1119 = tpu.transpose %convert_element_type3A_1118, [1, 0] : vector<128x1024xbf16> -> vector<1024x128xbf16>
    %swap3A_1120 = arith.constant 1024 : index
    %swap3A_1121 = arith.constant 1920 : index
    %swap3A_1122 = vector.load %arg6[%swap3A_1120, %swap3A_1121] : memref<4096x4096xbf16, #tpu.memory_space<vmem>>, vector<1024x128xbf16>
    tpu.vector_store %arg6[%swap3A_1120, %swap3A_1121], %transpose3A_1119 {strides = array<i32>} : memref<4096x4096xbf16, #tpu.memory_space<vmem>>, vector<1024x128xbf16>,
    %get3A_1123 = arith.constant 0 : index
    %get3A_1124 = arith.constant 2048 : index
    %get3A_1125 = vector.load %arg15[%get3A_1123, %get3A_1124] : memref<128x4096xf32, #tpu.memory_space<vmem>>, vector<128x1024xf32>
    %convert_element_type3A_1126 = arith.truncf %get3A_1125 : vector<128x1024xf32> to vector<128x1024xbf16>
    %transpose3A_1127 = tpu.transpose %convert_element_type3A_1126, [1, 0] : vector<128x1024xbf16> -> vector<1024x128xbf16>
    %swap3A_1128 = arith.constant 2048 : index
    %swap3A_1129 = arith.constant 1920 : index
    %swap3A_1130 = vector.load %arg6[%swap3A_1128, %swap3A_1129] : memref<4096x4096xbf16, #tpu.memory_space<vmem>>, vector<1024x128xbf16>
    tpu.vector_store %arg6[%swap3A_1128, %swap3A_1129], %transpose3A_1127 {strides = array<i32>} : memref<4096x4096xbf16, #tpu.memory_space<vmem>>, vector<1024x128xbf16>,
    %get3A_1131 = arith.constant 0 : index
    %get3A_1132 = arith.constant 3072 : index
    %get3A_1133 = vector.load %arg15[%get3A_1131, %get3A_1132] : memref<128x4096xf32, #tpu.memory_space<vmem>>, vector<128x1024xf32>
    %convert_element_type3A_1134 = arith.truncf %get3A_1133 : vector<128x1024xf32> to vector<128x1024xbf16>
    %transpose3A_1135 = tpu.transpose %convert_element_type3A_1134, [1, 0] : vector<128x1024xbf16> -> vector<1024x128xbf16>
    %swap3A_1136 = arith.constant 3072 : index
    %swap3A_1137 = arith.constant 1920 : index
    %swap3A_1138 = vector.load %arg6[%swap3A_1136, %swap3A_1137] : memref<4096x4096xbf16, #tpu.memory_space<vmem>>, vector<1024x128xbf16>
    tpu.vector_store %arg6[%swap3A_1136, %swap3A_1137], %transpose3A_1135 {strides = array<i32>} : memref<4096x4096xbf16, #tpu.memory_space<vmem>>, vector<1024x128xbf16>,
    %dma_start3A_1139 = arith.constant 2176 : i32
    %dma_start3A_1140 = arith.constant 0 : i32
    %dma_start3A_1141 = tpu.memref_slice %arg2[%dma_start3A_1139, %dma_start3A_1140] : memref<4096x4096xf32, #tpu.memory_space<hbm>> -> memref<128x4096xf32, #tpu.memory_space<hbm>>
    tpu.enqueue_dma source(%dma_start3A_1141 : memref<128x4096xf32, #tpu.memory_space<hbm>>) target(%arg15 : memref<128x4096xf32, #tpu.memory_space<vmem>>) target_semaphore(%arg21 : memref<!tpu.dma_semaphore, #tpu.memory_space<semaphore_mem>>)
    %broadcast_in_dim3A = arith.constant 0.000000e+00 : bf16
    %broadcast_in_dim3A_1142 = vector.broadcast %broadcast_in_dim3A : bf16 to vector<16x4096xbf16>
    %swap3A_1143 = arith.constant 0 : index
    %swap3A_1144 = arith.constant 0 : index
    %swap3A_1145 = vector.load %arg8[%swap3A_1143, %swap3A_1144] : memref<16x4096xbf16, #tpu.memory_space<vmem>>, vector<16x4096xbf16>
    tpu.vector_store %arg8[%swap3A_1143, %swap3A_1144], %broadcast_in_dim3A_1142 {strides = array<i32>} : memref<16x4096xbf16, #tpu.memory_space<vmem>>, vector<16x4096xbf16>,
    %broadcast_in_dim3A_1146 = arith.constant 0.000000e+00 : f32
    %broadcast_in_dim3A_1147 = vector.broadcast %broadcast_in_dim3A_1146 : f32 to vector<16x4096xf32>
    %swap3A_1148 = arith.constant 0 : index
    %swap3A_1149 = arith.constant 0 : index
    %swap3A_1150 = vector.load %arg9[%swap3A_1148, %swap3A_1149] : memref<16x4096xf32, #tpu.memory_space<vmem>>, vector<16x4096xf32>
    tpu.vector_store %arg9[%swap3A_1148, %swap3A_1149], %broadcast_in_dim3A_1147 {strides = array<i32>} : memref<16x4096xf32, #tpu.memory_space<vmem>>, vector<16x4096xf32>,
    %broadcast_in_dim3A_1151 = arith.constant 0.000000e+00 : f32
    %broadcast_in_dim3A_1152 = vector.broadcast %broadcast_in_dim3A_1151 : f32 to vector<16x4096xf32>
    %swap3A_1153 = arith.constant 0 : index
    %swap3A_1154 = arith.constant 0 : index
    %swap3A_1155 = vector.load %arg10[%swap3A_1153, %swap3A_1154] : memref<16x4096xf32, #tpu.memory_space<vmem>>, vector<16x4096xf32>
    tpu.vector_store %arg10[%swap3A_1153, %swap3A_1154], %broadcast_in_dim3A_1152 {strides = array<i32>} : memref<16x4096xf32, #tpu.memory_space<vmem>>, vector<16x4096xf32>,
    %get3A_1156 = arith.constant 0 : index
    %get3A_1157 = arith.constant 0 : index
    %get3A_1158 = vector.load %arg9[%get3A_1156, %get3A_1157] : memref<16x4096xf32, #tpu.memory_space<vmem>>, vector<16x4096xf32>
    %get3A_1159 = arith.constant 0 : index
    %get3A_1160 = arith.constant 0 : index
    %get3A_1161 = vector.load %arg10[%get3A_1159, %get3A_1160] : memref<16x4096xf32, #tpu.memory_space<vmem>>, vector<16x4096xf32>
    %sub3A = arith.constant 0.000000e+00 : f32
    %sub3A_1162 = vector.broadcast %sub3A : f32 to vector<16x4096xf32>
    %sub3A_1163 = arith.subf %sub3A_1162, %get3A_1158 : vector<16x4096xf32>
    %add3A = arith.addf %sub3A_1163, %get3A_1161 : vector<16x4096xf32>
    %mul3A = arith.constant 1.000000e-01 : f32
    %mul3A_1164 = vector.broadcast %mul3A : f32 to vector<16x4096xf32>
    %mul3A_1165 = arith.mulf %mul3A_1164, %add3A : vector<16x4096xf32>
    %add3A_1166 = arith.addf %get3A_1158, %mul3A_1165 : vector<16x4096xf32>
    %mul3A_1167 = arith.constant 2.000000e-01 : f32
    %mul3A_1168 = vector.broadcast %mul3A_1167 : f32 to vector<16x4096xf32>
    %mul3A_1169 = arith.mulf %mul3A_1168, %get3A_1161 : vector<16x4096xf32>
    %sub3A_1170 = arith.subf %get3A_1161, %mul3A_1169 : vector<16x4096xf32>
    %sub3A_1171 = arith.constant 5.000000e-01 : f32
    %sub3A_1172 = vector.broadcast %sub3A_1171 : f32 to vector<16x4096xf32>
    %sub3A_1173 = arith.subf %add3A_1166, %sub3A_1172 : vector<16x4096xf32>
    %gt3A = arith.constant 0.000000e+00 : f32
    %gt3A_1174 = vector.broadcast %gt3A : f32 to vector<16x4096xf32>
    %gt3A_1175 = arith.cmpf ogt, %sub3A_1173, %gt3A_1174 : vector<16x4096xf32>
    %convert_element_type3A_1176 = arith.extui %gt3A_1175 : vector<16x4096xi1> to vector<16x4096xi32>
    %convert_element_type3A_1177 = arith.sitofp %convert_element_type3A_1176 : vector<16x4096xi32> to vector<16x4096xf32>
    %sub3A_1178 = arith.constant 1.000000e+00 : f32
    %sub3A_1179 = vector.broadcast %sub3A_1178 : f32 to vector<16x4096xf32>
    %sub3A_1180 = arith.subf %sub3A_1179, %convert_element_type3A_1177 : vector<16x4096xf32>
    %mul3A_1181 = arith.mulf %sub3A_1180, %add3A_1166 : vector<16x4096xf32>
    %swap3A_1182 = arith.constant 0 : index
    %swap3A_1183 = arith.constant 0 : index
    %swap3A_1184 = vector.load %arg9[%swap3A_1182, %swap3A_1183] : memref<16x4096xf32, #tpu.memory_space<vmem>>, vector<16x4096xf32>
    tpu.vector_store %arg9[%swap3A_1182, %swap3A_1183], %mul3A_1181 {strides = array<i32>} : memref<16x4096xf32, #tpu.memory_space<vmem>>, vector<16x4096xf32>,
    %get3A_1185 = arith.constant 0 : index
    %get3A_1186 = arith.constant 0 : index
    %get3A_1187 = vector.load %arg5[%get3A_1185, %get3A_1186] : memref<496x4096xf32, #tpu.memory_space<vmem>>, vector<16x4096xf32>
    %add3A_1188 = arith.addf %sub3A_1170, %get3A_1187 : vector<16x4096xf32>
    %swap3A_1189 = arith.constant 0 : index
    %swap3A_1190 = arith.constant 0 : index
    %swap3A_1191 = vector.load %arg10[%swap3A_1189, %swap3A_1190] : memref<16x4096xf32, #tpu.memory_space<vmem>>, vector<16x4096xf32>
    tpu.vector_store %arg10[%swap3A_1189, %swap3A_1190], %add3A_1188 {strides = array<i32>} : memref<16x4096xf32, #tpu.memory_space<vmem>>, vector<16x4096xf32>,
    %convert_element_type3A_1192 = arith.truncf %convert_element_type3A_1177 : vector<16x4096xf32> to vector<16x4096xbf16>
    %swap3A_1193 = arith.constant 0 : index
    %swap3A_1194 = arith.constant 0 : index
    %swap3A_1195 = vector.load %arg8[%swap3A_1193, %swap3A_1194] : memref<16x4096xbf16, #tpu.memory_space<vmem>>, vector<16x4096xbf16>
    tpu.vector_store %arg8[%swap3A_1193, %swap3A_1194], %convert_element_type3A_1192 {strides = array<i32>} : memref<16x4096xbf16, #tpu.memory_space<vmem>>, vector<16x4096xbf16>,
    %swap3A_1196 = arith.constant 0 : index
    %swap3A_1197 = arith.constant 0 : index
    %swap3A_1198 = vector.load %arg7[%swap3A_1196, %swap3A_1197] : memref<496x4096xbf16, #tpu.memory_space<vmem>>, vector<16x4096xbf16>
    tpu.vector_store %arg7[%swap3A_1196, %swap3A_1197], %convert_element_type3A_1192 {strides = array<i32>} : memref<496x4096xbf16, #tpu.memory_space<vmem>>, vector<16x4096xbf16>,
    %get3A_1199 = arith.constant 0 : index
    %get3A_1200 = arith.constant 0 : index
    %get3A_1201 = vector.load %arg9[%get3A_1199, %get3A_1200] : memref<16x4096xf32, #tpu.memory_space<vmem>>, vector<16x4096xf32>
    %get3A_1202 = arith.constant 0 : index
    %get3A_1203 = arith.constant 0 : index
    %get3A_1204 = vector.load %arg10[%get3A_1202, %get3A_1203] : memref<16x4096xf32, #tpu.memory_space<vmem>>, vector<16x4096xf32>
    %sub3A_1205 = arith.constant 0.000000e+00 : f32
    %sub3A_1206 = vector.broadcast %sub3A_1205 : f32 to vector<16x4096xf32>
    %sub3A_1207 = arith.subf %sub3A_1206, %get3A_1201 : vector<16x4096xf32>
    %add3A_1208 = arith.addf %sub3A_1207, %get3A_1204 : vector<16x4096xf32>
    %mul3A_1209 = arith.constant 1.000000e-01 : f32
    %mul3A_1210 = vector.broadcast %mul3A_1209 : f32 to vector<16x4096xf32>
    %mul3A_1211 = arith.mulf %mul3A_1210, %add3A_1208 : vector<16x4096xf32>
    %add3A_1212 = arith.addf %get3A_1201, %mul3A_1211 : vector<16x4096xf32>
    %mul3A_1213 = arith.constant 2.000000e-01 : f32
    %mul3A_1214 = vector.broadcast %mul3A_1213 : f32 to vector<16x4096xf32>
    %mul3A_1215 = arith.mulf %mul3A_1214, %get3A_1204 : vector<16x4096xf32>
    %sub3A_1216 = arith.subf %get3A_1204, %mul3A_1215 : vector<16x4096xf32>
    %sub3A_1217 = arith.constant 5.000000e-01 : f32
    %sub3A_1218 = vector.broadcast %sub3A_1217 : f32 to vector<16x4096xf32>
    %sub3A_1219 = arith.subf %add3A_1212, %sub3A_1218 : vector<16x4096xf32>
    %gt3A_1220 = arith.constant 0.000000e+00 : f32
    %gt3A_1221 = vector.broadcast %gt3A_1220 : f32 to vector<16x4096xf32>
    %gt3A_1222 = arith.cmpf ogt, %sub3A_1219, %gt3A_1221 : vector<16x4096xf32>
    %convert_element_type3A_1223 = arith.extui %gt3A_1222 : vector<16x4096xi1> to vector<16x4096xi32>
    %convert_element_type3A_1224 = arith.sitofp %convert_element_type3A_1223 : vector<16x4096xi32> to vector<16x4096xf32>
    %sub3A_1225 = arith.constant 1.000000e+00 : f32
    %sub3A_1226 = vector.broadcast %sub3A_1225 : f32 to vector<16x4096xf32>
    %sub3A_1227 = arith.subf %sub3A_1226, %convert_element_type3A_1224 : vector<16x4096xf32>
    %mul3A_1228 = arith.mulf %sub3A_1227, %add3A_1212 : vector<16x4096xf32>
    %swap3A_1229 = arith.constant 0 : index
    %swap3A_1230 = arith.constant 0 : index
    %swap3A_1231 = vector.load %arg9[%swap3A_1229, %swap3A_1230] : memref<16x4096xf32, #tpu.memory_space<vmem>>, vector<16x4096xf32>
    tpu.vector_store %arg9[%swap3A_1229, %swap3A_1230], %mul3A_1228 {strides = array<i32>} : memref<16x4096xf32, #tpu.memory_space<vmem>>, vector<16x4096xf32>,
    %get3A_1232 = arith.constant 16 : index
    %get3A_1233 = arith.constant 0 : index
    %get3A_1234 = vector.load %arg5[%get3A_1232, %get3A_1233] : memref<496x4096xf32, #tpu.memory_space<vmem>>, vector<16x4096xf32>
    %add3A_1235 = arith.addf %sub3A_1216, %get3A_1234 : vector<16x4096xf32>
    %swap3A_1236 = arith.constant 0 : index
    %swap3A_1237 = arith.constant 0 : index
    %swap3A_1238 = vector.load %arg10[%swap3A_1236, %swap3A_1237] : memref<16x4096xf32, #tpu.memory_space<vmem>>, vector<16x4096xf32>
    tpu.vector_store %arg10[%swap3A_1236, %swap3A_1237], %add3A_1235 {strides = array<i32>} : memref<16x4096xf32, #tpu.memory_space<vmem>>, vector<16x4096xf32>,
    %convert_element_type3A_1239 = arith.truncf %convert_element_type3A_1224 : vector<16x4096xf32> to vector<16x4096xbf16>
    %swap3A_1240 = arith.constant 0 : index
    %swap3A_1241 = arith.constant 0 : index
    %swap3A_1242 = vector.load %arg8[%swap3A_1240, %swap3A_1241] : memref<16x4096xbf16, #tpu.memory_space<vmem>>, vector<16x4096xbf16>
    tpu.vector_store %arg8[%swap3A_1240, %swap3A_1241], %convert_element_type3A_1239 {strides = array<i32>} : memref<16x4096xbf16, #tpu.memory_space<vmem>>, vector<16x4096xbf16>,
    %swap3A_1243 = arith.constant 16 : index
    %swap3A_1244 = arith.constant 0 : index
    %swap3A_1245 = vector.load %arg7[%swap3A_1243, %swap3A_1244] : memref<496x4096xbf16, #tpu.memory_space<vmem>>, vector<16x4096xbf16>
    tpu.vector_store %arg7[%swap3A_1243, %swap3A_1244], %convert_element_type3A_1239 {strides = array<i32>} : memref<496x4096xbf16, #tpu.memory_space<vmem>>, vector<16x4096xbf16>,
    %dma_wait3A_1246 = arith.constant 2048 : i32
    %dma_wait3A_1247 = arith.constant 0 : i32
    %dma_wait3A_1248 = tpu.memref_slice %arg2[%dma_wait3A_1246, %dma_wait3A_1247] : memref<4096x4096xf32, #tpu.memory_space<hbm>> -> memref<128x4096xf32, #tpu.memory_space<hbm>>
    tpu.wait_dma2 semaphore(%arg20 : memref<!tpu.dma_semaphore, #tpu.memory_space<semaphore_mem>>) src(%dma_wait3A_1248 : memref<128x4096xf32, #tpu.memory_space<hbm>>) dst(%arg14 : memref<128x4096xf32, #tpu.memory_space<vmem>>)
    %get3A_1249 = arith.constant 0 : index
    %get3A_1250 = arith.constant 0 : index
    %get3A_1251 = vector.load %arg14[%get3A_1249, %get3A_1250] : memref<128x4096xf32, #tpu.memory_space<vmem>>, vector<128x1024xf32>
    %convert_element_type3A_1252 = arith.truncf %get3A_1251 : vector<128x1024xf32> to vector<128x1024xbf16>
    %transpose3A_1253 = tpu.transpose %convert_element_type3A_1252, [1, 0] : vector<128x1024xbf16> -> vector<1024x128xbf16>
    %swap3A_1254 = arith.constant 0 : index
    %swap3A_1255 = arith.constant 2048 : index
    %swap3A_1256 = vector.load %arg6[%swap3A_1254, %swap3A_1255] : memref<4096x4096xbf16, #tpu.memory_space<vmem>>, vector<1024x128xbf16>
    tpu.vector_store %arg6[%swap3A_1254, %swap3A_1255], %transpose3A_1253 {strides = array<i32>} : memref<4096x4096xbf16, #tpu.memory_space<vmem>>, vector<1024x128xbf16>,
    %get3A_1257 = arith.constant 0 : index
    %get3A_1258 = arith.constant 1024 : index
    %get3A_1259 = vector.load %arg14[%get3A_1257, %get3A_1258] : memref<128x4096xf32, #tpu.memory_space<vmem>>, vector<128x1024xf32>
    %convert_element_type3A_1260 = arith.truncf %get3A_1259 : vector<128x1024xf32> to vector<128x1024xbf16>
    %transpose3A_1261 = tpu.transpose %convert_element_type3A_1260, [1, 0] : vector<128x1024xbf16> -> vector<1024x128xbf16>
    %swap3A_1262 = arith.constant 1024 : index
    %swap3A_1263 = arith.constant 2048 : index
    %swap3A_1264 = vector.load %arg6[%swap3A_1262, %swap3A_1263] : memref<4096x4096xbf16, #tpu.memory_space<vmem>>, vector<1024x128xbf16>
    tpu.vector_store %arg6[%swap3A_1262, %swap3A_1263], %transpose3A_1261 {strides = array<i32>} : memref<4096x4096xbf16, #tpu.memory_space<vmem>>, vector<1024x128xbf16>,
    %get3A_1265 = arith.constant 0 : index
    %get3A_1266 = arith.constant 2048 : index
    %get3A_1267 = vector.load %arg14[%get3A_1265, %get3A_1266] : memref<128x4096xf32, #tpu.memory_space<vmem>>, vector<128x1024xf32>
    %convert_element_type3A_1268 = arith.truncf %get3A_1267 : vector<128x1024xf32> to vector<128x1024xbf16>
    %transpose3A_1269 = tpu.transpose %convert_element_type3A_1268, [1, 0] : vector<128x1024xbf16> -> vector<1024x128xbf16>
    %swap3A_1270 = arith.constant 2048 : index
    %swap3A_1271 = arith.constant 2048 : index
    %swap3A_1272 = vector.load %arg6[%swap3A_1270, %swap3A_1271] : memref<4096x4096xbf16, #tpu.memory_space<vmem>>, vector<1024x128xbf16>
    tpu.vector_store %arg6[%swap3A_1270, %swap3A_1271], %transpose3A_1269 {strides = array<i32>} : memref<4096x4096xbf16, #tpu.memory_space<vmem>>, vector<1024x128xbf16>,
    %get3A_1273 = arith.constant 0 : index
    %get3A_1274 = arith.constant 3072 : index
    %get3A_1275 = vector.load %arg14[%get3A_1273, %get3A_1274] : memref<128x4096xf32, #tpu.memory_space<vmem>>, vector<128x1024xf32>
    %convert_element_type3A_1276 = arith.truncf %get3A_1275 : vector<128x1024xf32> to vector<128x1024xbf16>
    %transpose3A_1277 = tpu.transpose %convert_element_type3A_1276, [1, 0] : vector<128x1024xbf16> -> vector<1024x128xbf16>
    %swap3A_1278 = arith.constant 3072 : index
    %swap3A_1279 = arith.constant 2048 : index
    %swap3A_1280 = vector.load %arg6[%swap3A_1278, %swap3A_1279] : memref<4096x4096xbf16, #tpu.memory_space<vmem>>, vector<1024x128xbf16>
    tpu.vector_store %arg6[%swap3A_1278, %swap3A_1279], %transpose3A_1277 {strides = array<i32>} : memref<4096x4096xbf16, #tpu.memory_space<vmem>>, vector<1024x128xbf16>,
    %dma_start3A_1281 = arith.constant 2304 : i32
    %dma_start3A_1282 = arith.constant 0 : i32
    %dma_start3A_1283 = tpu.memref_slice %arg2[%dma_start3A_1281, %dma_start3A_1282] : memref<4096x4096xf32, #tpu.memory_space<hbm>> -> memref<128x4096xf32, #tpu.memory_space<hbm>>
    tpu.enqueue_dma source(%dma_start3A_1283 : memref<128x4096xf32, #tpu.memory_space<hbm>>) target(%arg14 : memref<128x4096xf32, #tpu.memory_space<vmem>>) target_semaphore(%arg20 : memref<!tpu.dma_semaphore, #tpu.memory_space<semaphore_mem>>)
    %dma_wait3A_1284 = arith.constant 2176 : i32
    %dma_wait3A_1285 = arith.constant 0 : i32
    %dma_wait3A_1286 = tpu.memref_slice %arg2[%dma_wait3A_1284, %dma_wait3A_1285] : memref<4096x4096xf32, #tpu.memory_space<hbm>> -> memref<128x4096xf32, #tpu.memory_space<hbm>>
    tpu.wait_dma2 semaphore(%arg21 : memref<!tpu.dma_semaphore, #tpu.memory_space<semaphore_mem>>) src(%dma_wait3A_1286 : memref<128x4096xf32, #tpu.memory_space<hbm>>) dst(%arg15 : memref<128x4096xf32, #tpu.memory_space<vmem>>)
    %get3A_1287 = arith.constant 0 : index
    %get3A_1288 = arith.constant 0 : index
    %get3A_1289 = vector.load %arg15[%get3A_1287, %get3A_1288] : memref<128x4096xf32, #tpu.memory_space<vmem>>, vector<128x1024xf32>
    %convert_element_type3A_1290 = arith.truncf %get3A_1289 : vector<128x1024xf32> to vector<128x1024xbf16>
    %transpose3A_1291 = tpu.transpose %convert_element_type3A_1290, [1, 0] : vector<128x1024xbf16> -> vector<1024x128xbf16>
    %swap3A_1292 = arith.constant 0 : index
    %swap3A_1293 = arith.constant 2176 : index
    %swap3A_1294 = vector.load %arg6[%swap3A_1292, %swap3A_1293] : memref<4096x4096xbf16, #tpu.memory_space<vmem>>, vector<1024x128xbf16>
    tpu.vector_store %arg6[%swap3A_1292, %swap3A_1293], %transpose3A_1291 {strides = array<i32>} : memref<4096x4096xbf16, #tpu.memory_space<vmem>>, vector<1024x128xbf16>,
    %get3A_1295 = arith.constant 0 : index
    %get3A_1296 = arith.constant 1024 : index
    %get3A_1297 = vector.load %arg15[%get3A_1295, %get3A_1296] : memref<128x4096xf32, #tpu.memory_space<vmem>>, vector<128x1024xf32>
    %convert_element_type3A_1298 = arith.truncf %get3A_1297 : vector<128x1024xf32> to vector<128x1024xbf16>
    %transpose3A_1299 = tpu.transpose %convert_element_type3A_1298, [1, 0] : vector<128x1024xbf16> -> vector<1024x128xbf16>
    %swap3A_1300 = arith.constant 1024 : index
    %swap3A_1301 = arith.constant 2176 : index
    %swap3A_1302 = vector.load %arg6[%swap3A_1300, %swap3A_1301] : memref<4096x4096xbf16, #tpu.memory_space<vmem>>, vector<1024x128xbf16>
    tpu.vector_store %arg6[%swap3A_1300, %swap3A_1301], %transpose3A_1299 {strides = array<i32>} : memref<4096x4096xbf16, #tpu.memory_space<vmem>>, vector<1024x128xbf16>,
    %get3A_1303 = arith.constant 0 : index
    %get3A_1304 = arith.constant 2048 : index
    %get3A_1305 = vector.load %arg15[%get3A_1303, %get3A_1304] : memref<128x4096xf32, #tpu.memory_space<vmem>>, vector<128x1024xf32>
    %convert_element_type3A_1306 = arith.truncf %get3A_1305 : vector<128x1024xf32> to vector<128x1024xbf16>
    %transpose3A_1307 = tpu.transpose %convert_element_type3A_1306, [1, 0] : vector<128x1024xbf16> -> vector<1024x128xbf16>
    %swap3A_1308 = arith.constant 2048 : index
    %swap3A_1309 = arith.constant 2176 : index
    %swap3A_1310 = vector.load %arg6[%swap3A_1308, %swap3A_1309] : memref<4096x4096xbf16, #tpu.memory_space<vmem>>, vector<1024x128xbf16>
    tpu.vector_store %arg6[%swap3A_1308, %swap3A_1309], %transpose3A_1307 {strides = array<i32>} : memref<4096x4096xbf16, #tpu.memory_space<vmem>>, vector<1024x128xbf16>,
    %get3A_1311 = arith.constant 0 : index
    %get3A_1312 = arith.constant 3072 : index
    %get3A_1313 = vector.load %arg15[%get3A_1311, %get3A_1312] : memref<128x4096xf32, #tpu.memory_space<vmem>>, vector<128x1024xf32>
    %convert_element_type3A_1314 = arith.truncf %get3A_1313 : vector<128x1024xf32> to vector<128x1024xbf16>
    %transpose3A_1315 = tpu.transpose %convert_element_type3A_1314, [1, 0] : vector<128x1024xbf16> -> vector<1024x128xbf16>
    %swap3A_1316 = arith.constant 3072 : index
    %swap3A_1317 = arith.constant 2176 : index
    %swap3A_1318 = vector.load %arg6[%swap3A_1316, %swap3A_1317] : memref<4096x4096xbf16, #tpu.memory_space<vmem>>, vector<1024x128xbf16>
    tpu.vector_store %arg6[%swap3A_1316, %swap3A_1317], %transpose3A_1315 {strides = array<i32>} : memref<4096x4096xbf16, #tpu.memory_space<vmem>>, vector<1024x128xbf16>,
    %dma_start3A_1319 = arith.constant 2432 : i32
    %dma_start3A_1320 = arith.constant 0 : i32
    %dma_start3A_1321 = tpu.memref_slice %arg2[%dma_start3A_1319, %dma_start3A_1320] : memref<4096x4096xf32, #tpu.memory_space<hbm>> -> memref<128x4096xf32, #tpu.memory_space<hbm>>
    tpu.enqueue_dma source(%dma_start3A_1321 : memref<128x4096xf32, #tpu.memory_space<hbm>>) target(%arg15 : memref<128x4096xf32, #tpu.memory_space<vmem>>) target_semaphore(%arg21 : memref<!tpu.dma_semaphore, #tpu.memory_space<semaphore_mem>>)
    %dma_wait3A_1322 = arith.constant 2304 : i32
    %dma_wait3A_1323 = arith.constant 0 : i32
    %dma_wait3A_1324 = tpu.memref_slice %arg2[%dma_wait3A_1322, %dma_wait3A_1323] : memref<4096x4096xf32, #tpu.memory_space<hbm>> -> memref<128x4096xf32, #tpu.memory_space<hbm>>
    tpu.wait_dma2 semaphore(%arg20 : memref<!tpu.dma_semaphore, #tpu.memory_space<semaphore_mem>>) src(%dma_wait3A_1324 : memref<128x4096xf32, #tpu.memory_space<hbm>>) dst(%arg14 : memref<128x4096xf32, #tpu.memory_space<vmem>>)
    %get3A_1325 = arith.constant 0 : index
    %get3A_1326 = arith.constant 0 : index
    %get3A_1327 = vector.load %arg14[%get3A_1325, %get3A_1326] : memref<128x4096xf32, #tpu.memory_space<vmem>>, vector<128x1024xf32>
    %convert_element_type3A_1328 = arith.truncf %get3A_1327 : vector<128x1024xf32> to vector<128x1024xbf16>
    %transpose3A_1329 = tpu.transpose %convert_element_type3A_1328, [1, 0] : vector<128x1024xbf16> -> vector<1024x128xbf16>
    %swap3A_1330 = arith.constant 0 : index
    %swap3A_1331 = arith.constant 2304 : index
    %swap3A_1332 = vector.load %arg6[%swap3A_1330, %swap3A_1331] : memref<4096x4096xbf16, #tpu.memory_space<vmem>>, vector<1024x128xbf16>
    tpu.vector_store %arg6[%swap3A_1330, %swap3A_1331], %transpose3A_1329 {strides = array<i32>} : memref<4096x4096xbf16, #tpu.memory_space<vmem>>, vector<1024x128xbf16>,
    %get3A_1333 = arith.constant 0 : index
    %get3A_1334 = arith.constant 1024 : index
    %get3A_1335 = vector.load %arg14[%get3A_1333, %get3A_1334] : memref<128x4096xf32, #tpu.memory_space<vmem>>, vector<128x1024xf32>
    %convert_element_type3A_1336 = arith.truncf %get3A_1335 : vector<128x1024xf32> to vector<128x1024xbf16>
    %transpose3A_1337 = tpu.transpose %convert_element_type3A_1336, [1, 0] : vector<128x1024xbf16> -> vector<1024x128xbf16>
    %swap3A_1338 = arith.constant 1024 : index
    %swap3A_1339 = arith.constant 2304 : index
    %swap3A_1340 = vector.load %arg6[%swap3A_1338, %swap3A_1339] : memref<4096x4096xbf16, #tpu.memory_space<vmem>>, vector<1024x128xbf16>
    tpu.vector_store %arg6[%swap3A_1338, %swap3A_1339], %transpose3A_1337 {strides = array<i32>} : memref<4096x4096xbf16, #tpu.memory_space<vmem>>, vector<1024x128xbf16>,
    %get3A_1341 = arith.constant 0 : index
    %get3A_1342 = arith.constant 2048 : index
    %get3A_1343 = vector.load %arg14[%get3A_1341, %get3A_1342] : memref<128x4096xf32, #tpu.memory_space<vmem>>, vector<128x1024xf32>
    %convert_element_type3A_1344 = arith.truncf %get3A_1343 : vector<128x1024xf32> to vector<128x1024xbf16>
    %transpose3A_1345 = tpu.transpose %convert_element_type3A_1344, [1, 0] : vector<128x1024xbf16> -> vector<1024x128xbf16>
    %swap3A_1346 = arith.constant 2048 : index
    %swap3A_1347 = arith.constant 2304 : index
    %swap3A_1348 = vector.load %arg6[%swap3A_1346, %swap3A_1347] : memref<4096x4096xbf16, #tpu.memory_space<vmem>>, vector<1024x128xbf16>
    tpu.vector_store %arg6[%swap3A_1346, %swap3A_1347], %transpose3A_1345 {strides = array<i32>} : memref<4096x4096xbf16, #tpu.memory_space<vmem>>, vector<1024x128xbf16>,
    %get3A_1349 = arith.constant 0 : index
    %get3A_1350 = arith.constant 3072 : index
    %get3A_1351 = vector.load %arg14[%get3A_1349, %get3A_1350] : memref<128x4096xf32, #tpu.memory_space<vmem>>, vector<128x1024xf32>
    %convert_element_type3A_1352 = arith.truncf %get3A_1351 : vector<128x1024xf32> to vector<128x1024xbf16>
    %transpose3A_1353 = tpu.transpose %convert_element_type3A_1352, [1, 0] : vector<128x1024xbf16> -> vector<1024x128xbf16>
    %swap3A_1354 = arith.constant 3072 : index
    %swap3A_1355 = arith.constant 2304 : index
    %swap3A_1356 = vector.load %arg6[%swap3A_1354, %swap3A_1355] : memref<4096x4096xbf16, #tpu.memory_space<vmem>>, vector<1024x128xbf16>
    tpu.vector_store %arg6[%swap3A_1354, %swap3A_1355], %transpose3A_1353 {strides = array<i32>} : memref<4096x4096xbf16, #tpu.memory_space<vmem>>, vector<1024x128xbf16>,
    %dma_start3A_1357 = arith.constant 2560 : i32
    %dma_start3A_1358 = arith.constant 0 : i32
    %dma_start3A_1359 = tpu.memref_slice %arg2[%dma_start3A_1357, %dma_start3A_1358] : memref<4096x4096xf32, #tpu.memory_space<hbm>> -> memref<128x4096xf32, #tpu.memory_space<hbm>>
    tpu.enqueue_dma source(%dma_start3A_1359 : memref<128x4096xf32, #tpu.memory_space<hbm>>) target(%arg14 : memref<128x4096xf32, #tpu.memory_space<vmem>>) target_semaphore(%arg20 : memref<!tpu.dma_semaphore, #tpu.memory_space<semaphore_mem>>)
    %dma_wait3A_1360 = arith.constant 2432 : i32
    %dma_wait3A_1361 = arith.constant 0 : i32
    %dma_wait3A_1362 = tpu.memref_slice %arg2[%dma_wait3A_1360, %dma_wait3A_1361] : memref<4096x4096xf32, #tpu.memory_space<hbm>> -> memref<128x4096xf32, #tpu.memory_space<hbm>>
    tpu.wait_dma2 semaphore(%arg21 : memref<!tpu.dma_semaphore, #tpu.memory_space<semaphore_mem>>) src(%dma_wait3A_1362 : memref<128x4096xf32, #tpu.memory_space<hbm>>) dst(%arg15 : memref<128x4096xf32, #tpu.memory_space<vmem>>)
    %get3A_1363 = arith.constant 0 : index
    %get3A_1364 = arith.constant 0 : index
    %get3A_1365 = vector.load %arg15[%get3A_1363, %get3A_1364] : memref<128x4096xf32, #tpu.memory_space<vmem>>, vector<128x1024xf32>
    %convert_element_type3A_1366 = arith.truncf %get3A_1365 : vector<128x1024xf32> to vector<128x1024xbf16>
    %transpose3A_1367 = tpu.transpose %convert_element_type3A_1366, [1, 0] : vector<128x1024xbf16> -> vector<1024x128xbf16>
    %swap3A_1368 = arith.constant 0 : index
    %swap3A_1369 = arith.constant 2432 : index
    %swap3A_1370 = vector.load %arg6[%swap3A_1368, %swap3A_1369] : memref<4096x4096xbf16, #tpu.memory_space<vmem>>, vector<1024x128xbf16>
    tpu.vector_store %arg6[%swap3A_1368, %swap3A_1369], %transpose3A_1367 {strides = array<i32>} : memref<4096x4096xbf16, #tpu.memory_space<vmem>>, vector<1024x128xbf16>,
    %get3A_1371 = arith.constant 0 : index
    %get3A_1372 = arith.constant 1024 : index
    %get3A_1373 = vector.load %arg15[%get3A_1371, %get3A_1372] : memref<128x4096xf32, #tpu.memory_space<vmem>>, vector<128x1024xf32>
    %convert_element_type3A_1374 = arith.truncf %get3A_1373 : vector<128x1024xf32> to vector<128x1024xbf16>
    %transpose3A_1375 = tpu.transpose %convert_element_type3A_1374, [1, 0] : vector<128x1024xbf16> -> vector<1024x128xbf16>
    %swap3A_1376 = arith.constant 1024 : index
    %swap3A_1377 = arith.constant 2432 : index
    %swap3A_1378 = vector.load %arg6[%swap3A_1376, %swap3A_1377] : memref<4096x4096xbf16, #tpu.memory_space<vmem>>, vector<1024x128xbf16>
    tpu.vector_store %arg6[%swap3A_1376, %swap3A_1377], %transpose3A_1375 {strides = array<i32>} : memref<4096x4096xbf16, #tpu.memory_space<vmem>>, vector<1024x128xbf16>,
    %get3A_1379 = arith.constant 0 : index
    %get3A_1380 = arith.constant 2048 : index
    %get3A_1381 = vector.load %arg15[%get3A_1379, %get3A_1380] : memref<128x4096xf32, #tpu.memory_space<vmem>>, vector<128x1024xf32>
    %convert_element_type3A_1382 = arith.truncf %get3A_1381 : vector<128x1024xf32> to vector<128x1024xbf16>
    %transpose3A_1383 = tpu.transpose %convert_element_type3A_1382, [1, 0] : vector<128x1024xbf16> -> vector<1024x128xbf16>
    %swap3A_1384 = arith.constant 2048 : index
    %swap3A_1385 = arith.constant 2432 : index
    %swap3A_1386 = vector.load %arg6[%swap3A_1384, %swap3A_1385] : memref<4096x4096xbf16, #tpu.memory_space<vmem>>, vector<1024x128xbf16>
    tpu.vector_store %arg6[%swap3A_1384, %swap3A_1385], %transpose3A_1383 {strides = array<i32>} : memref<4096x4096xbf16, #tpu.memory_space<vmem>>, vector<1024x128xbf16>,
    %get3A_1387 = arith.constant 0 : index
    %get3A_1388 = arith.constant 3072 : index
    %get3A_1389 = vector.load %arg15[%get3A_1387, %get3A_1388] : memref<128x4096xf32, #tpu.memory_space<vmem>>, vector<128x1024xf32>
    %convert_element_type3A_1390 = arith.truncf %get3A_1389 : vector<128x1024xf32> to vector<128x1024xbf16>
    %transpose3A_1391 = tpu.transpose %convert_element_type3A_1390, [1, 0] : vector<128x1024xbf16> -> vector<1024x128xbf16>
    %swap3A_1392 = arith.constant 3072 : index
    %swap3A_1393 = arith.constant 2432 : index
    %swap3A_1394 = vector.load %arg6[%swap3A_1392, %swap3A_1393] : memref<4096x4096xbf16, #tpu.memory_space<vmem>>, vector<1024x128xbf16>
    tpu.vector_store %arg6[%swap3A_1392, %swap3A_1393], %transpose3A_1391 {strides = array<i32>} : memref<4096x4096xbf16, #tpu.memory_space<vmem>>, vector<1024x128xbf16>,
    %dma_start3A_1395 = arith.constant 2688 : i32
    %dma_start3A_1396 = arith.constant 0 : i32
    %dma_start3A_1397 = tpu.memref_slice %arg2[%dma_start3A_1395, %dma_start3A_1396] : memref<4096x4096xf32, #tpu.memory_space<hbm>> -> memref<128x4096xf32, #tpu.memory_space<hbm>>
    tpu.enqueue_dma source(%dma_start3A_1397 : memref<128x4096xf32, #tpu.memory_space<hbm>>) target(%arg15 : memref<128x4096xf32, #tpu.memory_space<vmem>>) target_semaphore(%arg21 : memref<!tpu.dma_semaphore, #tpu.memory_space<semaphore_mem>>)
    %dma_wait3A_1398 = arith.constant 2560 : i32
    %dma_wait3A_1399 = arith.constant 0 : i32
    %dma_wait3A_1400 = tpu.memref_slice %arg2[%dma_wait3A_1398, %dma_wait3A_1399] : memref<4096x4096xf32, #tpu.memory_space<hbm>> -> memref<128x4096xf32, #tpu.memory_space<hbm>>
    tpu.wait_dma2 semaphore(%arg20 : memref<!tpu.dma_semaphore, #tpu.memory_space<semaphore_mem>>) src(%dma_wait3A_1400 : memref<128x4096xf32, #tpu.memory_space<hbm>>) dst(%arg14 : memref<128x4096xf32, #tpu.memory_space<vmem>>)
    %get3A_1401 = arith.constant 0 : index
    %get3A_1402 = arith.constant 0 : index
    %get3A_1403 = vector.load %arg14[%get3A_1401, %get3A_1402] : memref<128x4096xf32, #tpu.memory_space<vmem>>, vector<128x1024xf32>
    %convert_element_type3A_1404 = arith.truncf %get3A_1403 : vector<128x1024xf32> to vector<128x1024xbf16>
    %transpose3A_1405 = tpu.transpose %convert_element_type3A_1404, [1, 0] : vector<128x1024xbf16> -> vector<1024x128xbf16>
    %swap3A_1406 = arith.constant 0 : index
    %swap3A_1407 = arith.constant 2560 : index
    %swap3A_1408 = vector.load %arg6[%swap3A_1406, %swap3A_1407] : memref<4096x4096xbf16, #tpu.memory_space<vmem>>, vector<1024x128xbf16>
    tpu.vector_store %arg6[%swap3A_1406, %swap3A_1407], %transpose3A_1405 {strides = array<i32>} : memref<4096x4096xbf16, #tpu.memory_space<vmem>>, vector<1024x128xbf16>,
    %get3A_1409 = arith.constant 0 : index
    %get3A_1410 = arith.constant 1024 : index
    %get3A_1411 = vector.load %arg14[%get3A_1409, %get3A_1410] : memref<128x4096xf32, #tpu.memory_space<vmem>>, vector<128x1024xf32>
    %convert_element_type3A_1412 = arith.truncf %get3A_1411 : vector<128x1024xf32> to vector<128x1024xbf16>
    %transpose3A_1413 = tpu.transpose %convert_element_type3A_1412, [1, 0] : vector<128x1024xbf16> -> vector<1024x128xbf16>
    %swap3A_1414 = arith.constant 1024 : index
    %swap3A_1415 = arith.constant 2560 : index
    %swap3A_1416 = vector.load %arg6[%swap3A_1414, %swap3A_1415] : memref<4096x4096xbf16, #tpu.memory_space<vmem>>, vector<1024x128xbf16>
    tpu.vector_store %arg6[%swap3A_1414, %swap3A_1415], %transpose3A_1413 {strides = array<i32>} : memref<4096x4096xbf16, #tpu.memory_space<vmem>>, vector<1024x128xbf16>,
    %get3A_1417 = arith.constant 0 : index
    %get3A_1418 = arith.constant 2048 : index
    %get3A_1419 = vector.load %arg14[%get3A_1417, %get3A_1418] : memref<128x4096xf32, #tpu.memory_space<vmem>>, vector<128x1024xf32>
    %convert_element_type3A_1420 = arith.truncf %get3A_1419 : vector<128x1024xf32> to vector<128x1024xbf16>
    %transpose3A_1421 = tpu.transpose %convert_element_type3A_1420, [1, 0] : vector<128x1024xbf16> -> vector<1024x128xbf16>
    %swap3A_1422 = arith.constant 2048 : index
    %swap3A_1423 = arith.constant 2560 : index
    %swap3A_1424 = vector.load %arg6[%swap3A_1422, %swap3A_1423] : memref<4096x4096xbf16, #tpu.memory_space<vmem>>, vector<1024x128xbf16>
    tpu.vector_store %arg6[%swap3A_1422, %swap3A_1423], %transpose3A_1421 {strides = array<i32>} : memref<4096x4096xbf16, #tpu.memory_space<vmem>>, vector<1024x128xbf16>,
    %get3A_1425 = arith.constant 0 : index
    %get3A_1426 = arith.constant 3072 : index
    %get3A_1427 = vector.load %arg14[%get3A_1425, %get3A_1426] : memref<128x4096xf32, #tpu.memory_space<vmem>>, vector<128x1024xf32>
    %convert_element_type3A_1428 = arith.truncf %get3A_1427 : vector<128x1024xf32> to vector<128x1024xbf16>
    %transpose3A_1429 = tpu.transpose %convert_element_type3A_1428, [1, 0] : vector<128x1024xbf16> -> vector<1024x128xbf16>
    %swap3A_1430 = arith.constant 3072 : index
    %swap3A_1431 = arith.constant 2560 : index
    %swap3A_1432 = vector.load %arg6[%swap3A_1430, %swap3A_1431] : memref<4096x4096xbf16, #tpu.memory_space<vmem>>, vector<1024x128xbf16>
    tpu.vector_store %arg6[%swap3A_1430, %swap3A_1431], %transpose3A_1429 {strides = array<i32>} : memref<4096x4096xbf16, #tpu.memory_space<vmem>>, vector<1024x128xbf16>,
    %dma_start3A_1433 = arith.constant 2816 : i32
    %dma_start3A_1434 = arith.constant 0 : i32
    %dma_start3A_1435 = tpu.memref_slice %arg2[%dma_start3A_1433, %dma_start3A_1434] : memref<4096x4096xf32, #tpu.memory_space<hbm>> -> memref<128x4096xf32, #tpu.memory_space<hbm>>
    tpu.enqueue_dma source(%dma_start3A_1435 : memref<128x4096xf32, #tpu.memory_space<hbm>>) target(%arg14 : memref<128x4096xf32, #tpu.memory_space<vmem>>) target_semaphore(%arg20 : memref<!tpu.dma_semaphore, #tpu.memory_space<semaphore_mem>>)
    %dma_wait3A_1436 = arith.constant 2688 : i32
    %dma_wait3A_1437 = arith.constant 0 : i32
    %dma_wait3A_1438 = tpu.memref_slice %arg2[%dma_wait3A_1436, %dma_wait3A_1437] : memref<4096x4096xf32, #tpu.memory_space<hbm>> -> memref<128x4096xf32, #tpu.memory_space<hbm>>
    tpu.wait_dma2 semaphore(%arg21 : memref<!tpu.dma_semaphore, #tpu.memory_space<semaphore_mem>>) src(%dma_wait3A_1438 : memref<128x4096xf32, #tpu.memory_space<hbm>>) dst(%arg15 : memref<128x4096xf32, #tpu.memory_space<vmem>>)
    %get3A_1439 = arith.constant 0 : index
    %get3A_1440 = arith.constant 0 : index
    %get3A_1441 = vector.load %arg15[%get3A_1439, %get3A_1440] : memref<128x4096xf32, #tpu.memory_space<vmem>>, vector<128x1024xf32>
    %convert_element_type3A_1442 = arith.truncf %get3A_1441 : vector<128x1024xf32> to vector<128x1024xbf16>
    %transpose3A_1443 = tpu.transpose %convert_element_type3A_1442, [1, 0] : vector<128x1024xbf16> -> vector<1024x128xbf16>
    %swap3A_1444 = arith.constant 0 : index
    %swap3A_1445 = arith.constant 2688 : index
    %swap3A_1446 = vector.load %arg6[%swap3A_1444, %swap3A_1445] : memref<4096x4096xbf16, #tpu.memory_space<vmem>>, vector<1024x128xbf16>
    tpu.vector_store %arg6[%swap3A_1444, %swap3A_1445], %transpose3A_1443 {strides = array<i32>} : memref<4096x4096xbf16, #tpu.memory_space<vmem>>, vector<1024x128xbf16>,
    %get3A_1447 = arith.constant 0 : index
    %get3A_1448 = arith.constant 1024 : index
    %get3A_1449 = vector.load %arg15[%get3A_1447, %get3A_1448] : memref<128x4096xf32, #tpu.memory_space<vmem>>, vector<128x1024xf32>
    %convert_element_type3A_1450 = arith.truncf %get3A_1449 : vector<128x1024xf32> to vector<128x1024xbf16>
    %transpose3A_1451 = tpu.transpose %convert_element_type3A_1450, [1, 0] : vector<128x1024xbf16> -> vector<1024x128xbf16>
    %swap3A_1452 = arith.constant 1024 : index
    %swap3A_1453 = arith.constant 2688 : index
    %swap3A_1454 = vector.load %arg6[%swap3A_1452, %swap3A_1453] : memref<4096x4096xbf16, #tpu.memory_space<vmem>>, vector<1024x128xbf16>
    tpu.vector_store %arg6[%swap3A_1452, %swap3A_1453], %transpose3A_1451 {strides = array<i32>} : memref<4096x4096xbf16, #tpu.memory_space<vmem>>, vector<1024x128xbf16>,
    %get3A_1455 = arith.constant 0 : index
    %get3A_1456 = arith.constant 2048 : index
    %get3A_1457 = vector.load %arg15[%get3A_1455, %get3A_1456] : memref<128x4096xf32, #tpu.memory_space<vmem>>, vector<128x1024xf32>
    %convert_element_type3A_1458 = arith.truncf %get3A_1457 : vector<128x1024xf32> to vector<128x1024xbf16>
    %transpose3A_1459 = tpu.transpose %convert_element_type3A_1458, [1, 0] : vector<128x1024xbf16> -> vector<1024x128xbf16>
    %swap3A_1460 = arith.constant 2048 : index
    %swap3A_1461 = arith.constant 2688 : index
    %swap3A_1462 = vector.load %arg6[%swap3A_1460, %swap3A_1461] : memref<4096x4096xbf16, #tpu.memory_space<vmem>>, vector<1024x128xbf16>
    tpu.vector_store %arg6[%swap3A_1460, %swap3A_1461], %transpose3A_1459 {strides = array<i32>} : memref<4096x4096xbf16, #tpu.memory_space<vmem>>, vector<1024x128xbf16>,
    %get3A_1463 = arith.constant 0 : index
    %get3A_1464 = arith.constant 3072 : index
    %get3A_1465 = vector.load %arg15[%get3A_1463, %get3A_1464] : memref<128x4096xf32, #tpu.memory_space<vmem>>, vector<128x1024xf32>
    %convert_element_type3A_1466 = arith.truncf %get3A_1465 : vector<128x1024xf32> to vector<128x1024xbf16>
    %transpose3A_1467 = tpu.transpose %convert_element_type3A_1466, [1, 0] : vector<128x1024xbf16> -> vector<1024x128xbf16>
    %swap3A_1468 = arith.constant 3072 : index
    %swap3A_1469 = arith.constant 2688 : index
    %swap3A_1470 = vector.load %arg6[%swap3A_1468, %swap3A_1469] : memref<4096x4096xbf16, #tpu.memory_space<vmem>>, vector<1024x128xbf16>
    tpu.vector_store %arg6[%swap3A_1468, %swap3A_1469], %transpose3A_1467 {strides = array<i32>} : memref<4096x4096xbf16, #tpu.memory_space<vmem>>, vector<1024x128xbf16>,
    %dma_start3A_1471 = arith.constant 2944 : i32
    %dma_start3A_1472 = arith.constant 0 : i32
    %dma_start3A_1473 = tpu.memref_slice %arg2[%dma_start3A_1471, %dma_start3A_1472] : memref<4096x4096xf32, #tpu.memory_space<hbm>> -> memref<128x4096xf32, #tpu.memory_space<hbm>>
    tpu.enqueue_dma source(%dma_start3A_1473 : memref<128x4096xf32, #tpu.memory_space<hbm>>) target(%arg15 : memref<128x4096xf32, #tpu.memory_space<vmem>>) target_semaphore(%arg21 : memref<!tpu.dma_semaphore, #tpu.memory_space<semaphore_mem>>)
    %dma_wait3A_1474 = arith.constant 2816 : i32
    %dma_wait3A_1475 = arith.constant 0 : i32
    %dma_wait3A_1476 = tpu.memref_slice %arg2[%dma_wait3A_1474, %dma_wait3A_1475] : memref<4096x4096xf32, #tpu.memory_space<hbm>> -> memref<128x4096xf32, #tpu.memory_space<hbm>>
    tpu.wait_dma2 semaphore(%arg20 : memref<!tpu.dma_semaphore, #tpu.memory_space<semaphore_mem>>) src(%dma_wait3A_1476 : memref<128x4096xf32, #tpu.memory_space<hbm>>) dst(%arg14 : memref<128x4096xf32, #tpu.memory_space<vmem>>)
    %get3A_1477 = arith.constant 0 : index
    %get3A_1478 = arith.constant 0 : index
    %get3A_1479 = vector.load %arg14[%get3A_1477, %get3A_1478] : memref<128x4096xf32, #tpu.memory_space<vmem>>, vector<128x1024xf32>
    %convert_element_type3A_1480 = arith.truncf %get3A_1479 : vector<128x1024xf32> to vector<128x1024xbf16>
    %transpose3A_1481 = tpu.transpose %convert_element_type3A_1480, [1, 0] : vector<128x1024xbf16> -> vector<1024x128xbf16>
    %swap3A_1482 = arith.constant 0 : index
    %swap3A_1483 = arith.constant 2816 : index
    %swap3A_1484 = vector.load %arg6[%swap3A_1482, %swap3A_1483] : memref<4096x4096xbf16, #tpu.memory_space<vmem>>, vector<1024x128xbf16>
    tpu.vector_store %arg6[%swap3A_1482, %swap3A_1483], %transpose3A_1481 {strides = array<i32>} : memref<4096x4096xbf16, #tpu.memory_space<vmem>>, vector<1024x128xbf16>,
    %get3A_1485 = arith.constant 0 : index
    %get3A_1486 = arith.constant 1024 : index
    %get3A_1487 = vector.load %arg14[%get3A_1485, %get3A_1486] : memref<128x4096xf32, #tpu.memory_space<vmem>>, vector<128x1024xf32>
    %convert_element_type3A_1488 = arith.truncf %get3A_1487 : vector<128x1024xf32> to vector<128x1024xbf16>
    %transpose3A_1489 = tpu.transpose %convert_element_type3A_1488, [1, 0] : vector<128x1024xbf16> -> vector<1024x128xbf16>
    %swap3A_1490 = arith.constant 1024 : index
    %swap3A_1491 = arith.constant 2816 : index
    %swap3A_1492 = vector.load %arg6[%swap3A_1490, %swap3A_1491] : memref<4096x4096xbf16, #tpu.memory_space<vmem>>, vector<1024x128xbf16>
    tpu.vector_store %arg6[%swap3A_1490, %swap3A_1491], %transpose3A_1489 {strides = array<i32>} : memref<4096x4096xbf16, #tpu.memory_space<vmem>>, vector<1024x128xbf16>,
    %get3A_1493 = arith.constant 0 : index
    %get3A_1494 = arith.constant 2048 : index
    %get3A_1495 = vector.load %arg14[%get3A_1493, %get3A_1494] : memref<128x4096xf32, #tpu.memory_space<vmem>>, vector<128x1024xf32>
    %convert_element_type3A_1496 = arith.truncf %get3A_1495 : vector<128x1024xf32> to vector<128x1024xbf16>
    %transpose3A_1497 = tpu.transpose %convert_element_type3A_1496, [1, 0] : vector<128x1024xbf16> -> vector<1024x128xbf16>
    %swap3A_1498 = arith.constant 2048 : index
    %swap3A_1499 = arith.constant 2816 : index
    %swap3A_1500 = vector.load %arg6[%swap3A_1498, %swap3A_1499] : memref<4096x4096xbf16, #tpu.memory_space<vmem>>, vector<1024x128xbf16>
    tpu.vector_store %arg6[%swap3A_1498, %swap3A_1499], %transpose3A_1497 {strides = array<i32>} : memref<4096x4096xbf16, #tpu.memory_space<vmem>>, vector<1024x128xbf16>,
    %get3A_1501 = arith.constant 0 : index
    %get3A_1502 = arith.constant 3072 : index
    %get3A_1503 = vector.load %arg14[%get3A_1501, %get3A_1502] : memref<128x4096xf32, #tpu.memory_space<vmem>>, vector<128x1024xf32>
    %convert_element_type3A_1504 = arith.truncf %get3A_1503 : vector<128x1024xf32> to vector<128x1024xbf16>
    %transpose3A_1505 = tpu.transpose %convert_element_type3A_1504, [1, 0] : vector<128x1024xbf16> -> vector<1024x128xbf16>
    %swap3A_1506 = arith.constant 3072 : index
    %swap3A_1507 = arith.constant 2816 : index
    %swap3A_1508 = vector.load %arg6[%swap3A_1506, %swap3A_1507] : memref<4096x4096xbf16, #tpu.memory_space<vmem>>, vector<1024x128xbf16>
    tpu.vector_store %arg6[%swap3A_1506, %swap3A_1507], %transpose3A_1505 {strides = array<i32>} : memref<4096x4096xbf16, #tpu.memory_space<vmem>>, vector<1024x128xbf16>,
    %dma_start3A_1509 = arith.constant 3072 : i32
    %dma_start3A_1510 = arith.constant 0 : i32
    %dma_start3A_1511 = tpu.memref_slice %arg2[%dma_start3A_1509, %dma_start3A_1510] : memref<4096x4096xf32, #tpu.memory_space<hbm>> -> memref<128x4096xf32, #tpu.memory_space<hbm>>
    tpu.enqueue_dma source(%dma_start3A_1511 : memref<128x4096xf32, #tpu.memory_space<hbm>>) target(%arg14 : memref<128x4096xf32, #tpu.memory_space<vmem>>) target_semaphore(%arg20 : memref<!tpu.dma_semaphore, #tpu.memory_space<semaphore_mem>>)
    %dma_wait3A_1512 = arith.constant 2944 : i32
    %dma_wait3A_1513 = arith.constant 0 : i32
    %dma_wait3A_1514 = tpu.memref_slice %arg2[%dma_wait3A_1512, %dma_wait3A_1513] : memref<4096x4096xf32, #tpu.memory_space<hbm>> -> memref<128x4096xf32, #tpu.memory_space<hbm>>
    tpu.wait_dma2 semaphore(%arg21 : memref<!tpu.dma_semaphore, #tpu.memory_space<semaphore_mem>>) src(%dma_wait3A_1514 : memref<128x4096xf32, #tpu.memory_space<hbm>>) dst(%arg15 : memref<128x4096xf32, #tpu.memory_space<vmem>>)
    %get3A_1515 = arith.constant 0 : index
    %get3A_1516 = arith.constant 0 : index
    %get3A_1517 = vector.load %arg15[%get3A_1515, %get3A_1516] : memref<128x4096xf32, #tpu.memory_space<vmem>>, vector<128x1024xf32>
    %convert_element_type3A_1518 = arith.truncf %get3A_1517 : vector<128x1024xf32> to vector<128x1024xbf16>
    %transpose3A_1519 = tpu.transpose %convert_element_type3A_1518, [1, 0] : vector<128x1024xbf16> -> vector<1024x128xbf16>
    %swap3A_1520 = arith.constant 0 : index
    %swap3A_1521 = arith.constant 2944 : index
    %swap3A_1522 = vector.load %arg6[%swap3A_1520, %swap3A_1521] : memref<4096x4096xbf16, #tpu.memory_space<vmem>>, vector<1024x128xbf16>
    tpu.vector_store %arg6[%swap3A_1520, %swap3A_1521], %transpose3A_1519 {strides = array<i32>} : memref<4096x4096xbf16, #tpu.memory_space<vmem>>, vector<1024x128xbf16>,
    %get3A_1523 = arith.constant 0 : index
    %get3A_1524 = arith.constant 1024 : index
    %get3A_1525 = vector.load %arg15[%get3A_1523, %get3A_1524] : memref<128x4096xf32, #tpu.memory_space<vmem>>, vector<128x1024xf32>
    %convert_element_type3A_1526 = arith.truncf %get3A_1525 : vector<128x1024xf32> to vector<128x1024xbf16>
    %transpose3A_1527 = tpu.transpose %convert_element_type3A_1526, [1, 0] : vector<128x1024xbf16> -> vector<1024x128xbf16>
    %swap3A_1528 = arith.constant 1024 : index
    %swap3A_1529 = arith.constant 2944 : index
    %swap3A_1530 = vector.load %arg6[%swap3A_1528, %swap3A_1529] : memref<4096x4096xbf16, #tpu.memory_space<vmem>>, vector<1024x128xbf16>
    tpu.vector_store %arg6[%swap3A_1528, %swap3A_1529], %transpose3A_1527 {strides = array<i32>} : memref<4096x4096xbf16, #tpu.memory_space<vmem>>, vector<1024x128xbf16>,
    %get3A_1531 = arith.constant 0 : index
    %get3A_1532 = arith.constant 2048 : index
    %get3A_1533 = vector.load %arg15[%get3A_1531, %get3A_1532] : memref<128x4096xf32, #tpu.memory_space<vmem>>, vector<128x1024xf32>
    %convert_element_type3A_1534 = arith.truncf %get3A_1533 : vector<128x1024xf32> to vector<128x1024xbf16>
    %transpose3A_1535 = tpu.transpose %convert_element_type3A_1534, [1, 0] : vector<128x1024xbf16> -> vector<1024x128xbf16>
    %swap3A_1536 = arith.constant 2048 : index
    %swap3A_1537 = arith.constant 2944 : index
    %swap3A_1538 = vector.load %arg6[%swap3A_1536, %swap3A_1537] : memref<4096x4096xbf16, #tpu.memory_space<vmem>>, vector<1024x128xbf16>
    tpu.vector_store %arg6[%swap3A_1536, %swap3A_1537], %transpose3A_1535 {strides = array<i32>} : memref<4096x4096xbf16, #tpu.memory_space<vmem>>, vector<1024x128xbf16>,
    %get3A_1539 = arith.constant 0 : index
    %get3A_1540 = arith.constant 3072 : index
    %get3A_1541 = vector.load %arg15[%get3A_1539, %get3A_1540] : memref<128x4096xf32, #tpu.memory_space<vmem>>, vector<128x1024xf32>
    %convert_element_type3A_1542 = arith.truncf %get3A_1541 : vector<128x1024xf32> to vector<128x1024xbf16>
    %transpose3A_1543 = tpu.transpose %convert_element_type3A_1542, [1, 0] : vector<128x1024xbf16> -> vector<1024x128xbf16>
    %swap3A_1544 = arith.constant 3072 : index
    %swap3A_1545 = arith.constant 2944 : index
    %swap3A_1546 = vector.load %arg6[%swap3A_1544, %swap3A_1545] : memref<4096x4096xbf16, #tpu.memory_space<vmem>>, vector<1024x128xbf16>
    tpu.vector_store %arg6[%swap3A_1544, %swap3A_1545], %transpose3A_1543 {strides = array<i32>} : memref<4096x4096xbf16, #tpu.memory_space<vmem>>, vector<1024x128xbf16>,
    %dma_start3A_1547 = arith.constant 3200 : i32
    %dma_start3A_1548 = arith.constant 0 : i32
    %dma_start3A_1549 = tpu.memref_slice %arg2[%dma_start3A_1547, %dma_start3A_1548] : memref<4096x4096xf32, #tpu.memory_space<hbm>> -> memref<128x4096xf32, #tpu.memory_space<hbm>>
    tpu.enqueue_dma source(%dma_start3A_1549 : memref<128x4096xf32, #tpu.memory_space<hbm>>) target(%arg15 : memref<128x4096xf32, #tpu.memory_space<vmem>>) target_semaphore(%arg21 : memref<!tpu.dma_semaphore, #tpu.memory_space<semaphore_mem>>)
    %dma_wait3A_1550 = arith.constant 3072 : i32
    %dma_wait3A_1551 = arith.constant 0 : i32
    %dma_wait3A_1552 = tpu.memref_slice %arg2[%dma_wait3A_1550, %dma_wait3A_1551] : memref<4096x4096xf32, #tpu.memory_space<hbm>> -> memref<128x4096xf32, #tpu.memory_space<hbm>>
    tpu.wait_dma2 semaphore(%arg20 : memref<!tpu.dma_semaphore, #tpu.memory_space<semaphore_mem>>) src(%dma_wait3A_1552 : memref<128x4096xf32, #tpu.memory_space<hbm>>) dst(%arg14 : memref<128x4096xf32, #tpu.memory_space<vmem>>)
    %get3A_1553 = arith.constant 0 : index
    %get3A_1554 = arith.constant 0 : index
    %get3A_1555 = vector.load %arg14[%get3A_1553, %get3A_1554] : memref<128x4096xf32, #tpu.memory_space<vmem>>, vector<128x1024xf32>
    %convert_element_type3A_1556 = arith.truncf %get3A_1555 : vector<128x1024xf32> to vector<128x1024xbf16>
    %transpose3A_1557 = tpu.transpose %convert_element_type3A_1556, [1, 0] : vector<128x1024xbf16> -> vector<1024x128xbf16>
    %swap3A_1558 = arith.constant 0 : index
    %swap3A_1559 = arith.constant 3072 : index
    %swap3A_1560 = vector.load %arg6[%swap3A_1558, %swap3A_1559] : memref<4096x4096xbf16, #tpu.memory_space<vmem>>, vector<1024x128xbf16>
    tpu.vector_store %arg6[%swap3A_1558, %swap3A_1559], %transpose3A_1557 {strides = array<i32>} : memref<4096x4096xbf16, #tpu.memory_space<vmem>>, vector<1024x128xbf16>,
    %get3A_1561 = arith.constant 0 : index
    %get3A_1562 = arith.constant 1024 : index
    %get3A_1563 = vector.load %arg14[%get3A_1561, %get3A_1562] : memref<128x4096xf32, #tpu.memory_space<vmem>>, vector<128x1024xf32>
    %convert_element_type3A_1564 = arith.truncf %get3A_1563 : vector<128x1024xf32> to vector<128x1024xbf16>
    %transpose3A_1565 = tpu.transpose %convert_element_type3A_1564, [1, 0] : vector<128x1024xbf16> -> vector<1024x128xbf16>
    %swap3A_1566 = arith.constant 1024 : index
    %swap3A_1567 = arith.constant 3072 : index
    %swap3A_1568 = vector.load %arg6[%swap3A_1566, %swap3A_1567] : memref<4096x4096xbf16, #tpu.memory_space<vmem>>, vector<1024x128xbf16>
    tpu.vector_store %arg6[%swap3A_1566, %swap3A_1567], %transpose3A_1565 {strides = array<i32>} : memref<4096x4096xbf16, #tpu.memory_space<vmem>>, vector<1024x128xbf16>,
    %get3A_1569 = arith.constant 0 : index
    %get3A_1570 = arith.constant 2048 : index
    %get3A_1571 = vector.load %arg14[%get3A_1569, %get3A_1570] : memref<128x4096xf32, #tpu.memory_space<vmem>>, vector<128x1024xf32>
    %convert_element_type3A_1572 = arith.truncf %get3A_1571 : vector<128x1024xf32> to vector<128x1024xbf16>
    %transpose3A_1573 = tpu.transpose %convert_element_type3A_1572, [1, 0] : vector<128x1024xbf16> -> vector<1024x128xbf16>
    %swap3A_1574 = arith.constant 2048 : index
    %swap3A_1575 = arith.constant 3072 : index
    %swap3A_1576 = vector.load %arg6[%swap3A_1574, %swap3A_1575] : memref<4096x4096xbf16, #tpu.memory_space<vmem>>, vector<1024x128xbf16>
    tpu.vector_store %arg6[%swap3A_1574, %swap3A_1575], %transpose3A_1573 {strides = array<i32>} : memref<4096x4096xbf16, #tpu.memory_space<vmem>>, vector<1024x128xbf16>,
    %get3A_1577 = arith.constant 0 : index
    %get3A_1578 = arith.constant 3072 : index
    %get3A_1579 = vector.load %arg14[%get3A_1577, %get3A_1578] : memref<128x4096xf32, #tpu.memory_space<vmem>>, vector<128x1024xf32>
    %convert_element_type3A_1580 = arith.truncf %get3A_1579 : vector<128x1024xf32> to vector<128x1024xbf16>
    %transpose3A_1581 = tpu.transpose %convert_element_type3A_1580, [1, 0] : vector<128x1024xbf16> -> vector<1024x128xbf16>
    %swap3A_1582 = arith.constant 3072 : index
    %swap3A_1583 = arith.constant 3072 : index
    %swap3A_1584 = vector.load %arg6[%swap3A_1582, %swap3A_1583] : memref<4096x4096xbf16, #tpu.memory_space<vmem>>, vector<1024x128xbf16>
    tpu.vector_store %arg6[%swap3A_1582, %swap3A_1583], %transpose3A_1581 {strides = array<i32>} : memref<4096x4096xbf16, #tpu.memory_space<vmem>>, vector<1024x128xbf16>,
    %dma_start3A_1585 = arith.constant 3328 : i32
    %dma_start3A_1586 = arith.constant 0 : i32
    %dma_start3A_1587 = tpu.memref_slice %arg2[%dma_start3A_1585, %dma_start3A_1586] : memref<4096x4096xf32, #tpu.memory_space<hbm>> -> memref<128x4096xf32, #tpu.memory_space<hbm>>
    tpu.enqueue_dma source(%dma_start3A_1587 : memref<128x4096xf32, #tpu.memory_space<hbm>>) target(%arg14 : memref<128x4096xf32, #tpu.memory_space<vmem>>) target_semaphore(%arg20 : memref<!tpu.dma_semaphore, #tpu.memory_space<semaphore_mem>>)
    %dma_wait3A_1588 = arith.constant 3200 : i32
    %dma_wait3A_1589 = arith.constant 0 : i32
    %dma_wait3A_1590 = tpu.memref_slice %arg2[%dma_wait3A_1588, %dma_wait3A_1589] : memref<4096x4096xf32, #tpu.memory_space<hbm>> -> memref<128x4096xf32, #tpu.memory_space<hbm>>
    tpu.wait_dma2 semaphore(%arg21 : memref<!tpu.dma_semaphore, #tpu.memory_space<semaphore_mem>>) src(%dma_wait3A_1590 : memref<128x4096xf32, #tpu.memory_space<hbm>>) dst(%arg15 : memref<128x4096xf32, #tpu.memory_space<vmem>>)
    %get3A_1591 = arith.constant 0 : index
    %get3A_1592 = arith.constant 0 : index
    %get3A_1593 = vector.load %arg15[%get3A_1591, %get3A_1592] : memref<128x4096xf32, #tpu.memory_space<vmem>>, vector<128x1024xf32>
    %convert_element_type3A_1594 = arith.truncf %get3A_1593 : vector<128x1024xf32> to vector<128x1024xbf16>
    %transpose3A_1595 = tpu.transpose %convert_element_type3A_1594, [1, 0] : vector<128x1024xbf16> -> vector<1024x128xbf16>
    %swap3A_1596 = arith.constant 0 : index
    %swap3A_1597 = arith.constant 3200 : index
    %swap3A_1598 = vector.load %arg6[%swap3A_1596, %swap3A_1597] : memref<4096x4096xbf16, #tpu.memory_space<vmem>>, vector<1024x128xbf16>
    tpu.vector_store %arg6[%swap3A_1596, %swap3A_1597], %transpose3A_1595 {strides = array<i32>} : memref<4096x4096xbf16, #tpu.memory_space<vmem>>, vector<1024x128xbf16>,
    %get3A_1599 = arith.constant 0 : index
    %get3A_1600 = arith.constant 1024 : index
    %get3A_1601 = vector.load %arg15[%get3A_1599, %get3A_1600] : memref<128x4096xf32, #tpu.memory_space<vmem>>, vector<128x1024xf32>
    %convert_element_type3A_1602 = arith.truncf %get3A_1601 : vector<128x1024xf32> to vector<128x1024xbf16>
    %transpose3A_1603 = tpu.transpose %convert_element_type3A_1602, [1, 0] : vector<128x1024xbf16> -> vector<1024x128xbf16>
    %swap3A_1604 = arith.constant 1024 : index
    %swap3A_1605 = arith.constant 3200 : index
    %swap3A_1606 = vector.load %arg6[%swap3A_1604, %swap3A_1605] : memref<4096x4096xbf16, #tpu.memory_space<vmem>>, vector<1024x128xbf16>
    tpu.vector_store %arg6[%swap3A_1604, %swap3A_1605], %transpose3A_1603 {strides = array<i32>} : memref<4096x4096xbf16, #tpu.memory_space<vmem>>, vector<1024x128xbf16>,
    %get3A_1607 = arith.constant 0 : index
    %get3A_1608 = arith.constant 2048 : index
    %get3A_1609 = vector.load %arg15[%get3A_1607, %get3A_1608] : memref<128x4096xf32, #tpu.memory_space<vmem>>, vector<128x1024xf32>
    %convert_element_type3A_1610 = arith.truncf %get3A_1609 : vector<128x1024xf32> to vector<128x1024xbf16>
    %transpose3A_1611 = tpu.transpose %convert_element_type3A_1610, [1, 0] : vector<128x1024xbf16> -> vector<1024x128xbf16>
    %swap3A_1612 = arith.constant 2048 : index
    %swap3A_1613 = arith.constant 3200 : index
    %swap3A_1614 = vector.load %arg6[%swap3A_1612, %swap3A_1613] : memref<4096x4096xbf16, #tpu.memory_space<vmem>>, vector<1024x128xbf16>
    tpu.vector_store %arg6[%swap3A_1612, %swap3A_1613], %transpose3A_1611 {strides = array<i32>} : memref<4096x4096xbf16, #tpu.memory_space<vmem>>, vector<1024x128xbf16>,
    %get3A_1615 = arith.constant 0 : index
    %get3A_1616 = arith.constant 3072 : index
    %get3A_1617 = vector.load %arg15[%get3A_1615, %get3A_1616] : memref<128x4096xf32, #tpu.memory_space<vmem>>, vector<128x1024xf32>
    %convert_element_type3A_1618 = arith.truncf %get3A_1617 : vector<128x1024xf32> to vector<128x1024xbf16>
    %transpose3A_1619 = tpu.transpose %convert_element_type3A_1618, [1, 0] : vector<128x1024xbf16> -> vector<1024x128xbf16>
    %swap3A_1620 = arith.constant 3072 : index
    %swap3A_1621 = arith.constant 3200 : index
    %swap3A_1622 = vector.load %arg6[%swap3A_1620, %swap3A_1621] : memref<4096x4096xbf16, #tpu.memory_space<vmem>>, vector<1024x128xbf16>
    tpu.vector_store %arg6[%swap3A_1620, %swap3A_1621], %transpose3A_1619 {strides = array<i32>} : memref<4096x4096xbf16, #tpu.memory_space<vmem>>, vector<1024x128xbf16>,
    %dma_start3A_1623 = arith.constant 3456 : i32
    %dma_start3A_1624 = arith.constant 0 : i32
    %dma_start3A_1625 = tpu.memref_slice %arg2[%dma_start3A_1623, %dma_start3A_1624] : memref<4096x4096xf32, #tpu.memory_space<hbm>> -> memref<128x4096xf32, #tpu.memory_space<hbm>>
    tpu.enqueue_dma source(%dma_start3A_1625 : memref<128x4096xf32, #tpu.memory_space<hbm>>) target(%arg15 : memref<128x4096xf32, #tpu.memory_space<vmem>>) target_semaphore(%arg21 : memref<!tpu.dma_semaphore, #tpu.memory_space<semaphore_mem>>)
    %dma_wait3A_1626 = arith.constant 3328 : i32
    %dma_wait3A_1627 = arith.constant 0 : i32
    %dma_wait3A_1628 = tpu.memref_slice %arg2[%dma_wait3A_1626, %dma_wait3A_1627] : memref<4096x4096xf32, #tpu.memory_space<hbm>> -> memref<128x4096xf32, #tpu.memory_space<hbm>>
    tpu.wait_dma2 semaphore(%arg20 : memref<!tpu.dma_semaphore, #tpu.memory_space<semaphore_mem>>) src(%dma_wait3A_1628 : memref<128x4096xf32, #tpu.memory_space<hbm>>) dst(%arg14 : memref<128x4096xf32, #tpu.memory_space<vmem>>)
    %get3A_1629 = arith.constant 0 : index
    %get3A_1630 = arith.constant 0 : index
    %get3A_1631 = vector.load %arg14[%get3A_1629, %get3A_1630] : memref<128x4096xf32, #tpu.memory_space<vmem>>, vector<128x1024xf32>
    %convert_element_type3A_1632 = arith.truncf %get3A_1631 : vector<128x1024xf32> to vector<128x1024xbf16>
    %transpose3A_1633 = tpu.transpose %convert_element_type3A_1632, [1, 0] : vector<128x1024xbf16> -> vector<1024x128xbf16>
    %swap3A_1634 = arith.constant 0 : index
    %swap3A_1635 = arith.constant 3328 : index
    %swap3A_1636 = vector.load %arg6[%swap3A_1634, %swap3A_1635] : memref<4096x4096xbf16, #tpu.memory_space<vmem>>, vector<1024x128xbf16>
    tpu.vector_store %arg6[%swap3A_1634, %swap3A_1635], %transpose3A_1633 {strides = array<i32>} : memref<4096x4096xbf16, #tpu.memory_space<vmem>>, vector<1024x128xbf16>,
    %get3A_1637 = arith.constant 0 : index
    %get3A_1638 = arith.constant 1024 : index
    %get3A_1639 = vector.load %arg14[%get3A_1637, %get3A_1638] : memref<128x4096xf32, #tpu.memory_space<vmem>>, vector<128x1024xf32>
    %convert_element_type3A_1640 = arith.truncf %get3A_1639 : vector<128x1024xf32> to vector<128x1024xbf16>
    %transpose3A_1641 = tpu.transpose %convert_element_type3A_1640, [1, 0] : vector<128x1024xbf16> -> vector<1024x128xbf16>
    %swap3A_1642 = arith.constant 1024 : index
    %swap3A_1643 = arith.constant 3328 : index
    %swap3A_1644 = vector.load %arg6[%swap3A_1642, %swap3A_1643] : memref<4096x4096xbf16, #tpu.memory_space<vmem>>, vector<1024x128xbf16>
    tpu.vector_store %arg6[%swap3A_1642, %swap3A_1643], %transpose3A_1641 {strides = array<i32>} : memref<4096x4096xbf16, #tpu.memory_space<vmem>>, vector<1024x128xbf16>,
    %get3A_1645 = arith.constant 0 : index
    %get3A_1646 = arith.constant 2048 : index
    %get3A_1647 = vector.load %arg14[%get3A_1645, %get3A_1646] : memref<128x4096xf32, #tpu.memory_space<vmem>>, vector<128x1024xf32>
    %convert_element_type3A_1648 = arith.truncf %get3A_1647 : vector<128x1024xf32> to vector<128x1024xbf16>
    %transpose3A_1649 = tpu.transpose %convert_element_type3A_1648, [1, 0] : vector<128x1024xbf16> -> vector<1024x128xbf16>
    %swap3A_1650 = arith.constant 2048 : index
    %swap3A_1651 = arith.constant 3328 : index
    %swap3A_1652 = vector.load %arg6[%swap3A_1650, %swap3A_1651] : memref<4096x4096xbf16, #tpu.memory_space<vmem>>, vector<1024x128xbf16>
    tpu.vector_store %arg6[%swap3A_1650, %swap3A_1651], %transpose3A_1649 {strides = array<i32>} : memref<4096x4096xbf16, #tpu.memory_space<vmem>>, vector<1024x128xbf16>,
    %get3A_1653 = arith.constant 0 : index
    %get3A_1654 = arith.constant 3072 : index
    %get3A_1655 = vector.load %arg14[%get3A_1653, %get3A_1654] : memref<128x4096xf32, #tpu.memory_space<vmem>>, vector<128x1024xf32>
    %convert_element_type3A_1656 = arith.truncf %get3A_1655 : vector<128x1024xf32> to vector<128x1024xbf16>
    %transpose3A_1657 = tpu.transpose %convert_element_type3A_1656, [1, 0] : vector<128x1024xbf16> -> vector<1024x128xbf16>
    %swap3A_1658 = arith.constant 3072 : index
    %swap3A_1659 = arith.constant 3328 : index
    %swap3A_1660 = vector.load %arg6[%swap3A_1658, %swap3A_1659] : memref<4096x4096xbf16, #tpu.memory_space<vmem>>, vector<1024x128xbf16>
    tpu.vector_store %arg6[%swap3A_1658, %swap3A_1659], %transpose3A_1657 {strides = array<i32>} : memref<4096x4096xbf16, #tpu.memory_space<vmem>>, vector<1024x128xbf16>,
    %dma_start3A_1661 = arith.constant 3584 : i32
    %dma_start3A_1662 = arith.constant 0 : i32
    %dma_start3A_1663 = tpu.memref_slice %arg2[%dma_start3A_1661, %dma_start3A_1662] : memref<4096x4096xf32, #tpu.memory_space<hbm>> -> memref<128x4096xf32, #tpu.memory_space<hbm>>
    tpu.enqueue_dma source(%dma_start3A_1663 : memref<128x4096xf32, #tpu.memory_space<hbm>>) target(%arg14 : memref<128x4096xf32, #tpu.memory_space<vmem>>) target_semaphore(%arg20 : memref<!tpu.dma_semaphore, #tpu.memory_space<semaphore_mem>>)
    %dma_wait3A_1664 = arith.constant 3456 : i32
    %dma_wait3A_1665 = arith.constant 0 : i32
    %dma_wait3A_1666 = tpu.memref_slice %arg2[%dma_wait3A_1664, %dma_wait3A_1665] : memref<4096x4096xf32, #tpu.memory_space<hbm>> -> memref<128x4096xf32, #tpu.memory_space<hbm>>
    tpu.wait_dma2 semaphore(%arg21 : memref<!tpu.dma_semaphore, #tpu.memory_space<semaphore_mem>>) src(%dma_wait3A_1666 : memref<128x4096xf32, #tpu.memory_space<hbm>>) dst(%arg15 : memref<128x4096xf32, #tpu.memory_space<vmem>>)
    %get3A_1667 = arith.constant 0 : index
    %get3A_1668 = arith.constant 0 : index
    %get3A_1669 = vector.load %arg15[%get3A_1667, %get3A_1668] : memref<128x4096xf32, #tpu.memory_space<vmem>>, vector<128x1024xf32>
    %convert_element_type3A_1670 = arith.truncf %get3A_1669 : vector<128x1024xf32> to vector<128x1024xbf16>
    %transpose3A_1671 = tpu.transpose %convert_element_type3A_1670, [1, 0] : vector<128x1024xbf16> -> vector<1024x128xbf16>
    %swap3A_1672 = arith.constant 0 : index
    %swap3A_1673 = arith.constant 3456 : index
    %swap3A_1674 = vector.load %arg6[%swap3A_1672, %swap3A_1673] : memref<4096x4096xbf16, #tpu.memory_space<vmem>>, vector<1024x128xbf16>
    tpu.vector_store %arg6[%swap3A_1672, %swap3A_1673], %transpose3A_1671 {strides = array<i32>} : memref<4096x4096xbf16, #tpu.memory_space<vmem>>, vector<1024x128xbf16>,
    %get3A_1675 = arith.constant 0 : index
    %get3A_1676 = arith.constant 1024 : index
    %get3A_1677 = vector.load %arg15[%get3A_1675, %get3A_1676] : memref<128x4096xf32, #tpu.memory_space<vmem>>, vector<128x1024xf32>
    %convert_element_type3A_1678 = arith.truncf %get3A_1677 : vector<128x1024xf32> to vector<128x1024xbf16>
    %transpose3A_1679 = tpu.transpose %convert_element_type3A_1678, [1, 0] : vector<128x1024xbf16> -> vector<1024x128xbf16>
    %swap3A_1680 = arith.constant 1024 : index
    %swap3A_1681 = arith.constant 3456 : index
    %swap3A_1682 = vector.load %arg6[%swap3A_1680, %swap3A_1681] : memref<4096x4096xbf16, #tpu.memory_space<vmem>>, vector<1024x128xbf16>
    tpu.vector_store %arg6[%swap3A_1680, %swap3A_1681], %transpose3A_1679 {strides = array<i32>} : memref<4096x4096xbf16, #tpu.memory_space<vmem>>, vector<1024x128xbf16>,
    %get3A_1683 = arith.constant 0 : index
    %get3A_1684 = arith.constant 2048 : index
    %get3A_1685 = vector.load %arg15[%get3A_1683, %get3A_1684] : memref<128x4096xf32, #tpu.memory_space<vmem>>, vector<128x1024xf32>
    %convert_element_type3A_1686 = arith.truncf %get3A_1685 : vector<128x1024xf32> to vector<128x1024xbf16>
    %transpose3A_1687 = tpu.transpose %convert_element_type3A_1686, [1, 0] : vector<128x1024xbf16> -> vector<1024x128xbf16>
    %swap3A_1688 = arith.constant 2048 : index
    %swap3A_1689 = arith.constant 3456 : index
    %swap3A_1690 = vector.load %arg6[%swap3A_1688, %swap3A_1689] : memref<4096x4096xbf16, #tpu.memory_space<vmem>>, vector<1024x128xbf16>
    tpu.vector_store %arg6[%swap3A_1688, %swap3A_1689], %transpose3A_1687 {strides = array<i32>} : memref<4096x4096xbf16, #tpu.memory_space<vmem>>, vector<1024x128xbf16>,
    %get3A_1691 = arith.constant 0 : index
    %get3A_1692 = arith.constant 3072 : index
    %get3A_1693 = vector.load %arg15[%get3A_1691, %get3A_1692] : memref<128x4096xf32, #tpu.memory_space<vmem>>, vector<128x1024xf32>
    %convert_element_type3A_1694 = arith.truncf %get3A_1693 : vector<128x1024xf32> to vector<128x1024xbf16>
    %transpose3A_1695 = tpu.transpose %convert_element_type3A_1694, [1, 0] : vector<128x1024xbf16> -> vector<1024x128xbf16>
    %swap3A_1696 = arith.constant 3072 : index
    %swap3A_1697 = arith.constant 3456 : index
    %swap3A_1698 = vector.load %arg6[%swap3A_1696, %swap3A_1697] : memref<4096x4096xbf16, #tpu.memory_space<vmem>>, vector<1024x128xbf16>
    tpu.vector_store %arg6[%swap3A_1696, %swap3A_1697], %transpose3A_1695 {strides = array<i32>} : memref<4096x4096xbf16, #tpu.memory_space<vmem>>, vector<1024x128xbf16>,
    %dma_start3A_1699 = arith.constant 3712 : i32
    %dma_start3A_1700 = arith.constant 0 : i32
    %dma_start3A_1701 = tpu.memref_slice %arg2[%dma_start3A_1699, %dma_start3A_1700] : memref<4096x4096xf32, #tpu.memory_space<hbm>> -> memref<128x4096xf32, #tpu.memory_space<hbm>>
    tpu.enqueue_dma source(%dma_start3A_1701 : memref<128x4096xf32, #tpu.memory_space<hbm>>) target(%arg15 : memref<128x4096xf32, #tpu.memory_space<vmem>>) target_semaphore(%arg21 : memref<!tpu.dma_semaphore, #tpu.memory_space<semaphore_mem>>)
    %dma_wait3A_1702 = arith.constant 3584 : i32
    %dma_wait3A_1703 = arith.constant 0 : i32
    %dma_wait3A_1704 = tpu.memref_slice %arg2[%dma_wait3A_1702, %dma_wait3A_1703] : memref<4096x4096xf32, #tpu.memory_space<hbm>> -> memref<128x4096xf32, #tpu.memory_space<hbm>>
    tpu.wait_dma2 semaphore(%arg20 : memref<!tpu.dma_semaphore, #tpu.memory_space<semaphore_mem>>) src(%dma_wait3A_1704 : memref<128x4096xf32, #tpu.memory_space<hbm>>) dst(%arg14 : memref<128x4096xf32, #tpu.memory_space<vmem>>)
    %get3A_1705 = arith.constant 0 : index
    %get3A_1706 = arith.constant 0 : index
    %get3A_1707 = vector.load %arg14[%get3A_1705, %get3A_1706] : memref<128x4096xf32, #tpu.memory_space<vmem>>, vector<128x1024xf32>
    %convert_element_type3A_1708 = arith.truncf %get3A_1707 : vector<128x1024xf32> to vector<128x1024xbf16>
    %transpose3A_1709 = tpu.transpose %convert_element_type3A_1708, [1, 0] : vector<128x1024xbf16> -> vector<1024x128xbf16>
    %swap3A_1710 = arith.constant 0 : index
    %swap3A_1711 = arith.constant 3584 : index
    %swap3A_1712 = vector.load %arg6[%swap3A_1710, %swap3A_1711] : memref<4096x4096xbf16, #tpu.memory_space<vmem>>, vector<1024x128xbf16>
    tpu.vector_store %arg6[%swap3A_1710, %swap3A_1711], %transpose3A_1709 {strides = array<i32>} : memref<4096x4096xbf16, #tpu.memory_space<vmem>>, vector<1024x128xbf16>,
    %get3A_1713 = arith.constant 0 : index
    %get3A_1714 = arith.constant 1024 : index
    %get3A_1715 = vector.load %arg14[%get3A_1713, %get3A_1714] : memref<128x4096xf32, #tpu.memory_space<vmem>>, vector<128x1024xf32>
    %convert_element_type3A_1716 = arith.truncf %get3A_1715 : vector<128x1024xf32> to vector<128x1024xbf16>
    %transpose3A_1717 = tpu.transpose %convert_element_type3A_1716, [1, 0] : vector<128x1024xbf16> -> vector<1024x128xbf16>
    %swap3A_1718 = arith.constant 1024 : index
    %swap3A_1719 = arith.constant 3584 : index
    %swap3A_1720 = vector.load %arg6[%swap3A_1718, %swap3A_1719] : memref<4096x4096xbf16, #tpu.memory_space<vmem>>, vector<1024x128xbf16>
    tpu.vector_store %arg6[%swap3A_1718, %swap3A_1719], %transpose3A_1717 {strides = array<i32>} : memref<4096x4096xbf16, #tpu.memory_space<vmem>>, vector<1024x128xbf16>,
    %get3A_1721 = arith.constant 0 : index
    %get3A_1722 = arith.constant 2048 : index
    %get3A_1723 = vector.load %arg14[%get3A_1721, %get3A_1722] : memref<128x4096xf32, #tpu.memory_space<vmem>>, vector<128x1024xf32>
    %convert_element_type3A_1724 = arith.truncf %get3A_1723 : vector<128x1024xf32> to vector<128x1024xbf16>
    %transpose3A_1725 = tpu.transpose %convert_element_type3A_1724, [1, 0] : vector<128x1024xbf16> -> vector<1024x128xbf16>
    %swap3A_1726 = arith.constant 2048 : index
    %swap3A_1727 = arith.constant 3584 : index
    %swap3A_1728 = vector.load %arg6[%swap3A_1726, %swap3A_1727] : memref<4096x4096xbf16, #tpu.memory_space<vmem>>, vector<1024x128xbf16>
    tpu.vector_store %arg6[%swap3A_1726, %swap3A_1727], %transpose3A_1725 {strides = array<i32>} : memref<4096x4096xbf16, #tpu.memory_space<vmem>>, vector<1024x128xbf16>,
    %get3A_1729 = arith.constant 0 : index
    %get3A_1730 = arith.constant 3072 : index
    %get3A_1731 = vector.load %arg14[%get3A_1729, %get3A_1730] : memref<128x4096xf32, #tpu.memory_space<vmem>>, vector<128x1024xf32>
    %convert_element_type3A_1732 = arith.truncf %get3A_1731 : vector<128x1024xf32> to vector<128x1024xbf16>
    %transpose3A_1733 = tpu.transpose %convert_element_type3A_1732, [1, 0] : vector<128x1024xbf16> -> vector<1024x128xbf16>
    %swap3A_1734 = arith.constant 3072 : index
    %swap3A_1735 = arith.constant 3584 : index
    %swap3A_1736 = vector.load %arg6[%swap3A_1734, %swap3A_1735] : memref<4096x4096xbf16, #tpu.memory_space<vmem>>, vector<1024x128xbf16>
    tpu.vector_store %arg6[%swap3A_1734, %swap3A_1735], %transpose3A_1733 {strides = array<i32>} : memref<4096x4096xbf16, #tpu.memory_space<vmem>>, vector<1024x128xbf16>,
    %dma_start3A_1737 = arith.constant 3840 : i32
    %dma_start3A_1738 = arith.constant 0 : i32
    %dma_start3A_1739 = tpu.memref_slice %arg2[%dma_start3A_1737, %dma_start3A_1738] : memref<4096x4096xf32, #tpu.memory_space<hbm>> -> memref<128x4096xf32, #tpu.memory_space<hbm>>
    tpu.enqueue_dma source(%dma_start3A_1739 : memref<128x4096xf32, #tpu.memory_space<hbm>>) target(%arg14 : memref<128x4096xf32, #tpu.memory_space<vmem>>) target_semaphore(%arg20 : memref<!tpu.dma_semaphore, #tpu.memory_space<semaphore_mem>>)
    %dma_wait3A_1740 = arith.constant 3712 : i32
    %dma_wait3A_1741 = arith.constant 0 : i32
    %dma_wait3A_1742 = tpu.memref_slice %arg2[%dma_wait3A_1740, %dma_wait3A_1741] : memref<4096x4096xf32, #tpu.memory_space<hbm>> -> memref<128x4096xf32, #tpu.memory_space<hbm>>
    tpu.wait_dma2 semaphore(%arg21 : memref<!tpu.dma_semaphore, #tpu.memory_space<semaphore_mem>>) src(%dma_wait3A_1742 : memref<128x4096xf32, #tpu.memory_space<hbm>>) dst(%arg15 : memref<128x4096xf32, #tpu.memory_space<vmem>>)
    %get3A_1743 = arith.constant 0 : index
    %get3A_1744 = arith.constant 0 : index
    %get3A_1745 = vector.load %arg15[%get3A_1743, %get3A_1744] : memref<128x4096xf32, #tpu.memory_space<vmem>>, vector<128x1024xf32>
    %convert_element_type3A_1746 = arith.truncf %get3A_1745 : vector<128x1024xf32> to vector<128x1024xbf16>
    %transpose3A_1747 = tpu.transpose %convert_element_type3A_1746, [1, 0] : vector<128x1024xbf16> -> vector<1024x128xbf16>
    %swap3A_1748 = arith.constant 0 : index
    %swap3A_1749 = arith.constant 3712 : index
    %swap3A_1750 = vector.load %arg6[%swap3A_1748, %swap3A_1749] : memref<4096x4096xbf16, #tpu.memory_space<vmem>>, vector<1024x128xbf16>
    tpu.vector_store %arg6[%swap3A_1748, %swap3A_1749], %transpose3A_1747 {strides = array<i32>} : memref<4096x4096xbf16, #tpu.memory_space<vmem>>, vector<1024x128xbf16>,
    %get3A_1751 = arith.constant 0 : index
    %get3A_1752 = arith.constant 1024 : index
    %get3A_1753 = vector.load %arg15[%get3A_1751, %get3A_1752] : memref<128x4096xf32, #tpu.memory_space<vmem>>, vector<128x1024xf32>
    %convert_element_type3A_1754 = arith.truncf %get3A_1753 : vector<128x1024xf32> to vector<128x1024xbf16>
    %transpose3A_1755 = tpu.transpose %convert_element_type3A_1754, [1, 0] : vector<128x1024xbf16> -> vector<1024x128xbf16>
    %swap3A_1756 = arith.constant 1024 : index
    %swap3A_1757 = arith.constant 3712 : index
    %swap3A_1758 = vector.load %arg6[%swap3A_1756, %swap3A_1757] : memref<4096x4096xbf16, #tpu.memory_space<vmem>>, vector<1024x128xbf16>
    tpu.vector_store %arg6[%swap3A_1756, %swap3A_1757], %transpose3A_1755 {strides = array<i32>} : memref<4096x4096xbf16, #tpu.memory_space<vmem>>, vector<1024x128xbf16>,
    %get3A_1759 = arith.constant 0 : index
    %get3A_1760 = arith.constant 2048 : index
    %get3A_1761 = vector.load %arg15[%get3A_1759, %get3A_1760] : memref<128x4096xf32, #tpu.memory_space<vmem>>, vector<128x1024xf32>
    %convert_element_type3A_1762 = arith.truncf %get3A_1761 : vector<128x1024xf32> to vector<128x1024xbf16>
    %transpose3A_1763 = tpu.transpose %convert_element_type3A_1762, [1, 0] : vector<128x1024xbf16> -> vector<1024x128xbf16>
    %swap3A_1764 = arith.constant 2048 : index
    %swap3A_1765 = arith.constant 3712 : index
    %swap3A_1766 = vector.load %arg6[%swap3A_1764, %swap3A_1765] : memref<4096x4096xbf16, #tpu.memory_space<vmem>>, vector<1024x128xbf16>
    tpu.vector_store %arg6[%swap3A_1764, %swap3A_1765], %transpose3A_1763 {strides = array<i32>} : memref<4096x4096xbf16, #tpu.memory_space<vmem>>, vector<1024x128xbf16>,
    %get3A_1767 = arith.constant 0 : index
    %get3A_1768 = arith.constant 3072 : index
    %get3A_1769 = vector.load %arg15[%get3A_1767, %get3A_1768] : memref<128x4096xf32, #tpu.memory_space<vmem>>, vector<128x1024xf32>
    %convert_element_type3A_1770 = arith.truncf %get3A_1769 : vector<128x1024xf32> to vector<128x1024xbf16>
    %transpose3A_1771 = tpu.transpose %convert_element_type3A_1770, [1, 0] : vector<128x1024xbf16> -> vector<1024x128xbf16>
    %swap3A_1772 = arith.constant 3072 : index
    %swap3A_1773 = arith.constant 3712 : index
    %swap3A_1774 = vector.load %arg6[%swap3A_1772, %swap3A_1773] : memref<4096x4096xbf16, #tpu.memory_space<vmem>>, vector<1024x128xbf16>
    tpu.vector_store %arg6[%swap3A_1772, %swap3A_1773], %transpose3A_1771 {strides = array<i32>} : memref<4096x4096xbf16, #tpu.memory_space<vmem>>, vector<1024x128xbf16>,
    %dma_start3A_1775 = arith.constant 3968 : i32
    %dma_start3A_1776 = arith.constant 0 : i32
    %dma_start3A_1777 = tpu.memref_slice %arg2[%dma_start3A_1775, %dma_start3A_1776] : memref<4096x4096xf32, #tpu.memory_space<hbm>> -> memref<128x4096xf32, #tpu.memory_space<hbm>>
    tpu.enqueue_dma source(%dma_start3A_1777 : memref<128x4096xf32, #tpu.memory_space<hbm>>) target(%arg15 : memref<128x4096xf32, #tpu.memory_space<vmem>>) target_semaphore(%arg21 : memref<!tpu.dma_semaphore, #tpu.memory_space<semaphore_mem>>)
    %dma_wait3A_1778 = arith.constant 3840 : i32
    %dma_wait3A_1779 = arith.constant 0 : i32
    %dma_wait3A_1780 = tpu.memref_slice %arg2[%dma_wait3A_1778, %dma_wait3A_1779] : memref<4096x4096xf32, #tpu.memory_space<hbm>> -> memref<128x4096xf32, #tpu.memory_space<hbm>>
    tpu.wait_dma2 semaphore(%arg20 : memref<!tpu.dma_semaphore, #tpu.memory_space<semaphore_mem>>) src(%dma_wait3A_1780 : memref<128x4096xf32, #tpu.memory_space<hbm>>) dst(%arg14 : memref<128x4096xf32, #tpu.memory_space<vmem>>)
    %get3A_1781 = arith.constant 0 : index
    %get3A_1782 = arith.constant 0 : index
    %get3A_1783 = vector.load %arg14[%get3A_1781, %get3A_1782] : memref<128x4096xf32, #tpu.memory_space<vmem>>, vector<128x1024xf32>
    %convert_element_type3A_1784 = arith.truncf %get3A_1783 : vector<128x1024xf32> to vector<128x1024xbf16>
    %transpose3A_1785 = tpu.transpose %convert_element_type3A_1784, [1, 0] : vector<128x1024xbf16> -> vector<1024x128xbf16>
    %swap3A_1786 = arith.constant 0 : index
    %swap3A_1787 = arith.constant 3840 : index
    %swap3A_1788 = vector.load %arg6[%swap3A_1786, %swap3A_1787] : memref<4096x4096xbf16, #tpu.memory_space<vmem>>, vector<1024x128xbf16>
    tpu.vector_store %arg6[%swap3A_1786, %swap3A_1787], %transpose3A_1785 {strides = array<i32>} : memref<4096x4096xbf16, #tpu.memory_space<vmem>>, vector<1024x128xbf16>,
    %get3A_1789 = arith.constant 0 : index
    %get3A_1790 = arith.constant 1024 : index
    %get3A_1791 = vector.load %arg14[%get3A_1789, %get3A_1790] : memref<128x4096xf32, #tpu.memory_space<vmem>>, vector<128x1024xf32>
    %convert_element_type3A_1792 = arith.truncf %get3A_1791 : vector<128x1024xf32> to vector<128x1024xbf16>
    %transpose3A_1793 = tpu.transpose %convert_element_type3A_1792, [1, 0] : vector<128x1024xbf16> -> vector<1024x128xbf16>
    %swap3A_1794 = arith.constant 1024 : index
    %swap3A_1795 = arith.constant 3840 : index
    %swap3A_1796 = vector.load %arg6[%swap3A_1794, %swap3A_1795] : memref<4096x4096xbf16, #tpu.memory_space<vmem>>, vector<1024x128xbf16>
    tpu.vector_store %arg6[%swap3A_1794, %swap3A_1795], %transpose3A_1793 {strides = array<i32>} : memref<4096x4096xbf16, #tpu.memory_space<vmem>>, vector<1024x128xbf16>,
    %get3A_1797 = arith.constant 0 : index
    %get3A_1798 = arith.constant 2048 : index
    %get3A_1799 = vector.load %arg14[%get3A_1797, %get3A_1798] : memref<128x4096xf32, #tpu.memory_space<vmem>>, vector<128x1024xf32>
    %convert_element_type3A_1800 = arith.truncf %get3A_1799 : vector<128x1024xf32> to vector<128x1024xbf16>
    %transpose3A_1801 = tpu.transpose %convert_element_type3A_1800, [1, 0] : vector<128x1024xbf16> -> vector<1024x128xbf16>
    %swap3A_1802 = arith.constant 2048 : index
    %swap3A_1803 = arith.constant 3840 : index
    %swap3A_1804 = vector.load %arg6[%swap3A_1802, %swap3A_1803] : memref<4096x4096xbf16, #tpu.memory_space<vmem>>, vector<1024x128xbf16>
    tpu.vector_store %arg6[%swap3A_1802, %swap3A_1803], %transpose3A_1801 {strides = array<i32>} : memref<4096x4096xbf16, #tpu.memory_space<vmem>>, vector<1024x128xbf16>,
    %get3A_1805 = arith.constant 0 : index
    %get3A_1806 = arith.constant 3072 : index
    %get3A_1807 = vector.load %arg14[%get3A_1805, %get3A_1806] : memref<128x4096xf32, #tpu.memory_space<vmem>>, vector<128x1024xf32>
    %convert_element_type3A_1808 = arith.truncf %get3A_1807 : vector<128x1024xf32> to vector<128x1024xbf16>
    %transpose3A_1809 = tpu.transpose %convert_element_type3A_1808, [1, 0] : vector<128x1024xbf16> -> vector<1024x128xbf16>
    %swap3A_1810 = arith.constant 3072 : index
    %swap3A_1811 = arith.constant 3840 : index
    %swap3A_1812 = vector.load %arg6[%swap3A_1810, %swap3A_1811] : memref<4096x4096xbf16, #tpu.memory_space<vmem>>, vector<1024x128xbf16>
    tpu.vector_store %arg6[%swap3A_1810, %swap3A_1811], %transpose3A_1809 {strides = array<i32>} : memref<4096x4096xbf16, #tpu.memory_space<vmem>>, vector<1024x128xbf16>,
    %dma_wait3A_1813 = arith.constant 3968 : i32
    %dma_wait3A_1814 = arith.constant 0 : i32
    %dma_wait3A_1815 = tpu.memref_slice %arg2[%dma_wait3A_1813, %dma_wait3A_1814] : memref<4096x4096xf32, #tpu.memory_space<hbm>> -> memref<128x4096xf32, #tpu.memory_space<hbm>>
    tpu.wait_dma2 semaphore(%arg21 : memref<!tpu.dma_semaphore, #tpu.memory_space<semaphore_mem>>) src(%dma_wait3A_1815 : memref<128x4096xf32, #tpu.memory_space<hbm>>) dst(%arg15 : memref<128x4096xf32, #tpu.memory_space<vmem>>)
    %get3A_1816 = arith.constant 0 : index
    %get3A_1817 = arith.constant 0 : index
    %get3A_1818 = vector.load %arg15[%get3A_1816, %get3A_1817] : memref<128x4096xf32, #tpu.memory_space<vmem>>, vector<128x1024xf32>
    %convert_element_type3A_1819 = arith.truncf %get3A_1818 : vector<128x1024xf32> to vector<128x1024xbf16>
    %transpose3A_1820 = tpu.transpose %convert_element_type3A_1819, [1, 0] : vector<128x1024xbf16> -> vector<1024x128xbf16>
    %swap3A_1821 = arith.constant 0 : index
    %swap3A_1822 = arith.constant 3968 : index
    %swap3A_1823 = vector.load %arg6[%swap3A_1821, %swap3A_1822] : memref<4096x4096xbf16, #tpu.memory_space<vmem>>, vector<1024x128xbf16>
    tpu.vector_store %arg6[%swap3A_1821, %swap3A_1822], %transpose3A_1820 {strides = array<i32>} : memref<4096x4096xbf16, #tpu.memory_space<vmem>>, vector<1024x128xbf16>,
    %get3A_1824 = arith.constant 0 : index
    %get3A_1825 = arith.constant 1024 : index
    %get3A_1826 = vector.load %arg15[%get3A_1824, %get3A_1825] : memref<128x4096xf32, #tpu.memory_space<vmem>>, vector<128x1024xf32>
    %convert_element_type3A_1827 = arith.truncf %get3A_1826 : vector<128x1024xf32> to vector<128x1024xbf16>
    %transpose3A_1828 = tpu.transpose %convert_element_type3A_1827, [1, 0] : vector<128x1024xbf16> -> vector<1024x128xbf16>
    %swap3A_1829 = arith.constant 1024 : index
    %swap3A_1830 = arith.constant 3968 : index
    %swap3A_1831 = vector.load %arg6[%swap3A_1829, %swap3A_1830] : memref<4096x4096xbf16, #tpu.memory_space<vmem>>, vector<1024x128xbf16>
    tpu.vector_store %arg6[%swap3A_1829, %swap3A_1830], %transpose3A_1828 {strides = array<i32>} : memref<4096x4096xbf16, #tpu.memory_space<vmem>>, vector<1024x128xbf16>,
    %get3A_1832 = arith.constant 0 : index
    %get3A_1833 = arith.constant 2048 : index
    %get3A_1834 = vector.load %arg15[%get3A_1832, %get3A_1833] : memref<128x4096xf32, #tpu.memory_space<vmem>>, vector<128x1024xf32>
    %convert_element_type3A_1835 = arith.truncf %get3A_1834 : vector<128x1024xf32> to vector<128x1024xbf16>
    %transpose3A_1836 = tpu.transpose %convert_element_type3A_1835, [1, 0] : vector<128x1024xbf16> -> vector<1024x128xbf16>
    %swap3A_1837 = arith.constant 2048 : index
    %swap3A_1838 = arith.constant 3968 : index
    %swap3A_1839 = vector.load %arg6[%swap3A_1837, %swap3A_1838] : memref<4096x4096xbf16, #tpu.memory_space<vmem>>, vector<1024x128xbf16>
    tpu.vector_store %arg6[%swap3A_1837, %swap3A_1838], %transpose3A_1836 {strides = array<i32>} : memref<4096x4096xbf16, #tpu.memory_space<vmem>>, vector<1024x128xbf16>,
    %get3A_1840 = arith.constant 0 : index
    %get3A_1841 = arith.constant 3072 : index
    %get3A_1842 = vector.load %arg15[%get3A_1840, %get3A_1841] : memref<128x4096xf32, #tpu.memory_space<vmem>>, vector<128x1024xf32>
    %convert_element_type3A_1843 = arith.truncf %get3A_1842 : vector<128x1024xf32> to vector<128x1024xbf16>
    %transpose3A_1844 = tpu.transpose %convert_element_type3A_1843, [1, 0] : vector<128x1024xbf16> -> vector<1024x128xbf16>
    %swap3A_1845 = arith.constant 3072 : index
    %swap3A_1846 = arith.constant 3968 : index
    %swap3A_1847 = vector.load %arg6[%swap3A_1845, %swap3A_1846] : memref<4096x4096xbf16, #tpu.memory_space<vmem>>, vector<1024x128xbf16>
    tpu.vector_store %arg6[%swap3A_1845, %swap3A_1846], %transpose3A_1844 {strides = array<i32>} : memref<4096x4096xbf16, #tpu.memory_space<vmem>>, vector<1024x128xbf16>,
    %scan3A = arith.constant 2 : i32
    %scan3A_1848 = arith.constant 29 : i32
    %scan3A_1849 = arith.addi %scan3A, %scan3A_1848 : i32
    %scan3A_1850 = arith.constant 1 : i32
    scf.for %scan3A_1878 = %scan3A to %scan3A_1849 step %scan3A_1850  : i32 {
      %get3A_1879 = arith.constant 0 : index
      %get3A_1880 = arith.constant 0 : index
      %get3A_1881 = vector.load %arg9[%get3A_1879, %get3A_1880] : memref<16x4096xf32, #tpu.memory_space<vmem>>, vector<16x4096xf32>
      %get3A_1882 = arith.constant 0 : index
      %get3A_1883 = arith.constant 0 : index
      %get3A_1884 = vector.load %arg10[%get3A_1882, %get3A_1883] : memref<16x4096xf32, #tpu.memory_space<vmem>>, vector<16x4096xf32>
      %sub3A_1885 = arith.constant 0.000000e+00 : f32
      %sub3A_1886 = vector.broadcast %sub3A_1885 : f32 to vector<16x4096xf32>
      %sub3A_1887 = arith.subf %sub3A_1886, %get3A_1881 : vector<16x4096xf32>
      %add3A_1888 = arith.addf %sub3A_1887, %get3A_1884 : vector<16x4096xf32>
      %mul3A_1889 = arith.constant 1.000000e-01 : f32
      %mul3A_1890 = vector.broadcast %mul3A_1889 : f32 to vector<16x4096xf32>
      %mul3A_1891 = arith.mulf %mul3A_1890, %add3A_1888 : vector<16x4096xf32>
      %add3A_1892 = arith.addf %get3A_1881, %mul3A_1891 : vector<16x4096xf32>
      %mul3A_1893 = arith.constant 2.000000e-01 : f32
      %mul3A_1894 = vector.broadcast %mul3A_1893 : f32 to vector<16x4096xf32>
      %mul3A_1895 = arith.mulf %mul3A_1894, %get3A_1884 : vector<16x4096xf32>
      %sub3A_1896 = arith.subf %get3A_1884, %mul3A_1895 : vector<16x4096xf32>
      %sub3A_1897 = arith.constant 5.000000e-01 : f32
      %sub3A_1898 = vector.broadcast %sub3A_1897 : f32 to vector<16x4096xf32>
      %sub3A_1899 = arith.subf %add3A_1892, %sub3A_1898 : vector<16x4096xf32>
      %gt3A_1900 = arith.constant 0.000000e+00 : f32
      %gt3A_1901 = vector.broadcast %gt3A_1900 : f32 to vector<16x4096xf32>
      %gt3A_1902 = arith.cmpf ogt, %sub3A_1899, %gt3A_1901 : vector<16x4096xf32>
      %convert_element_type3A_1903 = arith.extui %gt3A_1902 : vector<16x4096xi1> to vector<16x4096xi32>
      %convert_element_type3A_1904 = arith.sitofp %convert_element_type3A_1903 : vector<16x4096xi32> to vector<16x4096xf32>
      %sub3A_1905 = arith.constant 1.000000e+00 : f32
      %sub3A_1906 = vector.broadcast %sub3A_1905 : f32 to vector<16x4096xf32>
      %sub3A_1907 = arith.subf %sub3A_1906, %convert_element_type3A_1904 : vector<16x4096xf32>
      %mul3A_1908 = arith.mulf %sub3A_1907, %add3A_1892 : vector<16x4096xf32>
      %swap3A_1909 = arith.constant 0 : index
      %swap3A_1910 = arith.constant 0 : index
      %swap3A_1911 = vector.load %arg9[%swap3A_1909, %swap3A_1910] : memref<16x4096xf32, #tpu.memory_space<vmem>>, vector<16x4096xf32>
      tpu.vector_store %arg9[%swap3A_1909, %swap3A_1910], %mul3A_1908 {strides = array<i32>} : memref<16x4096xf32, #tpu.memory_space<vmem>>, vector<16x4096xf32>,
      %get3A_1912 = arith.constant 0 : index
      %get3A_1913 = arith.constant 0 : index
      %get3A_1914 = vector.load %arg8[%get3A_1912, %get3A_1913] : memref<16x4096xbf16, #tpu.memory_space<vmem>>, vector<16x4096xbf16>
      %get3A_1915 = arith.constant 0 : index
      %get3A_1916 = arith.constant 0 : index
      %get3A_1917 = vector.load %arg6[%get3A_1915, %get3A_1916] : memref<4096x4096xbf16, #tpu.memory_space<vmem>>, vector<4096x4096xbf16>
      %dot_general3A_1918 = arith.constant dense<0.000000e+00> : vector<16x4096xf32>
      %dot_general3A_1919 = tpu.matmul %get3A_1914, %get3A_1917, %dot_general3A_1918 {dimension_numbers = #tpu.dot_dimension_numbers<[1], [0], [0], [1], [0, 0, 1, 1], [], []>, transpose_lhs_hint = false} : vector<16x4096xbf16>, vector<4096x4096xbf16>, vector<16x4096xf32> -> vector<16x4096xf32>
      %mul3A_1920 = arith.constant 16 : i32
      %mul3A_1921 = arith.muli %scan3A_1878, %mul3A_1920 : i32
      %get3A_1922 = arith.index_cast %mul3A_1921 : i32 to index
      %get3A_1923 = arith.constant 0 : index
      %get3A_1924 = vector.load %arg5[%get3A_1922, %get3A_1923] : memref<496x4096xf32, #tpu.memory_space<vmem>>, vector<16x4096xf32>
      %add3A_1925 = arith.addf %sub3A_1896, %get3A_1924 : vector<16x4096xf32>
      %add3A_1926 = arith.addf %add3A_1925, %dot_general3A_1919 : vector<16x4096xf32>
      %swap3A_1927 = arith.constant 0 : index
      %swap3A_1928 = arith.constant 0 : index
      %swap3A_1929 = vector.load %arg10[%swap3A_1927, %swap3A_1928] : memref<16x4096xf32, #tpu.memory_space<vmem>>, vector<16x4096xf32>
      tpu.vector_store %arg10[%swap3A_1927, %swap3A_1928], %add3A_1926 {strides = array<i32>} : memref<16x4096xf32, #tpu.memory_space<vmem>>, vector<16x4096xf32>,
      %convert_element_type3A_1930 = arith.truncf %convert_element_type3A_1904 : vector<16x4096xf32> to vector<16x4096xbf16>
      %swap3A_1931 = arith.constant 0 : index
      %swap3A_1932 = arith.constant 0 : index
      %swap3A_1933 = vector.load %arg8[%swap3A_1931, %swap3A_1932] : memref<16x4096xbf16, #tpu.memory_space<vmem>>, vector<16x4096xbf16>
      tpu.vector_store %arg8[%swap3A_1931, %swap3A_1932], %convert_element_type3A_1930 {strides = array<i32>} : memref<16x4096xbf16, #tpu.memory_space<vmem>>, vector<16x4096xbf16>,
      %mul3A_1934 = arith.constant 16 : i32
      %mul3A_1935 = arith.muli %scan3A_1878, %mul3A_1934 : i32
      %swap3A_1936 = arith.index_cast %mul3A_1935 : i32 to index
      %swap3A_1937 = arith.constant 0 : index
      %swap3A_1938 = vector.load %arg7[%swap3A_1936, %swap3A_1937] : memref<496x4096xbf16, #tpu.memory_space<vmem>>, vector<16x4096xbf16>
      tpu.vector_store %arg7[%swap3A_1936, %swap3A_1937], %convert_element_type3A_1930 {strides = array<i32>} : memref<496x4096xbf16, #tpu.memory_space<vmem>>, vector<16x4096xbf16>,
    }
    %scan3A_1851 = arith.constant 29 : i32
    %get3A_1852 = arith.constant 0 : index
    %get3A_1853 = arith.constant 0 : index
    %get3A_1854 = vector.load %arg7[%get3A_1852, %get3A_1853] : memref<496x4096xbf16, #tpu.memory_space<vmem>>, vector<496x4096xbf16>
    %get3A_1855 = arith.constant 0 : index
    %get3A_1856 = arith.constant 0 : index
    %get3A_1857 = vector.load %arg3[%get3A_1855, %get3A_1856] : memref<256x4096xbf16, #tpu.memory_space<vmem>>, vector<256x4096xbf16>
    %dot_general3A_1858 = arith.constant dense<0.000000e+00> : vector<496x256xf32>
    %dot_general3A_1859 = tpu.matmul %get3A_1854, %get3A_1857, %dot_general3A_1858 {dimension_numbers = #tpu.dot_dimension_numbers<[1], [1], [0], [0], [0, 0, 1, 0], [], []>, transpose_lhs_hint = false} : vector<496x4096xbf16>, vector<256x4096xbf16>, vector<496x256xf32> -> vector<496x256xf32>
    %swap3A_1860 = arith.constant 0 : index
    %swap3A_1861 = arith.constant 0 : index
    %swap3A_1862 = vector.load %arg11[%swap3A_1860, %swap3A_1861] : memref<496x256xf32, #tpu.memory_space<vmem>>, vector<496x256xf32>
    tpu.vector_store %arg11[%swap3A_1860, %swap3A_1861], %dot_general3A_1859 {strides = array<i32>} : memref<496x256xf32, #tpu.memory_space<vmem>>, vector<496x256xf32>,
    %broadcast_in_dim3A_1863 = arith.constant 0.000000e+00 : f32
    %broadcast_in_dim3A_1864 = vector.broadcast %broadcast_in_dim3A_1863 : f32 to vector<16x256xf32>
    %swap3A_1865 = arith.constant 0 : index
    %swap3A_1866 = arith.constant 0 : index
    %swap3A_1867 = vector.load %arg12[%swap3A_1865, %swap3A_1866] : memref<16x256xf32, #tpu.memory_space<vmem>>, vector<16x256xf32>
    tpu.vector_store %arg12[%swap3A_1865, %swap3A_1866], %broadcast_in_dim3A_1864 {strides = array<i32>} : memref<16x256xf32, #tpu.memory_space<vmem>>, vector<16x256xf32>,
    %broadcast_in_dim3A_1868 = arith.constant 0.000000e+00 : f32
    %broadcast_in_dim3A_1869 = vector.broadcast %broadcast_in_dim3A_1868 : f32 to vector<16x256xf32>
    %swap3A_1870 = arith.constant 0 : index
    %swap3A_1871 = arith.constant 0 : index
    %swap3A_1872 = vector.load %arg13[%swap3A_1870, %swap3A_1871] : memref<16x256xf32, #tpu.memory_space<vmem>>, vector<16x256xf32>
    tpu.vector_store %arg13[%swap3A_1870, %swap3A_1871], %broadcast_in_dim3A_1869 {strides = array<i32>} : memref<16x256xf32, #tpu.memory_space<vmem>>, vector<16x256xf32>,
    %scan3A_1873 = arith.constant 0 : i32
    %scan3A_1874 = arith.constant 31 : i32
    %scan3A_1875 = arith.addi %scan3A_1873, %scan3A_1874 : i32
    %scan3A_1876 = arith.constant 1 : i32
    scf.for %scan3A_1878 = %scan3A_1873 to %scan3A_1875 step %scan3A_1876  : i32 {
      %get3A_1879 = arith.constant 0 : index
      %get3A_1880 = arith.constant 0 : index
      %get3A_1881 = vector.load %arg12[%get3A_1879, %get3A_1880] : memref<16x256xf32, #tpu.memory_space<vmem>>, vector<16x256xf32>
      %get3A_1882 = arith.constant 0 : index
      %get3A_1883 = arith.constant 0 : index
      %get3A_1884 = vector.load %arg13[%get3A_1882, %get3A_1883] : memref<16x256xf32, #tpu.memory_space<vmem>>, vector<16x256xf32>
      %mul3A_1885 = arith.constant 16 : i32
      %mul3A_1886 = arith.muli %scan3A_1878, %mul3A_1885 : i32
      %get3A_1887 = arith.index_cast %mul3A_1886 : i32 to index
      %get3A_1888 = arith.constant 0 : index
      %get3A_1889 = vector.load %arg11[%get3A_1887, %get3A_1888] : memref<496x256xf32, #tpu.memory_space<vmem>>, vector<16x256xf32>
      %sub3A_1890 = arith.constant 0.000000e+00 : f32
      %sub3A_1891 = vector.broadcast %sub3A_1890 : f32 to vector<16x256xf32>
      %sub3A_1892 = arith.subf %sub3A_1891, %get3A_1881 : vector<16x256xf32>
      %add3A_1893 = arith.addf %sub3A_1892, %get3A_1884 : vector<16x256xf32>
      %mul3A_1894 = arith.constant 1.000000e-01 : f32
      %mul3A_1895 = vector.broadcast %mul3A_1894 : f32 to vector<16x256xf32>
      %mul3A_1896 = arith.mulf %mul3A_1895, %add3A_1893 : vector<16x256xf32>
      %add3A_1897 = arith.addf %get3A_1881, %mul3A_1896 : vector<16x256xf32>
      %mul3A_1898 = arith.constant 2.000000e-01 : f32
      %mul3A_1899 = vector.broadcast %mul3A_1898 : f32 to vector<16x256xf32>
      %mul3A_1900 = arith.mulf %mul3A_1899, %get3A_1884 : vector<16x256xf32>
      %sub3A_1901 = arith.subf %get3A_1884, %mul3A_1900 : vector<16x256xf32>
      %add3A_1902 = arith.addf %sub3A_1901, %get3A_1889 : vector<16x256xf32>
      %swap3A_1903 = arith.constant 0 : index
      %swap3A_1904 = arith.constant 0 : index
      %swap3A_1905 = vector.load %arg13[%swap3A_1903, %swap3A_1904] : memref<16x256xf32, #tpu.memory_space<vmem>>, vector<16x256xf32>
      tpu.vector_store %arg13[%swap3A_1903, %swap3A_1904], %add3A_1902 {strides = array<i32>} : memref<16x256xf32, #tpu.memory_space<vmem>>, vector<16x256xf32>,
      %swap3A_1906 = arith.constant 0 : index
      %swap3A_1907 = arith.constant 0 : index
      %swap3A_1908 = vector.load %arg12[%swap3A_1906, %swap3A_1907] : memref<16x256xf32, #tpu.memory_space<vmem>>, vector<16x256xf32>
      tpu.vector_store %arg12[%swap3A_1906, %swap3A_1907], %add3A_1897 {strides = array<i32>} : memref<16x256xf32, #tpu.memory_space<vmem>>, vector<16x256xf32>,
      %mul3A_1909 = arith.constant 16 : i32
      %mul3A_1910 = arith.muli %scan3A_1878, %mul3A_1909 : i32
      %swap3A_1911 = arith.index_cast %mul3A_1910 : i32 to index
      %swap3A_1912 = arith.constant 0 : index
      %swap3A_1913 = vector.load %arg4[%swap3A_1911, %swap3A_1912] : memref<496x256xf32, #tpu.memory_space<vmem>>, vector<16x256xf32>
      tpu.vector_store %arg4[%swap3A_1911, %swap3A_1912], %add3A_1897 {strides = array<i32>} : memref<496x256xf32, #tpu.memory_space<vmem>>, vector<16x256xf32>,
    }
    %scan3A_1877 = arith.constant 31 : i32
    return
  }
}

</mosaic_0001>

<sc_bundles>
// kernel: kernel.4.cloned.1.call-start
scs
__scs_entry_jumppad:
0x0: {  	(pc) =	sbr.rel $0x88, $3  }
0x1: {  	(tag) =	ssettag $0x0;
	lr =	simm.s32 $0x1  }
0x2: {  	[smem:$0x3F9D] =	sst lr;
	_ =	strace $0xD0000000  }
0x3: {  	_ = 	snop  }
0x4: {  	_ = 	snop  }
0x5: {  	_ = 	snop  }
0x6: {  	_ = 	snop  }
0x7: {  	_ = 	snop  }
__scs_overlays_trampoline_lowered:
0x8: {  	[smem:$0x3FAC] =	sst s0  }
0x9: {  	[smem:$0x3FAD] =	sst s1  }
0xa: {  	[smem:$0x3FAE] =	sst s2  }
0xb: {  	[smem:$0x3FAF] =	sst s3  }
0xc: {  	[smem:$0x3FB0] =	sst s4  }
0xd: {  	[smem:$0x3FB1] =	sst s5  }
0xe: {  	[smem:$0x3FB2] =	sst s6  }
0xf: {  	[smem:$0x3FB3] =	sst s7  }
0x10: {  	[smem:$0x3FB4] =	sst s8  }
0x11: {  	[smem:$0x3FB5] =	sst s9;
	s0 =	simm.s32 @!p0 $0x0  }
0x12: {  	s1 =	sld [smem:$0x3F9B];
	s0 =	simm.s32 @p0 $0x1  }
0x13: {  	[smem:$0x3FB6] =	sst s0;
	s0 =	simm.s32 @!p1 $0x0  }
0x14: {  	s2 =	sld [smem:$0x3F9A];
	s0 =	simm.s32 @p1 $0x1  }
0x15: {  	[smem:$0x3FB7] =	sst s0;
	s0 =	simm.s32 @!p2 $0x0  }
0x16: {  	s3 =	sld [smem:$0x3FDB];
	s0 =	simm.s32 @p2 $0x1  }
0x17: {  	s4 =	simm.s32 $0x1BF5;
	[smem:$0x3FB9] =	sst s0  }
0x18: {  	s0 =	sld [smem:$0x3F9C];
	_ =	swait.ge [sflag:s4], $0x0  }
0x19: {  	s7 =	sld [smem:$0x3F9D]  }
0x1a: {  	s8 =	sadd.s32 $0xFFFFE003, lr  }
0x1b: {  	s9 =	sadd.s32 $0xFFFFFEF7, lr;
	s5 =	simm.s32 $0xFFFFFFFF;
	p2 =	slt.u32 s8, $0xFFFFF086  }
0x1c: {  	p1 =	slt.u32 s9, $0xF7A;
	s5 =	simm.s32 @!p2 $0x0  }
0x1d: {  	s5 =	simm.s32 @p1 $0x1;
	p0 =	seq.s32 s7, s2  }
0x1e: {  	s7 =	smul.u32 @!p0 $0xF7A, s2;
	p2 =	seq.s32 @!p0 s5, $0x0  }
0x1f: {  	s9 =	smul.u32 $0xF7A, s1;
	s8 =	simm.s32 @!p0 $0x1BF5;
	p2 =	por !p2, p0  }
0x20: {  	[sflag:s8] =	ssyncset.s32 @!p0 $0xFFFFF086;
	s6 =	sadd.s32 @!p0 s3, s7;
	s7 =	simm.s32 @!p0 $0x108  }
0x21: {  	s3 =	sadd.s32 s3, s9;
	s6 =	sadd.s32 @!p0 $0x88, s6;
	s7 =	simm.s32 @p2 $0x1082  }
0x22: {  	[simem:s7], [sflag:s8] =	dma.local @!p0 [hbm:s6], $0xF7A  }
0x23: {  	s9 =	sor.u32 $0xD0000000, s2;
	s6 =	simm.s32 $0x108;
	_ =	swait.ge @!p0 [sflag:s8], $0x0  }
0x24: {  	s3 =	sadd.s32 $0x88, s3;
	s6 =	simm.s32 @!p1 $0x1082;
	[sflag:s4] =	ssyncset.s32 $0xFFFFF086  }
0x25: {  	[simem:s6], [sflag:s4] =	dma.local [hbm:s3], $0xF7A  }
0x26: {  	[smem:$0x3F9D] =	sst s1;
	(tag) =	ssettag s2;
	_ =	strace s9  }
0x27: {  	s1 =	sld [smem:$0x3FAD]  }
0x28: {  	s2 =	sld [smem:$0x3FAE]  }
0x29: {  	s4 =	sld [smem:$0x3FB0]  }
0x2a: {  	p0 =	seq.s32 s5, $0x0;
	s5 =	sld [smem:$0x3FB1]  }
0x2b: {  	s6 =	sld [smem:$0x3FB2]  }
0x2c: {  	s7 =	sld [smem:$0x3FB3]  }
0x2d: {  	s3 =	simm.s32 $0x108;
	s8 =	sld [smem:$0x3FB4]  }
0x2e: {  	s3 =	simm.s32 @!p0 $0x1082;
	s9 =	sld [smem:$0x3FB5]  }
0x2f: {  	lr =	sadd.s32 s0, s3;
	s0 =	sld [smem:$0x3FAC]  }
0x30: {  	s3 =	sld [smem:$0x3FAF]  }
0x31: {  	[smem:$0x3FB8] =	sst s10  }
0x32: {  	s10 =	sld [smem:$0x3FB6];
	_ =	sdelay $0x3  }
0x33: {  	p0 =	seq.s32 s10, $0x1;
	s10 =	sld [smem:$0x3FB8];
	_ =	sdelay $0x3  }
0x34: {  	[smem:$0x3FB8] =	sst s10  }
0x35: {  	s10 =	sld [smem:$0x3FB7];
	_ =	sdelay $0x3  }
0x36: {  	p1 =	seq.s32 s10, $0x1;
	s10 =	sld [smem:$0x3FB8];
	_ =	sdelay $0x3  }
0x37: {  	[smem:$0x3FB8] =	sst s10  }
0x38: {  	s10 =	sld [smem:$0x3FB9]  }
0x39: {  	_ = 	snop;
	(pc) =	sbr.ind lr, $3  }
0x3a: {  	_ = 	snop  }
0x3b: {  	_ = 	snop  }
0x3c: {  	p2 =	seq.s32 s10, $0x1;
	s10 =	sld [smem:$0x3FB8]  }
0x3d: {  	_ =	shalt  }
0x3e: {  	_ =	shalt  }
0x3f: {  	_ =	shalt  }
0x40: {  	_ =	shalt  }
0x41: {  	_ =	shalt  }
0x42: {  	_ =	shalt  }
0x43: {  	_ =	shalt  }
0x44: {  	_ =	shalt  }
0x45: {  	_ =	shalt  }
0x46: {  	_ =	shalt  }
0x47: {  	_ =	shalt  }
0x48: {  	_ =	shalt  }
0x49: {  	_ =	shalt  }
0x4a: {  	_ =	shalt  }
0x4b: {  	_ =	shalt  }
0x4c: {  	_ =	shalt  }
0x4d: {  	_ =	shalt  }
0x4e: {  	_ =	shalt  }
0x4f: {  	_ =	shalt  }
0x50: {  	_ =	shalt  }
0x51: {  	_ =	shalt  }
0x52: {  	_ =	shalt  }
0x53: {  	_ =	shalt  }
0x54: {  	_ =	shalt  }
0x55: {  	_ =	shalt  }
0x56: {  	_ =	shalt  }
0x57: {  	_ =	shalt  }
0x58: {  	_ =	shalt  }
0x59: {  	_ =	shalt  }
0x5a: {  	_ =	shalt  }
0x5b: {  	_ =	shalt  }
0x5c: {  	_ =	shalt  }
0x5d: {  	_ =	shalt  }
0x5e: {  	_ =	shalt  }
0x5f: {  	_ =	shalt  }
0x60: {  	_ =	shalt  }
0x61: {  	_ =	shalt  }
0x62: {  	_ =	shalt  }
0x63: {  	_ =	shalt  }
0x64: {  	_ =	shalt  }
0x65: {  	_ =	shalt  }
0x66: {  	_ =	shalt  }
0x67: {  	_ =	shalt  }
0x68: {  	_ =	shalt  }
0x69: {  	_ =	shalt  }
0x6a: {  	_ =	shalt  }
0x6b: {  	_ =	shalt  }
0x6c: {  	_ =	shalt  }
0x6d: {  	_ =	shalt  }
0x6e: {  	_ =	shalt  }
0x6f: {  	_ =	shalt  }
0x70: {  	_ =	shalt  }
0x71: {  	_ =	shalt  }
0x72: {  	_ =	shalt  }
0x73: {  	_ =	shalt  }
0x74: {  	_ =	shalt  }
0x75: {  	_ =	shalt  }
0x76: {  	_ =	shalt  }
0x77: {  	_ =	shalt  }
0x78: {  	_ =	shalt  }
0x79: {  	_ =	shalt  }
0x7a: {  	_ =	shalt  }
0x7b: {  	_ =	shalt  }
0x7c: {  	_ =	shalt  }
0x7d: {  	_ =	shalt  }
0x7e: {  	_ =	shalt  }
0x7f: {  	_ =	shalt  }
0x80: {  	_ =	shalt  }
0x81: {  	_ =	shalt  }
0x82: {  	_ =	shalt  }
0x83: {  	_ =	shalt  }
0x84: {  	_ =	shalt  }
0x85: {  	_ =	shalt  }
0x86: {  	_ =	shalt  }
0x87: {  	_ =	shalt  }
.Lfunc_end0:
.L_simem_size_0:
called_computation_lowered:
.L_overlay_start_0:
0x88: {  	s2 =	sld [smem:$0x3FD9]  }
0x89: {  	s3 =	sld [smem:$0x3FFE];
	_ =	sdelay $0x1  }
0x8a: {  	s1 =	srdreg.scid  }
0x8b: {  	s0 =	sand.u32 $0x1, s1  }
0x8c: {  	s16 =	sshll.u32 s0, $0xA;
	s2 =	sadd.s32 s3, s2  }
0x8d: {  	s2 =	sadd.s32 s2, s16  }
0x8e: {  	[smem:$0x3FC4] =	sst s2  }
0x8f: {  	_ = 	snop  }
0x90: {  	(tm) =	ssettm $0x1  }
0x91: {  	s17 =	sld [smem:$0x3FFB];
	_ =	sdelay $0x3  }
0x92: {  	_ =	strace s17  }
0x93: {  	s2 =	sld [smem:$0x3FFC];
	_ =	sdelay $0x3  }
0x94: {  	_ =	strace s2  }
0x95: {  	s2 =	sld [smem:$0x3FFD];
	_ =	sdelay $0x3  }
0x96: {  	_ =	strace s2  }
0x97: {  	_ =	strace $0x8FFFFFFF  }
0x98: {  	s18 =	sld [smem:$0x3FDB];
	_ =	sdelay $0x1  }
0x99: {  	s19 =	simm.s32 $_scs_section_size  }
0x9a: {  	s4 =	simm.s32 $_size__tile_overlayer_lowered;
	s5 =	simm.s32 $_tile_overlayer_lowered  }
0x9b: {  	s22 =	simm.s32 $0x1BFF;
	s21 =	sshll.u32 s5, $0x1;
	s2 =	sadd.s32 s19, s18  }
0x9c: {  	s6 =	simm.s32 $0x0;
	s20 =	sshll.u32 s4, $0x1;
	s4 =	sadd.s32 s21, s2  }
0x9d: {  	[timem:s6], [sflag:s22] =	dma.local [hbm:s4], s20  }
0x9e: {  	_ =	swait.ge [sflag:s22], s20  }
0x9f: {  	s3 =	ssub.s32 $0x0, s20;
	[sflag:s22] =	ssyncset.done $0x0  }
0xa0: {  	[sflag:s22] =	ssyncadd.s32 s3;
	_ =	sdelay $0x1  }
0xa1: {  	s23 =	simm.s32 $0x1B8B  }
0xa2: {  	_ =	swait.ge [sflag:s23], $0x1  }
0xa3: {  	[sflag:s23] =	ssyncset.done $0x0  }
0xa4: {  	s25 =	simm.s32 $0x1B8E;
	s24 =	sld [smem:$0x3FFE];
	[sflag:s23] =	ssyncadd.s32 $0xFFFFFFFF  }
0xa5: {  	s26 =	simm.s32 $execute0_lowered;
	[smem:$0x3FD2] =	sst s25  }
0xa6: {  	s4 =	sshll.u32 s26, $0x1;
	_ =	strace $0x80000046;
	[dreg:$0x1] =	wrdreg $0xFFFFFFFF  }
0xa7: {  	s28 =	simm.s32 $_size_execute0_lowered;
	s2 =	sadd.s32 s2, s4;
	[dreg:$0x0] =	wrdreg $0x0  }
0xa8: {  	s4 =	sshll.u32 s28, $0x1;
	[dreg:$0x2] =	wrdreg s2  }
0xa9: {  	[dreg:$0x3] =	wrdreg s4  }
0xaa: {  	[dreg:$0x4] =	wrdreg $0xC0  }
0xab: {  	_ =	task [dreg:s6], $0x5FFFF  }
0xac: {  	[dreg:$0x1] =	wrdreg $0xFFFFFFFF  }
0xad: {  	[dreg:$0x0] =	wrdreg $0x60  }
0xae: {  	[dreg:$0x2] =	wrdreg s24  }
0xaf: {  	[dreg:$0x3] =	wrdreg $0x9  }
0xb0: {  	_ =	task.clear_ibuf [dreg:s6], $0x4FFFF;
	_ =	strace $0x90000046  }
0xb1: {  	s29 =	simm.s32 $0x9;
	_ =	strace $0x80000048  }
0xb2: {  	_ =	swait.ge [sflag:s29], $0x1  }
0xb3: {  	[sflag:s29] =	ssyncadd.s32 $0xFFFFFFFF  }
0xb4: {  	_ =	strace $0x90000048  }
0xb5: {  	_ =	sfence  }
0xb6: {  	s30 =	sld [smem:$0x0];
	_ =	sdelay $0x2  }
0xb7: {  	s31 =	sshll.u32 s1, $0xD;
	s1 =	sshrl.u32 s1, $0x2  }
0xb8: {  	s3 =	sand.u32 $0x4000, s31;
	s1 =	sadd.s32 s1, s30  }
0xb9: {  	s0 =	sor.u32 s3, s0;
	s1 =	sshll.u32 s1, $0x11  }
0xba: {  	s0 =	sor.u32 s1, s0  }
0xbb: {  	s0 =	sadd.s32 $0x8F2B, s0  }
0xbc: {  	[sflag:s0] =	ssyncadd.remote.s32 $0x1  }
0xbd: {  	_ =	sfence.sel $0xFFFF  }
0xbe: {  	[dreg:$0x0] =	wrdreg $0xFFFFFFFF;
	(pc) =	sbr.abs _section_cstart, $3  }
0xbf: {  	[dreg:$0x1] =	wrdreg $0xFFFFFFFF  }
0xc0: {  	_ =	task.clear_ibuf [dreg:s6], $0x2FFFF;
	_ =	strace $0x9FFFFFFF  }
0xc1: {  	(tm) =	ssettm $0x7FFFFFFF  }
tec
execute0_lowered:
.L_overlay_start_1:
0x0: {  	(tag) =	ssettag $0x1  }
0x1: {  	s1 =	stileid.u32  }
0x2: {  	p0 =	sgt.u32 s1, $0x7  }
.Ltmp0:
0x3: {  	_ = 	snop;
	(pc) =	sbr.rel @p0 .LBB2_7-.Ltmp0, $4  }
0x4: {  	_ = 	snop  }
0x5: {  	s2 =	simm.s32 $0x0  }
0x6: {  	[smem:$0x7FF] =	sst s2  }
0x7: {  	s0 =	rddreg [dreg:$0x0];
	_ =	strace $0x80000047  }
0x8: {  	s1 =	srdreg.scid;
	s4 =	stileid.u32;
	s6 =	sadd.s32 $0x600, s0  }
0x9: {  	s8 =	simm.s32 $0x1;
	s9 =	simm.s32 $0x2000;
	s10 =	simm.s32 $0x4000  }
0xa: {  	s31 =	simm.s32 $0x6C00;
	s7 =	simm.s32 $0x7800;
	s12 =	simm.s32 $0x7C00  }
0xb: {  	s14 =	simm.s32 $0x8000;
	s15 =	simm.s32 $0x8400;
	s16 =	simm.s32 $0x8800  }
0xc: {  	s17 =	simm.s32 $0x8C00;
	s18 =	simm.s32 $0x9000;
	s19 =	simm.s32 $0x9400  }
0xd: {  	s20 =	simm.s32 $0x9800;
	s21 =	simm.s32 $0x9C00;
	s22 =	simm.s32 $0x0  }
0xe: {  	s1 =	sand.u32 $0x1, s1;
	s3 =	sshll.u32 s4, $0x8;
	s4 =	sshrl.u32 s4, $0x2  }
0xf: {  	s5 =	sshll.u32 s1, $0x7;
	s3 =	sand.u32 $0x300, s3;
	s25 =	sshll.u32 s4, $0xD  }
0x10: {  	v0 =	vimm.s32 $0xFFEDCBA9;
	v1 =	vimm.s32 $0x87654321;
	s4 =	sshll.u32 s4, $0x10;
	s1 =	ssub.s32 $0x2, s1;
	s3 =	sor.u32 s5, s3  }
0x11: {  	v0 =	vunpack.c.l.s4.s8 v0;
	v1 =	vunpack.c.l.s4.s8 v1;
	s28 =	sshrl.u32 s1, $0x1;
	s5 =	sor.u32 s25, s3;
	s3 =	sor.u32 s4, s3  }
0x12: {  	s30 =	ssub.s32 s1, s28;
	s5 =	sshrl.u32 s5, $0x3;
	s29 =	sshrl.u32 s3, $0x3  }
0x13: {  	v2 =	vlaneseq.u32;
	v3 =	vunpack.c.0.s8.s32 v0;
	v4 =	vunpack.c.0.s8.s32 v1;
	s1 =	simm.s32 $0x7400;
	s26 =	sadd.s32 s5, s0;
	s4 =	sadd.s32 s6, s29  }
0x14: {  	vm0 =	vcmask $0x3F3C;
	v1 =	vmul.u32 $0x4, v2;
	s5 =	smax.u32 s30, $0x1;
	s6 =	simm.s32 $0x80;
	s3 =	sadd.s32 $0x4600, s26  }
0x15: {  	v0 =	vimm.f32 $0.0e+00;
	v2 =	vor.u32 $0x80000000, v2;
	v3 =	vcombine.low v4, v3;
	s0 =	simm.s32 $0x7000;
	s11 =	sadd.s32 $0x80, s3;
	s13 =	sadd.s32 $0x100, s3  }
.LBB2_2:
0x16: {  	s23 =	simm.s32 $0x0;
	s24 =	simm.s32 $0x400  }
0x17: {  	[tilespmem:s23], [sflag:$0x1] =	stream.strided.gather [hbm4b:s4+s6], $0x2000, s24, s6, $0x38;
	[tilespmem:$0xA000] =	vst v63  }
0x18: {  	_ =	swait.ge [sflag:s8], $0x2000  }
0x19: {  	s25 =	simm.s32 $0x0;
	s26 =	simm.s32 $0x0;
	[sflag:s8] =	ssyncset.done $0x0  }
0x1a: {  	s28 =	simm.s32 $0x0;
	s24 =	simm.s32 $0xFFFF8400;
	[sflag:s8] =	ssyncadd.s32 $0xFFFFE000  }
.LBB2_3:
0x1b: {  	s29 =	sadd.s32 $0x7C00, s24  }
0x1c: {  	s30 =	sand.u32 $0x380, s28;
	s29 =	sand.u32 $0x6000, s29  }
0x1d: {  	s29 =	sor.u32 s30, s29  }
0x1e: {  	[tilespmem:s29+$0x2000] =	vst v0  }
0x1f: {  	[tilespmem:s29+$0x2010] =	vst v0  }
0x20: {  	[tilespmem:s29+$0x2020] =	vst v0  }
0x21: {  	[tilespmem:s29+$0x2030] =	vst v0  }
0x22: {  	[tilespmem:s29+$0x2040] =	vst v0  }
0x23: {  	[tilespmem:s29+$0x2050] =	vst v0  }
0x24: {  	[tilespmem:s29+$0x2060] =	vst v0  }
0x25: {  	[tilespmem:s29+$0x2070] =	vst v0  }
0x26: {  	[tilespmem:s29+$0x2400] =	vst v0  }
0x27: {  	[tilespmem:s29+$0x2410] =	vst v0  }
0x28: {  	[tilespmem:s29+$0x2420] =	vst v0  }
0x29: {  	[tilespmem:s29+$0x2430] =	vst v0  }
0x2a: {  	[tilespmem:s29+$0x2440] =	vst v0  }
0x2b: {  	[tilespmem:s29+$0x2450] =	vst v0  }
0x2c: {  	[tilespmem:s29+$0x2460] =	vst v0  }
0x2d: {  	[tilespmem:s29+$0x2470] =	vst v0  }
0x2e: {  	[tilespmem:s29+$0x2800] =	vst v0  }
0x2f: {  	[tilespmem:s29+$0x2810] =	vst v0  }
0x30: {  	[tilespmem:s29+$0x2820] =	vst v0  }
0x31: {  	[tilespmem:s29+$0x2830] =	vst v0  }
0x32: {  	[tilespmem:s29+$0x2840] =	vst v0  }
0x33: {  	[tilespmem:s29+$0x2850] =	vst v0  }
0x34: {  	[tilespmem:s29+$0x2860] =	vst v0  }
0x35: {  	[tilespmem:s29+$0x2870] =	vst v0  }
0x36: {  	[tilespmem:s29+$0x2C00] =	vst v0  }
0x37: {  	[tilespmem:s29+$0x2C10] =	vst v0  }
0x38: {  	[tilespmem:s29+$0x2C20] =	vst v0  }
0x39: {  	[tilespmem:s29+$0x2C30] =	vst v0  }
0x3a: {  	[tilespmem:s29+$0x2C40] =	vst v0  }
0x3b: {  	[tilespmem:s29+$0x2C50] =	vst v0  }
0x3c: {  	[tilespmem:s29+$0x2C60] =	vst v0  }
0x3d: {  	[tilespmem:s29+$0x2C70] =	vst v0  }
0x3e: {  	[tilespmem:s29+$0x3000] =	vst v0  }
0x3f: {  	[tilespmem:s29+$0x3010] =	vst v0  }
0x40: {  	[tilespmem:s29+$0x3020] =	vst v0  }
0x41: {  	[tilespmem:s29+$0x3030] =	vst v0  }
0x42: {  	[tilespmem:s29+$0x3040] =	vst v0  }
0x43: {  	[tilespmem:s29+$0x3050] =	vst v0  }
0x44: {  	[tilespmem:s29+$0x3060] =	vst v0  }
0x45: {  	[tilespmem:s29+$0x3070] =	vst v0  }
0x46: {  	[tilespmem:s29+$0x3400] =	vst v0  }
0x47: {  	[tilespmem:s29+$0x3410] =	vst v0  }
0x48: {  	[tilespmem:s29+$0x3420] =	vst v0  }
0x49: {  	[tilespmem:s29+$0x3430] =	vst v0  }
0x4a: {  	[tilespmem:s29+$0x3440] =	vst v0  }
0x4b: {  	[tilespmem:s29+$0x3450] =	vst v0  }
0x4c: {  	[tilespmem:s29+$0x3460] =	vst v0  }
0x4d: {  	[tilespmem:s29+$0x3470] =	vst v0  }
0x4e: {  	[tilespmem:s29+$0x3800] =	vst v0  }
0x4f: {  	[tilespmem:s29+$0x3810] =	vst v0  }
0x50: {  	[tilespmem:s29+$0x3820] =	vst v0  }
0x51: {  	[tilespmem:s29+$0x3830] =	vst v0  }
0x52: {  	s30 =	sand.u32 $0x7, s25;
	[tilespmem:s29+$0x3840] =	vst v0  }
0x53: {  	s30 =	sshll.u32 s30, $0x7;
	[tilespmem:s29+$0x3850] =	vst v0  }
0x54: {  	[tilespmem:s29+$0x3860] =	vst v0;
	s30 =	sadd.s32 s30, s26  }
0x55: {  	[tilespmem:s29+$0x3870] =	vst v0;
	s29 =	sor.u32 $0x1C00, s30  }
0x56: {  	[tilespmem:s29+$0x2000] =	vst v0;
	s29 =	sor.u32 $0x1C10, s30  }
0x57: {  	[tilespmem:s29+$0x2000] =	vst v0;
	s29 =	sor.u32 $0x1C20, s30  }
0x58: {  	p0 =	sne.s32 s28, $0xF00;
	[tilespmem:s29+$0x2000] =	vst v0;
	s29 =	sor.u32 $0x1C30, s30  }
.Ltmp1:
0x59: {  	[tilespmem:s29+$0x2000] =	vst v0;
	s29 =	sor.u32 $0x1C40, s30;
	(pc) =	sbr.rel @p0 .LBB2_3-.Ltmp1, $4  }
0x5a: {  	[tilespmem:s29+$0x2000] =	vst v0;
	s29 =	sor.u32 $0x1C50, s30  }
0x5b: {  	[tilespmem:s29+$0x2000] =	vst v0;
	s29 =	sor.u32 $0x1C60, s30  }
0x5c: {  	s24 =	sadd.s32 $0x400, s24;
	s30 =	sor.u32 $0x1C70, s30;
	[tilespmem:s29+$0x2000] =	vst v0  }
0x5d: {  	s28 =	sadd.s32 $0x80, s28;
	s25 =	sadd.s32 $0x1, s25;
	s26 =	sadd.s32 $0x400, s26;
	[tilespmem:s30+$0x2000] =	vst v0  }
0x5e: {  	v4 =	vmov s23  }
0x5f: {  	v4 =	vshll.u32 v4, $0x2  }
0x60: {  	v4 =	vor.u32 v1, v4  }
0x61: {  	v5 =	vor.u32 $0x1, v4;
	_ =	sdelay $0x1  }
0x62: {  	v6 =	vor.u32 $0x3, v4;
	_ =	sdelay $0x1  }
0x63: {  	v7 =	vld.idx.msk [tilespmem:v4+s2+$0x0], $0xffff  }
0x64: {  	v5 =	vld.idx.msk [tilespmem:v5+s2+$0x0], $0xffff;
	_ =	sdelay $0x1  }
0x65: {  	v6 =	vld.idx.msk [tilespmem:v6+s2+$0x0], $0xffff  }
0x66: {  	v4 =	vor.u32 $0x2, v4;
	_ =	sdelay $0x1  }
0x67: {  	v5 =	vmul.f32 v5, v7;
	_ =	sdelay $0x1  }
0x68: {  	v6 =	vtrunc.f32 v6;
	v5 =	vtrunc.f32 v5  }
0x69: {  	v4 =	vld.idx.msk [tilespmem:v4+s2+$0x0], $0xffff;
	v6 =	vcvt.f32.s32 v6;
	v5 =	vcvt.f32.s32 v5;
	_ =	sdelay $0x1  }
0x6a: {  	v6 =	vshll.u32 v6, $0xE;
	v5 =	vshll.u32 v5, $0x4  }
0x6b: {  	v5 =	vadd.s32 v5, v6  }
0x6c: {  	v5 =	vxor.u32 v2, v5  }
0x6d: {  	(xrf1) =	vsort.ascd.msk.u32 $0xffff, v5, v4;
	_ =	sdelay $0xd  }
0x6e: {  	v6, v4, _ =	vpop (xrf1)  }
0x6f: {  	s30 =	sadd.s32 $0x10, s23;
	v7 =	vshrl.u32 v6, $0x4  }
0x70: {  	v5 =	vmov s30;
	v8 =	vxor.u32 $0x8000000, v7  }
0x71: {  	v5 =	vshll.u32 v5, $0x2;
	v9 =	vperm.xlane v8, v3  }
0x72: {  	v10 =	vshrl.u32 v6, $0x1;
	v6 =	vshrl.u32 v6, $0x7;
	v7 =	vand.u32 $0x7F, v7  }
0x73: {  	v63 =	vand.u32 $0x1C00, v10;
	v6 =	vand.u32 $0x380, v6;
	vm1 =	vne.s32 v8, v9  }
0x74: {  	vm2 =	vlt.u32 v8, $0x7C00;
	v9 =	vor.u32 v63, v6;
	vm1 =	vmor vm1, vm0  }
0x75: {  	s23 =	sadd.s32 $0x10, s30;
	v6 =	vand.u32 $0xFFFE000, v8;
	v7 =	vor.u32 v7, v9;
	vm1 =	vmand vm2, vm1  }
.LBB2_5:
0x76: {  	p0 =	sne.s32 s23, $0x7F0;
	v5 =	vor.u32 v1, v5;
	v6 =	vor.u32 v6, v7  }
0x77: {  	v7 =	vor.u32 $0x1, v5;
	_ =	sdelay $0x2  }
0x78: {  	v8 =	vor.u32 $0x3, v5  }
0x79: {  	[tilespmem:v6+s9+$0x0] =	vst.idx.msk vm1, v4  }
0x7a: {  	v4 =	vld.idx.msk [tilespmem:v7+s2+$0x0], $0xffff  }
0x7b: {  	v6 =	vld.idx.msk [tilespmem:v5+s2+$0x0], $0xffff;
	_ =	sdelay $0x1  }
0x7c: {  	v7 =	vld.idx.msk [tilespmem:v8+s2+$0x0], $0xffff  }
0x7d: {  	v5 =	vor.u32 $0x2, v5;
	_ =	sdelay $0x2  }
0x7e: {  	v4 =	vmul.f32 v4, v6;
	_ =	sdelay $0x1  }
0x7f: {  	v4 =	vtrunc.f32 v4;
	v6 =	vtrunc.f32 v7;
	v5 =	vld.idx.msk [tilespmem:v5+s2+$0x0], $0xffff  }
0x80: {  	v4 =	vcvt.f32.s32 v4;
	v6 =	vcvt.f32.s32 v6;
	_ =	sdelay $0x1  }
0x81: {  	v6 =	vshll.u32 v6, $0xE;
	v4 =	vshll.u32 v4, $0x4  }
0x82: {  	v4 =	vadd.s32 v4, v6  }
0x83: {  	v4 =	vxor.u32 v2, v4  }
0x84: {  	(xrf1) =	vsort.ascd.msk.u32 $0xffff, v4, v5;
	_ =	sdelay $0xd  }
0x85: {  	v6, v4, _ =	vpop (xrf1)  }
0x86: {  	v7 =	vshrl.u32 v6, $0x4  }
0x87: {  	v5 =	vmov s23;
	v8 =	vxor.u32 $0x8000000, v7  }
.Ltmp2:
0x88: {  	v5 =	vshll.u32 v5, $0x2;
	v9 =	vperm.xlane v8, v3;
	(pc) =	sbr.rel @p0 .LBB2_5-.Ltmp2, $4  }
0x89: {  	v10 =	vshrl.u32 v6, $0x1;
	v6 =	vshrl.u32 v6, $0x7;
	v7 =	vand.u32 $0x7F, v7  }
0x8a: {  	v6 =	vand.u32 $0x380, v6;
	vm1 =	vne.s32 v8, v9;
	v9 =	vand.u32 $0x1C00, v10  }
0x8b: {  	vm2 =	vlt.u32 v8, $0x7C00;
	vm1 =	vmor vm1, vm0;
	v9 =	vor.u32 v9, v6  }
0x8c: {  	s23 =	sadd.s32 $0x10, s23;
	v6 =	vand.u32 $0xFFFE000, v8;
	vm1 =	vmand vm2, vm1;
	v7 =	vor.u32 v7, v9  }
0x8d: {  	v5 =	vor.u32 v1, v5;
	v6 =	vor.u32 v6, v7  }
0x8e: {  	v57 =	vor.u32 $0x1, v5;
	_ =	sdelay $0x2  }
0x8f: {  	v8 =	vor.u32 $0x3, v5  }
0x90: {  	[tilespmem:v6+s9+$0x0] =	vst.idx.msk vm1, v4  }
0x91: {  	v4 =	vld.idx.msk [tilespmem:v57+s2+$0x0], $0xffff  }
0x92: {  	v6 =	vld.idx.msk [tilespmem:v5+s2+$0x0], $0xffff;
	_ =	sdelay $0x1  }
0x93: {  	v58 =	vld.idx.msk [tilespmem:v8+s2+$0x0], $0xffff  }
0x94: {  	v5 =	vor.u32 $0x2, v5;
	_ =	sdelay $0x1  }
0x95: {  	v4 =	vmul.f32 v4, v6;
	_ =	sdelay $0x1  }
0x96: {  	v59 =	vtrunc.f32 v58;
	v4 =	vtrunc.f32 v4  }
0x97: {  	v5 =	vld.idx.msk [tilespmem:v5+s2+$0x0], $0xffff;
	v6 =	vcvt.f32.s32 v59;
	v4 =	vcvt.f32.s32 v4;
	_ =	sdelay $0x1  }
0x98: {  	v6 =	vshll.u32 v6, $0xE;
	v4 =	vshll.u32 v4, $0x4  }
0x99: {  	v4 =	vadd.s32 v4, v6  }
0x9a: {  	v4 =	vxor.u32 v2, v4  }
0x9b: {  	(xrf1) =	vsort.ascd.msk.u32 $0xffff, v4, v5;
	_ =	sdelay $0xd  }
0x9c: {  	v4, v5, _ =	vpop (xrf1)  }
0x9d: {  	v60 =	vshrl.u32 v4, $0x4  }
0x9e: {  	v61 =	vxor.u32 $0x8000000, v60  }
0x9f: {  	v62 =	vperm.xlane v61, v3  }
0xa0: {  	v9 =	vshrl.u32 v4, $0x1;
	v4 =	vshrl.u32 v4, $0x7;
	v6 =	vand.u32 $0x7F, v60  }
0xa1: {  	v63 =	vand.u32 $0x1C00, v9;
	v4 =	vand.u32 $0x380, v4;
	vm1 =	vne.s32 v61, v62  }
0xa2: {  	vm2 =	vlt.u32 v61, $0x7C00;
	v4 =	vor.u32 v63, v4;
	vm1 =	vmor vm1, vm0  }
0xa3: {  	v7 =	vand.u32 $0xFFFE000, v61;
	v4 =	vor.u32 v6, v4;
	vm1 =	vmand vm2, vm1  }
0xa4: {  	v4 =	vor.u32 v7, v4;
	_ =	sdelay $0x4  }
0xa5: {  	[tilespmem:v4+s9+$0x0] =	vst.idx.msk vm1, v5  }
0xa6: {  	[hbm4b:s3+s6] =	stream.strided.scatter [tilespmem:s9], [sflag:$0x1], $0x400, s10, s6, $0x38;
	[tilespmem:$0xA000] =	vst v63  }
0xa7: {  	s23 =	simm.s32 $0x2400  }
0xa8: {  	[hbm4b:s11+s6] =	stream.strided.scatter [tilespmem:s23], [sflag:$0x1], $0x400, s10, s6, $0x38;
	[tilespmem:$0xA000] =	vst v63  }
0xa9: {  	s26 =	simm.s32 $0x2800  }
0xaa: {  	[hbm4b:s13+s6] =	stream.strided.scatter [tilespmem:s26], [sflag:$0x1], $0x400, s10, s6, $0x38;
	[tilespmem:$0xA000] =	vst v63  }
0xab: {  	s28 =	sadd.s32 $0x180, s3;
	s24 =	simm.s32 $0x2C00  }
0xac: {  	[hbm4b:s28+s6] =	stream.strided.scatter [tilespmem:s24], [sflag:$0x1], $0x400, s10, s6, $0x38;
	[tilespmem:$0xA000] =	vst v63  }
0xad: {  	s29 =	sadd.s32 $0x200, s3;
	s30 =	simm.s32 $0x3000  }
0xae: {  	[hbm4b:s29+s6] =	stream.strided.scatter [tilespmem:s30], [sflag:$0x1], $0x400, s10, s6, $0x38;
	[tilespmem:$0xA000] =	vst v63  }
0xaf: {  	s25 =	simm.s32 $0x3400;
	s24 =	sadd.s32 $0x280, s3  }
0xb0: {  	[hbm4b:s24+s6] =	stream.strided.scatter [tilespmem:s25], [sflag:$0x1], $0x400, s10, s6, $0x38;
	[tilespmem:$0xA000] =	vst v63  }
0xb1: {  	s26 =	sadd.s32 $0x300, s3;
	s28 =	simm.s32 $0x3800  }
0xb2: {  	[hbm4b:s26+s6] =	stream.strided.scatter [tilespmem:s28], [sflag:$0x1], $0x400, s10, s6, $0x38;
	[tilespmem:$0xA000] =	vst v63  }
0xb3: {  	s29 =	sadd.s32 $0x380, s3;
	s30 =	simm.s32 $0x3C00  }
0xb4: {  	[hbm4b:s29+s6] =	stream.strided.scatter [tilespmem:s30], [sflag:$0x1], $0x400, s10, s6, $0x38;
	[tilespmem:$0xA000] =	vst v63  }
0xb5: {  	s25 =	sadd.s32 $0x4000, s3  }
0xb6: {  	[hbm4b:s25+s6] =	stream.strided.scatter [tilespmem:s10], [sflag:$0x1], $0x400, s10, s6, $0x38;
	[tilespmem:$0xA000] =	vst v63  }
0xb7: {  	s26 =	sadd.s32 $0x4080, s3;
	s28 =	simm.s32 $0x4400  }
0xb8: {  	[hbm4b:s26+s6] =	stream.strided.scatter [tilespmem:s28], [sflag:$0x1], $0x400, s10, s6, $0x38;
	[tilespmem:$0xA000] =	vst v63  }
0xb9: {  	s29 =	sadd.s32 $0x4100, s3;
	s30 =	simm.s32 $0x4800  }
0xba: {  	[hbm4b:s29+s6] =	stream.strided.scatter [tilespmem:s30], [sflag:$0x1], $0x400, s10, s6, $0x38;
	[tilespmem:$0xA000] =	vst v63  }
0xbb: {  	s24 =	sadd.s32 $0x4180, s3;
	s25 =	simm.s32 $0x4C00  }
0xbc: {  	[hbm4b:s24+s6] =	stream.strided.scatter [tilespmem:s25], [sflag:$0x1], $0x400, s10, s6, $0x38;
	[tilespmem:$0xA000] =	vst v63  }
0xbd: {  	s26 =	sadd.s32 $0x4200, s3;
	s28 =	simm.s32 $0x5000  }
0xbe: {  	[hbm4b:s26+s6] =	stream.strided.scatter [tilespmem:s28], [sflag:$0x1], $0x400, s10, s6, $0x38;
	[tilespmem:$0xA000] =	vst v63  }
0xbf: {  	s29 =	sadd.s32 $0x4280, s3;
	s30 =	simm.s32 $0x5400  }
0xc0: {  	[hbm4b:s29+s6] =	stream.strided.scatter [tilespmem:s30], [sflag:$0x1], $0x400, s10, s6, $0x38;
	[tilespmem:$0xA000] =	vst v63  }
0xc1: {  	s24 =	sadd.s32 $0x4300, s3;
	s25 =	simm.s32 $0x5800  }
0xc2: {  	[hbm4b:s24+s6] =	stream.strided.scatter [tilespmem:s25], [sflag:$0x1], $0x400, s10, s6, $0x38;
	[tilespmem:$0xA000] =	vst v63  }
0xc3: {  	s26 =	sadd.s32 $0x4380, s3;
	s28 =	simm.s32 $0x5C00  }
0xc4: {  	[hbm4b:s26+s6] =	stream.strided.scatter [tilespmem:s28], [sflag:$0x1], $0x400, s10, s6, $0x38;
	[tilespmem:$0xA000] =	vst v63  }
0xc5: {  	s29 =	sadd.s32 $0x8000, s3;
	s30 =	simm.s32 $0x6000  }
0xc6: {  	[hbm4b:s29+s6] =	stream.strided.scatter [tilespmem:s30], [sflag:$0x1], $0x400, s10, s6, $0x38;
	[tilespmem:$0xA000] =	vst v63  }
0xc7: {  	s25 =	sadd.s32 $0x8080, s3;
	s26 =	simm.s32 $0x6400  }
0xc8: {  	[hbm4b:s25+s6] =	stream.strided.scatter [tilespmem:s26], [sflag:$0x1], $0x400, s10, s6, $0x38;
	[tilespmem:$0xA000] =	vst v63  }
0xc9: {  	s28 =	sadd.s32 $0x8100, s3;
	s29 =	simm.s32 $0x6800  }
0xca: {  	[hbm4b:s28+s6] =	stream.strided.scatter [tilespmem:s29], [sflag:$0x1], $0x400, s10, s6, $0x38;
	[tilespmem:$0xA000] =	vst v63  }
0xcb: {  	s30 =	sadd.s32 $0x8180, s3  }
0xcc: {  	[hbm4b:s30+s6] =	stream.strided.scatter [tilespmem:s31], [sflag:$0x1], $0x400, s10, s6, $0x38;
	[tilespmem:$0xA000] =	vst v63  }
0xcd: {  	s24 =	sadd.s32 $0x8200, s3  }
0xce: {  	[hbm4b:s24+s6] =	stream.strided.scatter [tilespmem:s0], [sflag:$0x1], $0x400, s10, s6, $0x38;
	[tilespmem:$0xA000] =	vst v63  }
0xcf: {  	s25 =	sadd.s32 $0x8280, s3  }
0xd0: {  	[hbm4b:s25+s6] =	stream.strided.scatter [tilespmem:s1], [sflag:$0x1], $0x400, s10, s6, $0x38;
	[tilespmem:$0xA000] =	vst v63  }
0xd1: {  	s26 =	sadd.s32 $0x8300, s3  }
0xd2: {  	[hbm4b:s26+s6] =	stream.strided.scatter [tilespmem:s7], [sflag:$0x1], $0x400, s10, s6, $0x38;
	[tilespmem:$0xA000] =	vst v63  }
0xd3: {  	s28 =	sadd.s32 $0x8380, s3  }
0xd4: {  	[hbm4b:s28+s6] =	stream.strided.scatter [tilespmem:s12], [sflag:$0x1], $0x400, s10, s6, $0x38;
	[tilespmem:$0xA000] =	vst v63  }
0xd5: {  	s29 =	sadd.s32 $0xC000, s3  }
0xd6: {  	[hbm4b:s29+s6] =	stream.strided.scatter [tilespmem:s14], [sflag:$0x1], $0x380, s10, s6, $0x38;
	[tilespmem:$0xA000] =	vst v63  }
0xd7: {  	s30 =	sadd.s32 $0xC080, s3  }
0xd8: {  	[hbm4b:s30+s6] =	stream.strided.scatter [tilespmem:s15], [sflag:$0x1], $0x380, s10, s6, $0x38;
	[tilespmem:$0xA000] =	vst v63  }
0xd9: {  	s24 =	sadd.s32 $0xC100, s3  }
0xda: {  	[hbm4b:s24+s6] =	stream.strided.scatter [tilespmem:s16], [sflag:$0x1], $0x380, s10, s6, $0x38;
	[tilespmem:$0xA000] =	vst v63  }
0xdb: {  	s25 =	sadd.s32 $0xC180, s3  }
0xdc: {  	[hbm4b:s25+s6] =	stream.strided.scatter [tilespmem:s17], [sflag:$0x1], $0x380, s10, s6, $0x38;
	[tilespmem:$0xA000] =	vst v63  }
0xdd: {  	s26 =	sadd.s32 $0xC200, s3  }
0xde: {  	[hbm4b:s26+s6] =	stream.strided.scatter [tilespmem:s18], [sflag:$0x1], $0x380, s10, s6, $0x38;
	[tilespmem:$0xA000] =	vst v63  }
0xdf: {  	s22 =	sadd.s32 $0x1, s22;
	s28 =	sadd.s32 $0xC280, s3  }
0xe0: {  	[hbm4b:s28+s6] =	stream.strided.scatter [tilespmem:s19], [sflag:$0x1], $0x380, s10, s6, $0x38;
	[tilespmem:$0xA000] =	vst v63  }
0xe1: {  	p0 =	sne.s32 s22, s5;
	s29 =	sadd.s32 $0xC300, s3  }
0xe2: {  	[hbm4b:s29+s6] =	stream.strided.scatter [tilespmem:s20], [sflag:$0x1], $0x380, s10, s6, $0x38;
	[tilespmem:$0xA000] =	vst v63  }
.Ltmp3:
0xe3: {  	s30 =	sadd.s32 $0xC380, s3;
	(pc) =	sbr.rel @p0 .LBB2_2-.Ltmp3, $4  }
0xe4: {  	[hbm4b:s30+s6] =	stream.strided.scatter [tilespmem:s21], [sflag:$0x1], $0x380, s10, s6, $0x38;
	[tilespmem:$0xA000] =	vst v63  }
0xe5: {  	_ =	swait.ge [sflag:s8], $0x7C00  }
0xe6: {  	[sflag:s8] =	ssyncset.done $0x0  }
0xe7: {  	[sflag:s8] =	ssyncadd.s32 $0xFFFF8400  }
.LBB2_7:
0xe8: {  	_ =	sfence.sel $0x180000  }
0xe9: {  	[bflag:$0x0] =	sbarrier.arrive $0xFFFF  }
0xea: {  	_ =	strace $0x90000047  }
0xeb: {  	s0 =	stileid.u32;
	[bflag:$0x2] =	sbarrier.arrive $0xFFFF  }
0xec: {  	p0 =	sne.s32 s0, $0x0;
	s0 =	rddreg [dreg:$0x1]  }
0xed: {  	s0 =	sadd.s32 @!p0 $0x100000, s0  }
0xee: {  	[sflag:s0] =	ssyncadd.tile.s32 @!p0 $0x1;
	_ =	shalt  }
.Lfunc_end2:
_tile_overlayer_lowered:
.L_overlay_start_2:
0xef: {  	(tag) =	ssettag $0x2  }
0xf0: {  	s0 =	rddreg [dreg:$0x0];
	s2 =	stileid.u32  }
0xf1: {  	s1 =	rddreg [dreg:$0x1];
	p0 =	sne.s32 s2, $0x0  }
0xf2: {  	s3 =	rddreg [dreg:$0x2];
	[bflag:$0x3] =	sbarrier.arrive $0xFFFF;
	s2 =	simm.s32 @!p0 $0x1C01  }
0xf3: {  	[timem:s3], [sflag:s2] =	dma.local @!p0 [hbm:s0], s1  }
0xf4: {  	s0 =	simm.s32 @!p0 $0x1  }
0xf5: {  	_ =	swait.ge @!p0 [sflag:s0], s1  }
0xf6: {  	s1 =	ssub.s32 @!p0 $0x0, s1;
	[sflag:s0] =	ssyncset.done @!p0 $0x0  }
0xf7: {  	[sflag:s0] =	ssyncadd.s32 @!p0 s1  }
0xf8: {  	[bflag:$0x3] =	sbarrier.arrive $0xFFFF  }
0xf9: {  	_ =	shalt  }

</sc_bundles>
